<compile_context>
chip_gen: v7x
topology: tpu7x:2x2x1
jax: 0.10.2.dev20260603
libtpu: 0.0.44.dev20260713+nightly
codegen_flags: <defaults>
</compile_context>

<pallas_src>
import functools

import jax
import jax.numpy as jnp
import numpy as np
from jax import lax
from jax.experimental import pallas as pl
from jax.experimental.pallas import tpu as pltpu
from jax.experimental.pallas import tpu_sc as plsc

N = 10000
E = 320000
D = 128
O = 128
R = 8

NC = 2
NS = 16
NW = NC * NS
EPT = E // NW
CH = 80
NCH = EPT // CH
NBUF = 3
GA = 2
LANES = 16

ROWS_A = 624
ROWS_LAST = N - (NS - 1) * ROWS_A

BN = 2000
NB = N // BN
EROW = E // 128

_LO = (np.arange(O // 32)[:, None] * 32 + np.arange(LANES)[None, :]).ravel()
_PERM = np.concatenate([_LO, _LO + 16])


def _dense_body(h_ref, x_ref, et_ref, src_ref, wrel_ref, wroot_ref,
                wskip_ref, bias_ref, bskip_ref, hrel_ref, base_ref, idx_ref):
    nb = pl.program_id(0)
    r = pl.program_id(1)
    hblk = h_ref[...]
    m = jnp.dot(hblk, wrel_ref[0], preferred_element_type=jnp.float32)
    a16 = lax.bitcast_convert_type(m[:, :O // 2].astype(jnp.bfloat16),
                                   jnp.uint16).astype(jnp.int32)
    b16 = lax.bitcast_convert_type(m[:, O // 2:].astype(jnp.bfloat16),
                                   jnp.uint16).astype(jnp.int32)
    hrel_ref[...] = a16 | (b16 << 16)

    @pl.when(r == 0)
    def _():
        skip = lax.dot_general(x_ref[...], wskip_ref[...],
                               (((1,), (1,)), ((), ())),
                               preferred_element_type=jnp.float32)
        root = jnp.dot(hblk, wroot_ref[...],
                       preferred_element_type=jnp.float32)
        base_ref[...] = skip + root + bias_ref[...] + bskip_ref[...]

    @pl.when((r == 0) & (nb == 0))
    def _():
        idx_ref[...] = et_ref[...] * N + src_ref[...]


_dense = pl.pallas_call(
    _dense_body,
    grid=(NB, R),
    in_specs=[
        pl.BlockSpec((BN, D), lambda nb, r: (nb, 0)),
        pl.BlockSpec((BN, D), lambda nb, r: (nb, 0)),
        pl.BlockSpec((EROW, 128), lambda nb, r: (0, 0)),
        pl.BlockSpec((EROW, 128), lambda nb, r: (0, 0)),
        pl.BlockSpec((1, D, O), lambda nb, r: (r, 0, 0)),
        pl.BlockSpec((D, O), lambda nb, r: (0, 0)),
        pl.BlockSpec((O, D), lambda nb, r: (0, 0)),
        pl.BlockSpec((1, O), lambda nb, r: (0, 0)),
        pl.BlockSpec((1, O), lambda nb, r: (0, 0)),
    ],
    out_specs=[
        pl.BlockSpec((BN, O // 2), lambda nb, r: (r * NB + nb, 0)),
        pl.BlockSpec((BN, O), lambda nb, r: (nb, 0)),
        pl.BlockSpec((EROW, 128), lambda nb, r: (0, 0)),
    ],
    out_shape=[
        jax.ShapeDtypeStruct((R * N, O // 2), jnp.int32),
        jax.ShapeDtypeStruct((N, O), jnp.float32),
        jax.ShapeDtypeStruct((EROW, 128), jnp.int32),
    ],
)


def _sc_edges_body(idx_hbm, ew_hbm, dst_hbm, hrel_hbm, zeros_hbm,
                   out_hbm, idx_v, w_v, dstb_v, rows_bf, rows_f, acc_s,
                   gsem, ssem, dsem):
    c = lax.axis_index("c")
    s = lax.axis_index("s")
    wid = c * NS + s

    @pl.when(s < NS - 1)
    def _():
        pltpu.sync_copy(zeros_hbm.at[pl.ds(s * ROWS_A, ROWS_A)],
                        acc_s.at[pl.ds(s * ROWS_A, ROWS_A)])

    @pl.when(s == NS - 1)
    def _():
        pltpu.sync_copy(zeros_hbm.at[pl.ds((NS - 1) * ROWS_A, ROWS_LAST)],
                        acc_s.at[pl.ds((NS - 1) * ROWS_A, ROWS_LAST)])

    ebase = wid * EPT
    pltpu.sync_copy(idx_hbm.at[pl.ds(ebase, EPT)], idx_v)
    pltpu.sync_copy(ew_hbm.at[pl.ds(ebase, EPT)], w_v)

    plsc.subcore_barrier()

    pltpu.async_copy(dst_hbm.at[pl.ds(ebase, CH)], dstb_v.at[0], dsem)

    def chunk(k, carry):
        cb = k * CH
        pltpu.async_copy(hrel_hbm.at[idx_v.at[pl.ds(cb, CH)]],
                         rows_bf, gsem).wait()

        def scale(g, carry2):
            wv = w_v[pl.ds(cb + g * LANES, LANES)]
            for j in range(LANES):
                e = g * LANES + j
                w = wv[j]
                for gw in range(O // 32):
                    v = rows_bf[e, pl.ds(gw * LANES, LANES)]
                    lo = lax.bitcast_convert_type(v << 16, jnp.float32)
                    hi = lax.bitcast_convert_type(v & jnp.int32(-65536),
                                                  jnp.float32)
                    rows_f[e, pl.ds(gw * 32, LANES)] = lo * w
                    rows_f[e, pl.ds(gw * 32 + LANES, LANES)] = hi * w
            return carry2

        lax.fori_loop(0, CH // LANES, scale, 0)

        pltpu.make_async_copy(dst_hbm.at[pl.ds(0, CH)],
                              dstb_v.at[0], dsem).wait()
        pltpu.async_copy(rows_f, acc_s.at[dstb_v.at[0]], ssem,
                         add=True).wait()

        @pl.when(k + 1 < NCH)
        def _():
            pltpu.async_copy(dst_hbm.at[pl.ds(ebase + (k + 1) * CH, CH)],
                             dstb_v.at[0], dsem)

        return carry

    lax.fori_loop(0, NCH, chunk, 0)

    plsc.subcore_barrier()

    @pl.when(s < NS - 1)
    def _():
        pltpu.sync_copy(acc_s.at[pl.ds(s * ROWS_A, ROWS_A)],
                        out_hbm.at[c, pl.ds(s * ROWS_A, ROWS_A)])

    @pl.when(s == NS - 1)
    def _():
        pltpu.sync_copy(acc_s.at[pl.ds((NS - 1) * ROWS_A, ROWS_LAST)],
                        out_hbm.at[c, pl.ds((NS - 1) * ROWS_A, ROWS_LAST)])


_sc_edges = functools.partial(
    pl.kernel,
    mesh=plsc.VectorSubcoreMesh(core_axis_name="c", subcore_axis_name="s"),
    compiler_params=pltpu.CompilerParams(use_tc_tiling_on_sc=False),
    out_type=jax.ShapeDtypeStruct((NC, N, O), jnp.float32),
    scratch_types=[
        pltpu.VMEM((EPT,), jnp.int32),
        pltpu.VMEM((EPT,), jnp.float32),
        pltpu.VMEM((1, CH), jnp.int32),
        pltpu.VMEM((CH, O // 2), jnp.int32),
        pltpu.VMEM((CH, O), jnp.float32),
        pltpu.VMEM_SHARED((N, O), jnp.float32),
        pltpu.SemaphoreType.DMA,
        pltpu.SemaphoreType.DMA,
        pltpu.SemaphoreType.DMA,
    ],
)(_sc_edges_body)


def _combine_body(p0_ref, p1_ref, base_ref, out_ref):
    out_ref[...] = p0_ref[...] + p1_ref[...] + base_ref[...]


_combine = pl.pallas_call(
    _combine_body,
    grid=(NB,),
    in_specs=[pl.BlockSpec((BN, O), lambda nb: (nb, 0))] * 3,
    out_specs=pl.BlockSpec((BN, O), lambda nb: (nb, 0)),
    out_shape=jax.ShapeDtypeStruct((N, O), jnp.float32),
)


def kernel(x, h, edge_index, edge_type, edge_weight, W_rel, W_root, bias,
           W_skip, b_skip):
    src = edge_index[0].reshape(EROW, 128)
    et = edge_type.reshape(EROW, 128)
    zeros = jnp.zeros((N, O), jnp.float32)

    W_rel_shuf = W_rel[:, :, _PERM]
    hrel, base, idx = _dense(h, x, et, src, W_rel_shuf, W_root, W_skip,
                             bias.reshape(1, O), b_skip.reshape(1, O))
    partials = _sc_edges(idx.reshape(E), edge_weight, edge_index[1],
                         hrel, zeros)
    return _combine(partials[0], partials[1], base)

# --- scband reference (transcript-rebuilt; emitter-appended) ---
"""Pipeline reference for scband-rgcnlayer-with-skip-28243704938827 (READ-ONLY COPY).

The authoritative reference and input builder live on the scoring server;
editing this copy changes nothing except your own understanding.
"""

import jax, jax.numpy as jnp
import numpy as np

N = 10000
E = 320000
D = 128
O = 128
R = 8


def setup_inputs(seed: int = 0) -> dict:
    key = jax.random.key(seed)
    ks = jax.random.split(key, 10)
    x = jax.random.normal(ks[0], (N, D), dtype=jnp.float32)
    h = jax.random.normal(ks[1], (N, D), dtype=jnp.float32)
    edge_index = jax.random.randint(ks[2], (2, E), 0, N, dtype=jnp.int32)
    edge_type = jax.random.randint(ks[3], (E,), 0, R, dtype=jnp.int32)
    edge_weight = jax.random.uniform(ks[4], (E,), dtype=jnp.float32)
    # Learned parameters
    W_rel = jax.random.normal(ks[5], (R, D, O), dtype=jnp.float32) * (1.0 / np.sqrt(D))
    W_root = jax.random.normal(ks[6], (D, O), dtype=jnp.float32) * (1.0 / np.sqrt(D))
    bias = jnp.zeros((O,), dtype=jnp.float32)
    W_skip = jax.random.normal(ks[7], (O, D), dtype=jnp.float32) * (1.0 / np.sqrt(D))
    b_skip = jnp.zeros((O,), dtype=jnp.float32)
    return {
        'x': x,
        'h': h,
        'edge_index': edge_index,
        'edge_type': edge_type,
        'edge_weight': edge_weight,
        'W_rel': W_rel,
        'W_root': W_root,
        'bias': bias,
        'W_skip': W_skip,
        'b_skip': b_skip,
    }


def reference(x, h, edge_index, edge_type, edge_weight, W_rel, W_root, bias, W_skip, b_skip):
    # skip = Linear(skip_in_channels -> out_channels)(x)
    skip = x @ W_skip.T + b_skip
    src = edge_index[0]
    dst = edge_index[1]
    # Weighted RGCN conv: per-relation transform of node features,
    # then gather transformed features per edge by (relation, src),
    # scale by edge_weight, scatter-add into dst.
    h_rel = jnp.einsum('nd,rdo->rno', h, W_rel)  # [R, N, O]
    msgs = h_rel[edge_type, src] * edge_weight[:, None]  # [E, O]
    agg = jax.ops.segment_sum(msgs, dst, num_segments=N)  # [N, O]
    out = agg + h @ W_root + bias
    return out + skip

if __name__ == "__main__":
    import jax
    _d = setup_inputs()
    print(jax.jit(kernel)(*tuple(_d.values())))

</pallas_src>

<mosaic_0001>
#map = affine_map<(d0, d1) -> (0)>
#map1 = affine_map<(d0, d1) -> (0, 0)>
#map2 = affine_map<(d0, d1) -> (0, 0, 0)>
module attributes {stable_mosaic.version = 14 : i64} {
  func.func @_sc_edges_body(%arg0: i32, %arg1: i32, %arg2: memref<320000xi32, #tpu.memory_space<hbm>>, %arg3: memref<320000xf32, #tpu.memory_space<hbm>>, %arg4: memref<320000xi32, #tpu.memory_space<hbm>>, %arg5: memref<80000x64xi32, #tpu.memory_space<hbm>>, %arg6: memref<10000x128xf32, #tpu.memory_space<hbm>>, %arg7: memref<2x10000x128xf32, #tpu.memory_space<hbm>>, %arg8: memref<10000xi32, #tpu.memory_space<vmem>>, %arg9: memref<10000xf32, #tpu.memory_space<vmem>>, %arg10: memref<1x80xi32, #tpu.memory_space<vmem>>, %arg11: memref<80x64xi32, #tpu.memory_space<vmem>>, %arg12: memref<80x128xf32, #tpu.memory_space<vmem>>, %arg13: memref<10000x128xf32, #tpu.memory_space<vmem_shared>>, %arg14: memref<!tpu.dma_semaphore, #tpu.memory_space<semaphore_mem>>, %arg15: memref<!tpu.dma_semaphore, #tpu.memory_space<semaphore_mem>>, %arg16: memref<!tpu.dma_semaphore, #tpu.memory_space<semaphore_mem>>) attributes {dimension_semantics = [#tpu.dimension_semantics<core_parallel>, #tpu.dimension_semantics<subcore_parallel>], iteration_bounds = array<i64: 2, 16>, scalar_prefetch = 0 : i64, scratch_operands = 9 : i64, tpu.core_type = #tpu.core_type<sc_vector_subcore>, window_params = [{transform_indices = #map}, {transform_indices = #map}, {transform_indices = #map}, {transform_indices = #map1}, {transform_indices = #map1}, {transform_indices = #map2}]} {
    %mul3A = arith.constant 16 : i32
    %mul3A_0 = arith.muli %arg0, %mul3A : i32
    %add3A = arith.addi %mul3A_0, %arg1 : i32
    %lt3A = arith.constant 15 : i32
    %lt3A_1 = arith.cmpi slt, %arg1, %lt3A : i32
    %convert_element_type3A = arith.extui %lt3A_1 : i1 to i32
    %cond3A = arith.constant 0 : i32
    %cond3A_2 = arith.cmpi ne, %convert_element_type3A, %cond3A : i32
    scf.if %cond3A_2 {
      %mul3A_33 = arith.constant 624 : i32
      %mul3A_34 = arith.muli %arg1, %mul3A_33 : i32
      %mul3A_35 = arith.constant 624 : i32
      %mul3A_36 = arith.muli %arg1, %mul3A_35 : i32
      "tpu.region"() ({
        %run_scoped3A = tpu.sem_alloc : memref<!tpu.dma_semaphore, #tpu.memory_space<semaphore_mem>>
        %dma_start3A_37 = arith.constant 0 : i32
        %dma_start3A_38 = tpu.memref_slice %arg13[%mul3A_36, %dma_start3A_37] : memref<10000x128xf32, #tpu.memory_space<vmem_shared>> -> memref<624x128xf32, #tpu.memory_space<vmem_shared>>
        %dma_start3A_39 = arith.constant 0 : i32
        %dma_start3A_40 = tpu.memref_slice %arg6[%mul3A_34, %dma_start3A_39] : memref<10000x128xf32, #tpu.memory_space<hbm>> -> memref<624x128xf32, #tpu.memory_space<hbm>>
        tpu.enqueue_dma source(%dma_start3A_40 : memref<624x128xf32, #tpu.memory_space<hbm>>) target(%dma_start3A_38 : memref<624x128xf32, #tpu.memory_space<vmem_shared>>) target_semaphore(%run_scoped3A : memref<!tpu.dma_semaphore, #tpu.memory_space<semaphore_mem>>)
        %dma_wait3A = arith.constant 0 : i32
        %dma_wait3A_41 = tpu.memref_slice %arg13[%mul3A_36, %dma_wait3A] : memref<10000x128xf32, #tpu.memory_space<vmem_shared>> -> memref<624x128xf32, #tpu.memory_space<vmem_shared>>
        %dma_wait3A_42 = arith.constant 0 : i32
        %dma_wait3A_43 = tpu.memref_slice %arg6[%mul3A_34, %dma_wait3A_42] : memref<10000x128xf32, #tpu.memory_space<hbm>> -> memref<624x128xf32, #tpu.memory_space<hbm>>
        tpu.wait_dma2 semaphore(%run_scoped3A : memref<!tpu.dma_semaphore, #tpu.memory_space<semaphore_mem>>) src(%dma_wait3A_43 : memref<624x128xf32, #tpu.memory_space<hbm>>) dst(%dma_wait3A_41 : memref<624x128xf32, #tpu.memory_space<vmem_shared>>)
        tpu.yield
      }) : () -> ()
    } else {
    }
    %eq3A = arith.constant 15 : i32
    %eq3A_3 = arith.cmpi eq, %arg1, %eq3A : i32
    %convert_element_type3A_4 = arith.extui %eq3A_3 : i1 to i32
    %cond3A_5 = arith.constant 0 : i32
    %cond3A_6 = arith.cmpi ne, %convert_element_type3A_4, %cond3A_5 : i32
    scf.if %cond3A_6 {
      "tpu.region"() ({
        %run_scoped3A = tpu.sem_alloc : memref<!tpu.dma_semaphore, #tpu.memory_space<semaphore_mem>>
        %dma_start3A_33 = arith.constant 9360 : i32
        %dma_start3A_34 = arith.constant 0 : i32
        %dma_start3A_35 = tpu.memref_slice %arg13[%dma_start3A_33, %dma_start3A_34] : memref<10000x128xf32, #tpu.memory_space<vmem_shared>> -> memref<640x128xf32, #tpu.memory_space<vmem_shared>>
        %dma_start3A_36 = arith.constant 9360 : i32
        %dma_start3A_37 = arith.constant 0 : i32
        %dma_start3A_38 = tpu.memref_slice %arg6[%dma_start3A_36, %dma_start3A_37] : memref<10000x128xf32, #tpu.memory_space<hbm>> -> memref<640x128xf32, #tpu.memory_space<hbm>>
        tpu.enqueue_dma source(%dma_start3A_38 : memref<640x128xf32, #tpu.memory_space<hbm>>) target(%dma_start3A_35 : memref<640x128xf32, #tpu.memory_space<vmem_shared>>) target_semaphore(%run_scoped3A : memref<!tpu.dma_semaphore, #tpu.memory_space<semaphore_mem>>)
        %dma_wait3A = arith.constant 9360 : i32
        %dma_wait3A_39 = arith.constant 0 : i32
        %dma_wait3A_40 = tpu.memref_slice %arg13[%dma_wait3A, %dma_wait3A_39] : memref<10000x128xf32, #tpu.memory_space<vmem_shared>> -> memref<640x128xf32, #tpu.memory_space<vmem_shared>>
        %dma_wait3A_41 = arith.constant 9360 : i32
        %dma_wait3A_42 = arith.constant 0 : i32
        %dma_wait3A_43 = tpu.memref_slice %arg6[%dma_wait3A_41, %dma_wait3A_42] : memref<10000x128xf32, #tpu.memory_space<hbm>> -> memref<640x128xf32, #tpu.memory_space<hbm>>
        tpu.wait_dma2 semaphore(%run_scoped3A : memref<!tpu.dma_semaphore, #tpu.memory_space<semaphore_mem>>) src(%dma_wait3A_43 : memref<640x128xf32, #tpu.memory_space<hbm>>) dst(%dma_wait3A_40 : memref<640x128xf32, #tpu.memory_space<vmem_shared>>)
        tpu.yield
      }) : () -> ()
    } else {
    }
    %mul3A_7 = arith.constant 10000 : i32
    %mul3A_8 = arith.muli %add3A, %mul3A_7 : i32
    "tpu.region"() ({
      %run_scoped3A = tpu.sem_alloc : memref<!tpu.dma_semaphore, #tpu.memory_space<semaphore_mem>>
      %dma_start3A_33 = tpu.memref_slice %arg2[%mul3A_8] : memref<320000xi32, #tpu.memory_space<hbm>> -> memref<10000xi32, #tpu.memory_space<hbm>>
      %dma_start3A_34 = tpu.memref_slice %arg2[%mul3A_8] : memref<320000xi32, #tpu.memory_space<hbm>> -> memref<10000xi32, #tpu.memory_space<hbm>>
      tpu.enqueue_dma source(%dma_start3A_34 : memref<10000xi32, #tpu.memory_space<hbm>>) target(%arg8 : memref<10000xi32, #tpu.memory_space<vmem>>) target_semaphore(%run_scoped3A : memref<!tpu.dma_semaphore, #tpu.memory_space<semaphore_mem>>)
      %dma_wait3A = tpu.memref_slice %arg2[%mul3A_8] : memref<320000xi32, #tpu.memory_space<hbm>> -> memref<10000xi32, #tpu.memory_space<hbm>>
      %dma_wait3A_35 = tpu.memref_slice %arg2[%mul3A_8] : memref<320000xi32, #tpu.memory_space<hbm>> -> memref<10000xi32, #tpu.memory_space<hbm>>
      tpu.wait_dma2 semaphore(%run_scoped3A : memref<!tpu.dma_semaphore, #tpu.memory_space<semaphore_mem>>) src(%dma_wait3A_35 : memref<10000xi32, #tpu.memory_space<hbm>>) dst(%arg8 : memref<10000xi32, #tpu.memory_space<vmem>>)
      tpu.yield
    }) : () -> ()
    "tpu.region"() ({
      %run_scoped3A = tpu.sem_alloc : memref<!tpu.dma_semaphore, #tpu.memory_space<semaphore_mem>>
      %dma_start3A_33 = tpu.memref_slice %arg3[%mul3A_8] : memref<320000xf32, #tpu.memory_space<hbm>> -> memref<10000xf32, #tpu.memory_space<hbm>>
      %dma_start3A_34 = tpu.memref_slice %arg3[%mul3A_8] : memref<320000xf32, #tpu.memory_space<hbm>> -> memref<10000xf32, #tpu.memory_space<hbm>>
      tpu.enqueue_dma source(%dma_start3A_34 : memref<10000xf32, #tpu.memory_space<hbm>>) target(%arg9 : memref<10000xf32, #tpu.memory_space<vmem>>) target_semaphore(%run_scoped3A : memref<!tpu.dma_semaphore, #tpu.memory_space<semaphore_mem>>)
      %dma_wait3A = tpu.memref_slice %arg3[%mul3A_8] : memref<320000xf32, #tpu.memory_space<hbm>> -> memref<10000xf32, #tpu.memory_space<hbm>>
      %dma_wait3A_35 = tpu.memref_slice %arg3[%mul3A_8] : memref<320000xf32, #tpu.memory_space<hbm>> -> memref<10000xf32, #tpu.memory_space<hbm>>
      tpu.wait_dma2 semaphore(%run_scoped3A : memref<!tpu.dma_semaphore, #tpu.memory_space<semaphore_mem>>) src(%dma_wait3A_35 : memref<10000xf32, #tpu.memory_space<hbm>>) dst(%arg9 : memref<10000xf32, #tpu.memory_space<vmem>>)
      tpu.yield
    }) : () -> ()
    %barrier3A = arith.constant 0 : index
    tpu.barrier barrier_id(%barrier3A)
    %dma_start3A = arith.constant 0 : i32
    %dma_start3A_9 = arith.constant 0 : i32
    %dma_start3A_10 = tpu.memref_slice %arg10[%dma_start3A, %dma_start3A_9] : memref<1x80xi32, #tpu.memory_space<vmem>> -> memref<1x80xi32, #tpu.memory_space<vmem>>
    %dma_start3A_11 = tpu.memref_squeeze %dma_start3A_10 : memref<1x80xi32, #tpu.memory_space<vmem>> -> memref<80xi32, #tpu.memory_space<vmem>>
    %dma_start3A_12 = tpu.memref_slice %arg4[%mul3A_8] : memref<320000xi32, #tpu.memory_space<hbm>> -> memref<80xi32, #tpu.memory_space<hbm>>
    %dma_start3A_13 = arith.constant 0 : i32
    %dma_start3A_14 = tpu.memref_slice %arg10[%dma_start3A, %dma_start3A_13] : memref<1x80xi32, #tpu.memory_space<vmem>> -> memref<1x80xi32, #tpu.memory_space<vmem>>
    %dma_start3A_15 = tpu.memref_squeeze %dma_start3A_14 : memref<1x80xi32, #tpu.memory_space<vmem>> -> memref<80xi32, #tpu.memory_space<vmem>>
    %dma_start3A_16 = tpu.memref_slice %arg4[%mul3A_8] : memref<320000xi32, #tpu.memory_space<hbm>> -> memref<80xi32, #tpu.memory_space<hbm>>
    tpu.enqueue_dma source(%dma_start3A_16 : memref<80xi32, #tpu.memory_space<hbm>>) target(%dma_start3A_15 : memref<80xi32, #tpu.memory_space<vmem>>) target_semaphore(%arg16 : memref<!tpu.dma_semaphore, #tpu.memory_space<semaphore_mem>>)
    %scan3A = arith.constant 0 : i32
    %scan3A_17 = arith.constant 0 : i32
    %scan3A_18 = arith.constant 125 : i32
    %scan3A_19 = arith.addi %scan3A_17, %scan3A_18 : i32
    %scan3A_20 = arith.constant 1 : i32
    scf.for %scan3A_33 = %scan3A_17 to %scan3A_19 step %scan3A_20  : i32 {
      %mul3A_34 = arith.constant 80 : i32
      %mul3A_35 = arith.muli %scan3A_33, %mul3A_34 : i32
      %dma_start3A_36 = tpu.memref_slice %arg8[%mul3A_35] : memref<10000xi32, #tpu.memory_space<vmem>> -> memref<80xi32, #tpu.memory_space<vmem>>
      %dma_start3A_37 = arith.constant 0 : i32
      %dma_start3A_38 = arith.constant 0 : i32
      %dma_start3A_39 = tpu.memref_slice %arg5[%dma_start3A_37, %dma_start3A_38] : memref<80000x64xi32, #tpu.memory_space<hbm>> -> memref<80000x64xi32, #tpu.memory_space<hbm>>
      tpu.enqueue_indirect_dma source(%dma_start3A_39 : memref<80000x64xi32, #tpu.memory_space<hbm>>) target(%arg11 : memref<80x64xi32, #tpu.memory_space<vmem>>) offsets(%dma_start3A_36 : memref<80xi32, #tpu.memory_space<vmem>>) semaphore(%arg14 : memref<!tpu.dma_semaphore, #tpu.memory_space<semaphore_mem>>)
      %dma_wait3A = tpu.memref_slice %arg8[%mul3A_35] : memref<10000xi32, #tpu.memory_space<vmem>> -> memref<80xi32, #tpu.memory_space<vmem>>
      %dma_wait3A_40 = arith.constant 0 : i32
      %dma_wait3A_41 = arith.constant 0 : i32
      %dma_wait3A_42 = tpu.memref_slice %arg5[%dma_wait3A_40, %dma_wait3A_41] : memref<80000x64xi32, #tpu.memory_space<hbm>> -> memref<80000x64xi32, #tpu.memory_space<hbm>>
      tpu.wait_indirect_dma semaphore(%arg14 : memref<!tpu.dma_semaphore, #tpu.memory_space<semaphore_mem>>) src(%dma_wait3A_42 : memref<80000x64xi32, #tpu.memory_space<hbm>>) dst(%arg11 : memref<80x64xi32, #tpu.memory_space<vmem>>)
      %scan3A_43 = arith.constant 0 : i32
      %scan3A_44 = arith.constant 0 : i32
      %scan3A_45 = arith.constant 5 : i32
      %scan3A_46 = arith.addi %scan3A_44, %scan3A_45 : i32
      %scan3A_47 = arith.constant 1 : i32
      scf.for %scan3A_81 = %scan3A_44 to %scan3A_46 step %scan3A_47  : i32 {
        %mul3A_82 = arith.constant 16 : i32
        %mul3A_83 = arith.muli %scan3A_81, %mul3A_82 : i32
        %add3A_84 = arith.addi %mul3A_35, %mul3A_83 : i32
        %get3A = arith.index_cast %add3A_84 : i32 to index
        %get3A_85 = tpu.vector_load %arg9[%get3A] {strides = array<i32>} : memref<10000xf32, #tpu.memory_space<vmem>>, vector<16xf32>,
        %get3A_86 = vector.shape_cast %get3A_85 : vector<16xf32> to vector<16xf32>
        %mul3A_87 = arith.constant 16 : i32
        %mul3A_88 = arith.muli %scan3A_81, %mul3A_87 : i32
        %add3A_89 = arith.constant 0 : i32
        %add3A_90 = arith.addi %mul3A_88, %add3A_89 : i32
        %slice3A = vector.extract_strided_slice %get3A_86 {offsets = [0], sizes = [1], strides = [1]} : vector<16xf32> to vector<1xf32>
        %squeeze3A = vector.extract %slice3A[0] : f32 from vector<1xf32>
        %get3A_91 = arith.index_cast %add3A_90 : i32 to index
        %get3A_92 = arith.constant 0 : index
        %get3A_93 = tpu.vector_load %arg11[%get3A_91, %get3A_92] {strides = array<i32>} : memref<80x64xi32, #tpu.memory_space<vmem>>, vector<1x16xi32>,
        %get3A_94 = vector.shape_cast %get3A_93 : vector<1x16xi32> to vector<16xi32>
        %shift_left3A = arith.constant 16 : i32
        %shift_left3A_95 = vector.broadcast %shift_left3A : i32 to vector<16xi32>
        %shift_left3A_96 = arith.shli %get3A_94, %shift_left3A_95 : vector<16xi32>
        %bitcast_convert_type3A = tpu.bitcast %shift_left3A_96 : vector<16xi32> -> vector<16xf32>
        %and3A = arith.constant -65536 : i32
        %and3A_97 = vector.broadcast %and3A : i32 to vector<16xi32>
        %and3A_98 = arith.andi %get3A_94, %and3A_97 : vector<16xi32>
        %bitcast_convert_type3A_99 = tpu.bitcast %and3A_98 : vector<16xi32> -> vector<16xf32>
        %mul3A_100 = vector.broadcast %squeeze3A : f32 to vector<16xf32>
        %mul3A_101 = arith.mulf %bitcast_convert_type3A, %mul3A_100 : vector<16xf32>
        %swap3A = arith.index_cast %add3A_90 : i32 to index
        %swap3A_102 = arith.constant 0 : index
        %swap3A_103 = tpu.vector_load %arg12[%swap3A, %swap3A_102] {strides = array<i32>} : memref<80x128xf32, #tpu.memory_space<vmem>>, vector<1x16xf32>,
        %swap3A_104 = vector.shape_cast %swap3A_103 : vector<1x16xf32> to vector<16xf32>
        %swap3A_105 = vector.shape_cast %mul3A_101 : vector<16xf32> to vector<1x16xf32>
        tpu.vector_store %arg12[%swap3A, %swap3A_102], %swap3A_105 {strides = array<i32>} : memref<80x128xf32, #tpu.memory_space<vmem>>, vector<1x16xf32>,
        %mul3A_106 = vector.broadcast %squeeze3A : f32 to vector<16xf32>
        %mul3A_107 = arith.mulf %bitcast_convert_type3A_99, %mul3A_106 : vector<16xf32>
        %swap3A_108 = arith.index_cast %add3A_90 : i32 to index
        %swap3A_109 = arith.constant 16 : index
        %swap3A_110 = tpu.vector_load %arg12[%swap3A_108, %swap3A_109] {strides = array<i32>} : memref<80x128xf32, #tpu.memory_space<vmem>>, vector<1x16xf32>,
        %swap3A_111 = vector.shape_cast %swap3A_110 : vector<1x16xf32> to vector<16xf32>
        %swap3A_112 = vector.shape_cast %mul3A_107 : vector<16xf32> to vector<1x16xf32>
        tpu.vector_store %arg12[%swap3A_108, %swap3A_109], %swap3A_112 {strides = array<i32>} : memref<80x128xf32, #tpu.memory_space<vmem>>, vector<1x16xf32>,
        %get3A_113 = arith.index_cast %add3A_90 : i32 to index
        %get3A_114 = arith.constant 16 : index
        %get3A_115 = tpu.vector_load %arg11[%get3A_113, %get3A_114] {strides = array<i32>} : memref<80x64xi32, #tpu.memory_space<vmem>>, vector<1x16xi32>,
        %get3A_116 = vector.shape_cast %get3A_115 : vector<1x16xi32> to vector<16xi32>
        %shift_left3A_117 = arith.constant 16 : i32
        %shift_left3A_118 = vector.broadcast %shift_left3A_117 : i32 to vector<16xi32>
        %shift_left3A_119 = arith.shli %get3A_116, %shift_left3A_118 : vector<16xi32>
        %bitcast_convert_type3A_120 = tpu.bitcast %shift_left3A_119 : vector<16xi32> -> vector<16xf32>
        %and3A_121 = arith.constant -65536 : i32
        %and3A_122 = vector.broadcast %and3A_121 : i32 to vector<16xi32>
        %and3A_123 = arith.andi %get3A_116, %and3A_122 : vector<16xi32>
        %bitcast_convert_type3A_124 = tpu.bitcast %and3A_123 : vector<16xi32> -> vector<16xf32>
        %mul3A_125 = vector.broadcast %squeeze3A : f32 to vector<16xf32>
        %mul3A_126 = arith.mulf %bitcast_convert_type3A_120, %mul3A_125 : vector<16xf32>
        %swap3A_127 = arith.index_cast %add3A_90 : i32 to index
        %swap3A_128 = arith.constant 32 : index
        %swap3A_129 = tpu.vector_load %arg12[%swap3A_127, %swap3A_128] {strides = array<i32>} : memref<80x128xf32, #tpu.memory_space<vmem>>, vector<1x16xf32>,
        %swap3A_130 = vector.shape_cast %swap3A_129 : vector<1x16xf32> to vector<16xf32>
        %swap3A_131 = vector.shape_cast %mul3A_126 : vector<16xf32> to vector<1x16xf32>
        tpu.vector_store %arg12[%swap3A_127, %swap3A_128], %swap3A_131 {strides = array<i32>} : memref<80x128xf32, #tpu.memory_space<vmem>>, vector<1x16xf32>,
        %mul3A_132 = vector.broadcast %squeeze3A : f32 to vector<16xf32>
        %mul3A_133 = arith.mulf %bitcast_convert_type3A_124, %mul3A_132 : vector<16xf32>
        %swap3A_134 = arith.index_cast %add3A_90 : i32 to index
        %swap3A_135 = arith.constant 48 : index
        %swap3A_136 = tpu.vector_load %arg12[%swap3A_134, %swap3A_135] {strides = array<i32>} : memref<80x128xf32, #tpu.memory_space<vmem>>, vector<1x16xf32>,
        %swap3A_137 = vector.shape_cast %swap3A_136 : vector<1x16xf32> to vector<16xf32>
        %swap3A_138 = vector.shape_cast %mul3A_133 : vector<16xf32> to vector<1x16xf32>
        tpu.vector_store %arg12[%swap3A_134, %swap3A_135], %swap3A_138 {strides = array<i32>} : memref<80x128xf32, #tpu.memory_space<vmem>>, vector<1x16xf32>,
        %get3A_139 = arith.index_cast %add3A_90 : i32 to index
        %get3A_140 = arith.constant 32 : index
        %get3A_141 = tpu.vector_load %arg11[%get3A_139, %get3A_140] {strides = array<i32>} : memref<80x64xi32, #tpu.memory_space<vmem>>, vector<1x16xi32>,
        %get3A_142 = vector.shape_cast %get3A_141 : vector<1x16xi32> to vector<16xi32>
        %shift_left3A_143 = arith.constant 16 : i32
        %shift_left3A_144 = vector.broadcast %shift_left3A_143 : i32 to vector<16xi32>
        %shift_left3A_145 = arith.shli %get3A_142, %shift_left3A_144 : vector<16xi32>
        %bitcast_convert_type3A_146 = tpu.bitcast %shift_left3A_145 : vector<16xi32> -> vector<16xf32>
        %and3A_147 = arith.constant -65536 : i32
        %and3A_148 = vector.broadcast %and3A_147 : i32 to vector<16xi32>
        %and3A_149 = arith.andi %get3A_142, %and3A_148 : vector<16xi32>
        %bitcast_convert_type3A_150 = tpu.bitcast %and3A_149 : vector<16xi32> -> vector<16xf32>
        %mul3A_151 = vector.broadcast %squeeze3A : f32 to vector<16xf32>
        %mul3A_152 = arith.mulf %bitcast_convert_type3A_146, %mul3A_151 : vector<16xf32>
        %swap3A_153 = arith.index_cast %add3A_90 : i32 to index
        %swap3A_154 = arith.constant 64 : index
        %swap3A_155 = tpu.vector_load %arg12[%swap3A_153, %swap3A_154] {strides = array<i32>} : memref<80x128xf32, #tpu.memory_space<vmem>>, vector<1x16xf32>,
        %swap3A_156 = vector.shape_cast %swap3A_155 : vector<1x16xf32> to vector<16xf32>
        %swap3A_157 = vector.shape_cast %mul3A_152 : vector<16xf32> to vector<1x16xf32>
        tpu.vector_store %arg12[%swap3A_153, %swap3A_154], %swap3A_157 {strides = array<i32>} : memref<80x128xf32, #tpu.memory_space<vmem>>, vector<1x16xf32>,
        %mul3A_158 = vector.broadcast %squeeze3A : f32 to vector<16xf32>
        %mul3A_159 = arith.mulf %bitcast_convert_type3A_150, %mul3A_158 : vector<16xf32>
        %swap3A_160 = arith.index_cast %add3A_90 : i32 to index
        %swap3A_161 = arith.constant 80 : index
        %swap3A_162 = tpu.vector_load %arg12[%swap3A_160, %swap3A_161] {strides = array<i32>} : memref<80x128xf32, #tpu.memory_space<vmem>>, vector<1x16xf32>,
        %swap3A_163 = vector.shape_cast %swap3A_162 : vector<1x16xf32> to vector<16xf32>
        %swap3A_164 = vector.shape_cast %mul3A_159 : vector<16xf32> to vector<1x16xf32>
        tpu.vector_store %arg12[%swap3A_160, %swap3A_161], %swap3A_164 {strides = array<i32>} : memref<80x128xf32, #tpu.memory_space<vmem>>, vector<1x16xf32>,
        %get3A_165 = arith.index_cast %add3A_90 : i32 to index
        %get3A_166 = arith.constant 48 : index
        %get3A_167 = tpu.vector_load %arg11[%get3A_165, %get3A_166] {strides = array<i32>} : memref<80x64xi32, #tpu.memory_space<vmem>>, vector<1x16xi32>,
        %get3A_168 = vector.shape_cast %get3A_167 : vector<1x16xi32> to vector<16xi32>
        %shift_left3A_169 = arith.constant 16 : i32
        %shift_left3A_170 = vector.broadcast %shift_left3A_169 : i32 to vector<16xi32>
        %shift_left3A_171 = arith.shli %get3A_168, %shift_left3A_170 : vector<16xi32>
        %bitcast_convert_type3A_172 = tpu.bitcast %shift_left3A_171 : vector<16xi32> -> vector<16xf32>
        %and3A_173 = arith.constant -65536 : i32
        %and3A_174 = vector.broadcast %and3A_173 : i32 to vector<16xi32>
        %and3A_175 = arith.andi %get3A_168, %and3A_174 : vector<16xi32>
        %bitcast_convert_type3A_176 = tpu.bitcast %and3A_175 : vector<16xi32> -> vector<16xf32>
        %mul3A_177 = vector.broadcast %squeeze3A : f32 to vector<16xf32>
        %mul3A_178 = arith.mulf %bitcast_convert_type3A_172, %mul3A_177 : vector<16xf32>
        %swap3A_179 = arith.index_cast %add3A_90 : i32 to index
        %swap3A_180 = arith.constant 96 : index
        %swap3A_181 = tpu.vector_load %arg12[%swap3A_179, %swap3A_180] {strides = array<i32>} : memref<80x128xf32, #tpu.memory_space<vmem>>, vector<1x16xf32>,
        %swap3A_182 = vector.shape_cast %swap3A_181 : vector<1x16xf32> to vector<16xf32>
        %swap3A_183 = vector.shape_cast %mul3A_178 : vector<16xf32> to vector<1x16xf32>
        tpu.vector_store %arg12[%swap3A_179, %swap3A_180], %swap3A_183 {strides = array<i32>} : memref<80x128xf32, #tpu.memory_space<vmem>>, vector<1x16xf32>,
        %mul3A_184 = vector.broadcast %squeeze3A : f32 to vector<16xf32>
        %mul3A_185 = arith.mulf %bitcast_convert_type3A_176, %mul3A_184 : vector<16xf32>
        %swap3A_186 = arith.index_cast %add3A_90 : i32 to index
        %swap3A_187 = arith.constant 112 : index
        %swap3A_188 = tpu.vector_load %arg12[%swap3A_186, %swap3A_187] {strides = array<i32>} : memref<80x128xf32, #tpu.memory_space<vmem>>, vector<1x16xf32>,
        %swap3A_189 = vector.shape_cast %swap3A_188 : vector<1x16xf32> to vector<16xf32>
        %swap3A_190 = vector.shape_cast %mul3A_185 : vector<16xf32> to vector<1x16xf32>
        tpu.vector_store %arg12[%swap3A_186, %swap3A_187], %swap3A_190 {strides = array<i32>} : memref<80x128xf32, #tpu.memory_space<vmem>>, vector<1x16xf32>,
        %mul3A_191 = arith.constant 16 : i32
        %mul3A_192 = arith.muli %scan3A_81, %mul3A_191 : i32
        %add3A_193 = arith.constant 1 : i32
        %add3A_194 = arith.addi %mul3A_192, %add3A_193 : i32
        %slice3A_195 = vector.extract_strided_slice %get3A_86 {offsets = [1], sizes = [1], strides = [1]} : vector<16xf32> to vector<1xf32>
        %squeeze3A_196 = vector.extract %slice3A_195[0] : f32 from vector<1xf32>
        %get3A_197 = arith.index_cast %add3A_194 : i32 to index
        %get3A_198 = arith.constant 0 : index
        %get3A_199 = tpu.vector_load %arg11[%get3A_197, %get3A_198] {strides = array<i32>} : memref<80x64xi32, #tpu.memory_space<vmem>>, vector<1x16xi32>,
        %get3A_200 = vector.shape_cast %get3A_199 : vector<1x16xi32> to vector<16xi32>
        %shift_left3A_201 = arith.constant 16 : i32
        %shift_left3A_202 = vector.broadcast %shift_left3A_201 : i32 to vector<16xi32>
        %shift_left3A_203 = arith.shli %get3A_200, %shift_left3A_202 : vector<16xi32>
        %bitcast_convert_type3A_204 = tpu.bitcast %shift_left3A_203 : vector<16xi32> -> vector<16xf32>
        %and3A_205 = arith.constant -65536 : i32
        %and3A_206 = vector.broadcast %and3A_205 : i32 to vector<16xi32>
        %and3A_207 = arith.andi %get3A_200, %and3A_206 : vector<16xi32>
        %bitcast_convert_type3A_208 = tpu.bitcast %and3A_207 : vector<16xi32> -> vector<16xf32>
        %mul3A_209 = vector.broadcast %squeeze3A_196 : f32 to vector<16xf32>
        %mul3A_210 = arith.mulf %bitcast_convert_type3A_204, %mul3A_209 : vector<16xf32>
        %swap3A_211 = arith.index_cast %add3A_194 : i32 to index
        %swap3A_212 = arith.constant 0 : index
        %swap3A_213 = tpu.vector_load %arg12[%swap3A_211, %swap3A_212] {strides = array<i32>} : memref<80x128xf32, #tpu.memory_space<vmem>>, vector<1x16xf32>,
        %swap3A_214 = vector.shape_cast %swap3A_213 : vector<1x16xf32> to vector<16xf32>
        %swap3A_215 = vector.shape_cast %mul3A_210 : vector<16xf32> to vector<1x16xf32>
        tpu.vector_store %arg12[%swap3A_211, %swap3A_212], %swap3A_215 {strides = array<i32>} : memref<80x128xf32, #tpu.memory_space<vmem>>, vector<1x16xf32>,
        %mul3A_216 = vector.broadcast %squeeze3A_196 : f32 to vector<16xf32>
        %mul3A_217 = arith.mulf %bitcast_convert_type3A_208, %mul3A_216 : vector<16xf32>
        %swap3A_218 = arith.index_cast %add3A_194 : i32 to index
        %swap3A_219 = arith.constant 16 : index
        %swap3A_220 = tpu.vector_load %arg12[%swap3A_218, %swap3A_219] {strides = array<i32>} : memref<80x128xf32, #tpu.memory_space<vmem>>, vector<1x16xf32>,
        %swap3A_221 = vector.shape_cast %swap3A_220 : vector<1x16xf32> to vector<16xf32>
        %swap3A_222 = vector.shape_cast %mul3A_217 : vector<16xf32> to vector<1x16xf32>
        tpu.vector_store %arg12[%swap3A_218, %swap3A_219], %swap3A_222 {strides = array<i32>} : memref<80x128xf32, #tpu.memory_space<vmem>>, vector<1x16xf32>,
        %get3A_223 = arith.index_cast %add3A_194 : i32 to index
        %get3A_224 = arith.constant 16 : index
        %get3A_225 = tpu.vector_load %arg11[%get3A_223, %get3A_224] {strides = array<i32>} : memref<80x64xi32, #tpu.memory_space<vmem>>, vector<1x16xi32>,
        %get3A_226 = vector.shape_cast %get3A_225 : vector<1x16xi32> to vector<16xi32>
        %shift_left3A_227 = arith.constant 16 : i32
        %shift_left3A_228 = vector.broadcast %shift_left3A_227 : i32 to vector<16xi32>
        %shift_left3A_229 = arith.shli %get3A_226, %shift_left3A_228 : vector<16xi32>
        %bitcast_convert_type3A_230 = tpu.bitcast %shift_left3A_229 : vector<16xi32> -> vector<16xf32>
        %and3A_231 = arith.constant -65536 : i32
        %and3A_232 = vector.broadcast %and3A_231 : i32 to vector<16xi32>
        %and3A_233 = arith.andi %get3A_226, %and3A_232 : vector<16xi32>
        %bitcast_convert_type3A_234 = tpu.bitcast %and3A_233 : vector<16xi32> -> vector<16xf32>
        %mul3A_235 = vector.broadcast %squeeze3A_196 : f32 to vector<16xf32>
        %mul3A_236 = arith.mulf %bitcast_convert_type3A_230, %mul3A_235 : vector<16xf32>
        %swap3A_237 = arith.index_cast %add3A_194 : i32 to index
        %swap3A_238 = arith.constant 32 : index
        %swap3A_239 = tpu.vector_load %arg12[%swap3A_237, %swap3A_238] {strides = array<i32>} : memref<80x128xf32, #tpu.memory_space<vmem>>, vector<1x16xf32>,
        %swap3A_240 = vector.shape_cast %swap3A_239 : vector<1x16xf32> to vector<16xf32>
        %swap3A_241 = vector.shape_cast %mul3A_236 : vector<16xf32> to vector<1x16xf32>
        tpu.vector_store %arg12[%swap3A_237, %swap3A_238], %swap3A_241 {strides = array<i32>} : memref<80x128xf32, #tpu.memory_space<vmem>>, vector<1x16xf32>,
        %mul3A_242 = vector.broadcast %squeeze3A_196 : f32 to vector<16xf32>
        %mul3A_243 = arith.mulf %bitcast_convert_type3A_234, %mul3A_242 : vector<16xf32>
        %swap3A_244 = arith.index_cast %add3A_194 : i32 to index
        %swap3A_245 = arith.constant 48 : index
        %swap3A_246 = tpu.vector_load %arg12[%swap3A_244, %swap3A_245] {strides = array<i32>} : memref<80x128xf32, #tpu.memory_space<vmem>>, vector<1x16xf32>,
        %swap3A_247 = vector.shape_cast %swap3A_246 : vector<1x16xf32> to vector<16xf32>
        %swap3A_248 = vector.shape_cast %mul3A_243 : vector<16xf32> to vector<1x16xf32>
        tpu.vector_store %arg12[%swap3A_244, %swap3A_245], %swap3A_248 {strides = array<i32>} : memref<80x128xf32, #tpu.memory_space<vmem>>, vector<1x16xf32>,
        %get3A_249 = arith.index_cast %add3A_194 : i32 to index
        %get3A_250 = arith.constant 32 : index
        %get3A_251 = tpu.vector_load %arg11[%get3A_249, %get3A_250] {strides = array<i32>} : memref<80x64xi32, #tpu.memory_space<vmem>>, vector<1x16xi32>,
        %get3A_252 = vector.shape_cast %get3A_251 : vector<1x16xi32> to vector<16xi32>
        %shift_left3A_253 = arith.constant 16 : i32
        %shift_left3A_254 = vector.broadcast %shift_left3A_253 : i32 to vector<16xi32>
        %shift_left3A_255 = arith.shli %get3A_252, %shift_left3A_254 : vector<16xi32>
        %bitcast_convert_type3A_256 = tpu.bitcast %shift_left3A_255 : vector<16xi32> -> vector<16xf32>
        %and3A_257 = arith.constant -65536 : i32
        %and3A_258 = vector.broadcast %and3A_257 : i32 to vector<16xi32>
        %and3A_259 = arith.andi %get3A_252, %and3A_258 : vector<16xi32>
        %bitcast_convert_type3A_260 = tpu.bitcast %and3A_259 : vector<16xi32> -> vector<16xf32>
        %mul3A_261 = vector.broadcast %squeeze3A_196 : f32 to vector<16xf32>
        %mul3A_262 = arith.mulf %bitcast_convert_type3A_256, %mul3A_261 : vector<16xf32>
        %swap3A_263 = arith.index_cast %add3A_194 : i32 to index
        %swap3A_264 = arith.constant 64 : index
        %swap3A_265 = tpu.vector_load %arg12[%swap3A_263, %swap3A_264] {strides = array<i32>} : memref<80x128xf32, #tpu.memory_space<vmem>>, vector<1x16xf32>,
        %swap3A_266 = vector.shape_cast %swap3A_265 : vector<1x16xf32> to vector<16xf32>
        %swap3A_267 = vector.shape_cast %mul3A_262 : vector<16xf32> to vector<1x16xf32>
        tpu.vector_store %arg12[%swap3A_263, %swap3A_264], %swap3A_267 {strides = array<i32>} : memref<80x128xf32, #tpu.memory_space<vmem>>, vector<1x16xf32>,
        %mul3A_268 = vector.broadcast %squeeze3A_196 : f32 to vector<16xf32>
        %mul3A_269 = arith.mulf %bitcast_convert_type3A_260, %mul3A_268 : vector<16xf32>
        %swap3A_270 = arith.index_cast %add3A_194 : i32 to index
        %swap3A_271 = arith.constant 80 : index
        %swap3A_272 = tpu.vector_load %arg12[%swap3A_270, %swap3A_271] {strides = array<i32>} : memref<80x128xf32, #tpu.memory_space<vmem>>, vector<1x16xf32>,
        %swap3A_273 = vector.shape_cast %swap3A_272 : vector<1x16xf32> to vector<16xf32>
        %swap3A_274 = vector.shape_cast %mul3A_269 : vector<16xf32> to vector<1x16xf32>
        tpu.vector_store %arg12[%swap3A_270, %swap3A_271], %swap3A_274 {strides = array<i32>} : memref<80x128xf32, #tpu.memory_space<vmem>>, vector<1x16xf32>,
        %get3A_275 = arith.index_cast %add3A_194 : i32 to index
        %get3A_276 = arith.constant 48 : index
        %get3A_277 = tpu.vector_load %arg11[%get3A_275, %get3A_276] {strides = array<i32>} : memref<80x64xi32, #tpu.memory_space<vmem>>, vector<1x16xi32>,
        %get3A_278 = vector.shape_cast %get3A_277 : vector<1x16xi32> to vector<16xi32>
        %shift_left3A_279 = arith.constant 16 : i32
        %shift_left3A_280 = vector.broadcast %shift_left3A_279 : i32 to vector<16xi32>
        %shift_left3A_281 = arith.shli %get3A_278, %shift_left3A_280 : vector<16xi32>
        %bitcast_convert_type3A_282 = tpu.bitcast %shift_left3A_281 : vector<16xi32> -> vector<16xf32>
        %and3A_283 = arith.constant -65536 : i32
        %and3A_284 = vector.broadcast %and3A_283 : i32 to vector<16xi32>
        %and3A_285 = arith.andi %get3A_278, %and3A_284 : vector<16xi32>
        %bitcast_convert_type3A_286 = tpu.bitcast %and3A_285 : vector<16xi32> -> vector<16xf32>
        %mul3A_287 = vector.broadcast %squeeze3A_196 : f32 to vector<16xf32>
        %mul3A_288 = arith.mulf %bitcast_convert_type3A_282, %mul3A_287 : vector<16xf32>
        %swap3A_289 = arith.index_cast %add3A_194 : i32 to index
        %swap3A_290 = arith.constant 96 : index
        %swap3A_291 = tpu.vector_load %arg12[%swap3A_289, %swap3A_290] {strides = array<i32>} : memref<80x128xf32, #tpu.memory_space<vmem>>, vector<1x16xf32>,
        %swap3A_292 = vector.shape_cast %swap3A_291 : vector<1x16xf32> to vector<16xf32>
        %swap3A_293 = vector.shape_cast %mul3A_288 : vector<16xf32> to vector<1x16xf32>
        tpu.vector_store %arg12[%swap3A_289, %swap3A_290], %swap3A_293 {strides = array<i32>} : memref<80x128xf32, #tpu.memory_space<vmem>>, vector<1x16xf32>,
        %mul3A_294 = vector.broadcast %squeeze3A_196 : f32 to vector<16xf32>
        %mul3A_295 = arith.mulf %bitcast_convert_type3A_286, %mul3A_294 : vector<16xf32>
        %swap3A_296 = arith.index_cast %add3A_194 : i32 to index
        %swap3A_297 = arith.constant 112 : index
        %swap3A_298 = tpu.vector_load %arg12[%swap3A_296, %swap3A_297] {strides = array<i32>} : memref<80x128xf32, #tpu.memory_space<vmem>>, vector<1x16xf32>,
        %swap3A_299 = vector.shape_cast %swap3A_298 : vector<1x16xf32> to vector<16xf32>
        %swap3A_300 = vector.shape_cast %mul3A_295 : vector<16xf32> to vector<1x16xf32>
        tpu.vector_store %arg12[%swap3A_296, %swap3A_297], %swap3A_300 {strides = array<i32>} : memref<80x128xf32, #tpu.memory_space<vmem>>, vector<1x16xf32>,
        %mul3A_301 = arith.constant 16 : i32
        %mul3A_302 = arith.muli %scan3A_81, %mul3A_301 : i32
        %add3A_303 = arith.constant 2 : i32
        %add3A_304 = arith.addi %mul3A_302, %add3A_303 : i32
        %slice3A_305 = vector.extract_strided_slice %get3A_86 {offsets = [2], sizes = [1], strides = [1]} : vector<16xf32> to vector<1xf32>
        %squeeze3A_306 = vector.extract %slice3A_305[0] : f32 from vector<1xf32>
        %get3A_307 = arith.index_cast %add3A_304 : i32 to index
        %get3A_308 = arith.constant 0 : index
        %get3A_309 = tpu.vector_load %arg11[%get3A_307, %get3A_308] {strides = array<i32>} : memref<80x64xi32, #tpu.memory_space<vmem>>, vector<1x16xi32>,
        %get3A_310 = vector.shape_cast %get3A_309 : vector<1x16xi32> to vector<16xi32>
        %shift_left3A_311 = arith.constant 16 : i32
        %shift_left3A_312 = vector.broadcast %shift_left3A_311 : i32 to vector<16xi32>
        %shift_left3A_313 = arith.shli %get3A_310, %shift_left3A_312 : vector<16xi32>
        %bitcast_convert_type3A_314 = tpu.bitcast %shift_left3A_313 : vector<16xi32> -> vector<16xf32>
        %and3A_315 = arith.constant -65536 : i32
        %and3A_316 = vector.broadcast %and3A_315 : i32 to vector<16xi32>
        %and3A_317 = arith.andi %get3A_310, %and3A_316 : vector<16xi32>
        %bitcast_convert_type3A_318 = tpu.bitcast %and3A_317 : vector<16xi32> -> vector<16xf32>
        %mul3A_319 = vector.broadcast %squeeze3A_306 : f32 to vector<16xf32>
        %mul3A_320 = arith.mulf %bitcast_convert_type3A_314, %mul3A_319 : vector<16xf32>
        %swap3A_321 = arith.index_cast %add3A_304 : i32 to index
        %swap3A_322 = arith.constant 0 : index
        %swap3A_323 = tpu.vector_load %arg12[%swap3A_321, %swap3A_322] {strides = array<i32>} : memref<80x128xf32, #tpu.memory_space<vmem>>, vector<1x16xf32>,
        %swap3A_324 = vector.shape_cast %swap3A_323 : vector<1x16xf32> to vector<16xf32>
        %swap3A_325 = vector.shape_cast %mul3A_320 : vector<16xf32> to vector<1x16xf32>
        tpu.vector_store %arg12[%swap3A_321, %swap3A_322], %swap3A_325 {strides = array<i32>} : memref<80x128xf32, #tpu.memory_space<vmem>>, vector<1x16xf32>,
        %mul3A_326 = vector.broadcast %squeeze3A_306 : f32 to vector<16xf32>
        %mul3A_327 = arith.mulf %bitcast_convert_type3A_318, %mul3A_326 : vector<16xf32>
        %swap3A_328 = arith.index_cast %add3A_304 : i32 to index
        %swap3A_329 = arith.constant 16 : index
        %swap3A_330 = tpu.vector_load %arg12[%swap3A_328, %swap3A_329] {strides = array<i32>} : memref<80x128xf32, #tpu.memory_space<vmem>>, vector<1x16xf32>,
        %swap3A_331 = vector.shape_cast %swap3A_330 : vector<1x16xf32> to vector<16xf32>
        %swap3A_332 = vector.shape_cast %mul3A_327 : vector<16xf32> to vector<1x16xf32>
        tpu.vector_store %arg12[%swap3A_328, %swap3A_329], %swap3A_332 {strides = array<i32>} : memref<80x128xf32, #tpu.memory_space<vmem>>, vector<1x16xf32>,
        %get3A_333 = arith.index_cast %add3A_304 : i32 to index
        %get3A_334 = arith.constant 16 : index
        %get3A_335 = tpu.vector_load %arg11[%get3A_333, %get3A_334] {strides = array<i32>} : memref<80x64xi32, #tpu.memory_space<vmem>>, vector<1x16xi32>,
        %get3A_336 = vector.shape_cast %get3A_335 : vector<1x16xi32> to vector<16xi32>
        %shift_left3A_337 = arith.constant 16 : i32
        %shift_left3A_338 = vector.broadcast %shift_left3A_337 : i32 to vector<16xi32>
        %shift_left3A_339 = arith.shli %get3A_336, %shift_left3A_338 : vector<16xi32>
        %bitcast_convert_type3A_340 = tpu.bitcast %shift_left3A_339 : vector<16xi32> -> vector<16xf32>
        %and3A_341 = arith.constant -65536 : i32
        %and3A_342 = vector.broadcast %and3A_341 : i32 to vector<16xi32>
        %and3A_343 = arith.andi %get3A_336, %and3A_342 : vector<16xi32>
        %bitcast_convert_type3A_344 = tpu.bitcast %and3A_343 : vector<16xi32> -> vector<16xf32>
        %mul3A_345 = vector.broadcast %squeeze3A_306 : f32 to vector<16xf32>
        %mul3A_346 = arith.mulf %bitcast_convert_type3A_340, %mul3A_345 : vector<16xf32>
        %swap3A_347 = arith.index_cast %add3A_304 : i32 to index
        %swap3A_348 = arith.constant 32 : index
        %swap3A_349 = tpu.vector_load %arg12[%swap3A_347, %swap3A_348] {strides = array<i32>} : memref<80x128xf32, #tpu.memory_space<vmem>>, vector<1x16xf32>,
        %swap3A_350 = vector.shape_cast %swap3A_349 : vector<1x16xf32> to vector<16xf32>
        %swap3A_351 = vector.shape_cast %mul3A_346 : vector<16xf32> to vector<1x16xf32>
        tpu.vector_store %arg12[%swap3A_347, %swap3A_348], %swap3A_351 {strides = array<i32>} : memref<80x128xf32, #tpu.memory_space<vmem>>, vector<1x16xf32>,
        %mul3A_352 = vector.broadcast %squeeze3A_306 : f32 to vector<16xf32>
        %mul3A_353 = arith.mulf %bitcast_convert_type3A_344, %mul3A_352 : vector<16xf32>
        %swap3A_354 = arith.index_cast %add3A_304 : i32 to index
        %swap3A_355 = arith.constant 48 : index
        %swap3A_356 = tpu.vector_load %arg12[%swap3A_354, %swap3A_355] {strides = array<i32>} : memref<80x128xf32, #tpu.memory_space<vmem>>, vector<1x16xf32>,
        %swap3A_357 = vector.shape_cast %swap3A_356 : vector<1x16xf32> to vector<16xf32>
        %swap3A_358 = vector.shape_cast %mul3A_353 : vector<16xf32> to vector<1x16xf32>
        tpu.vector_store %arg12[%swap3A_354, %swap3A_355], %swap3A_358 {strides = array<i32>} : memref<80x128xf32, #tpu.memory_space<vmem>>, vector<1x16xf32>,
        %get3A_359 = arith.index_cast %add3A_304 : i32 to index
        %get3A_360 = arith.constant 32 : index
        %get3A_361 = tpu.vector_load %arg11[%get3A_359, %get3A_360] {strides = array<i32>} : memref<80x64xi32, #tpu.memory_space<vmem>>, vector<1x16xi32>,
        %get3A_362 = vector.shape_cast %get3A_361 : vector<1x16xi32> to vector<16xi32>
        %shift_left3A_363 = arith.constant 16 : i32
        %shift_left3A_364 = vector.broadcast %shift_left3A_363 : i32 to vector<16xi32>
        %shift_left3A_365 = arith.shli %get3A_362, %shift_left3A_364 : vector<16xi32>
        %bitcast_convert_type3A_366 = tpu.bitcast %shift_left3A_365 : vector<16xi32> -> vector<16xf32>
        %and3A_367 = arith.constant -65536 : i32
        %and3A_368 = vector.broadcast %and3A_367 : i32 to vector<16xi32>
        %and3A_369 = arith.andi %get3A_362, %and3A_368 : vector<16xi32>
        %bitcast_convert_type3A_370 = tpu.bitcast %and3A_369 : vector<16xi32> -> vector<16xf32>
        %mul3A_371 = vector.broadcast %squeeze3A_306 : f32 to vector<16xf32>
        %mul3A_372 = arith.mulf %bitcast_convert_type3A_366, %mul3A_371 : vector<16xf32>
        %swap3A_373 = arith.index_cast %add3A_304 : i32 to index
        %swap3A_374 = arith.constant 64 : index
        %swap3A_375 = tpu.vector_load %arg12[%swap3A_373, %swap3A_374] {strides = array<i32>} : memref<80x128xf32, #tpu.memory_space<vmem>>, vector<1x16xf32>,
        %swap3A_376 = vector.shape_cast %swap3A_375 : vector<1x16xf32> to vector<16xf32>
        %swap3A_377 = vector.shape_cast %mul3A_372 : vector<16xf32> to vector<1x16xf32>
        tpu.vector_store %arg12[%swap3A_373, %swap3A_374], %swap3A_377 {strides = array<i32>} : memref<80x128xf32, #tpu.memory_space<vmem>>, vector<1x16xf32>,
        %mul3A_378 = vector.broadcast %squeeze3A_306 : f32 to vector<16xf32>
        %mul3A_379 = arith.mulf %bitcast_convert_type3A_370, %mul3A_378 : vector<16xf32>
        %swap3A_380 = arith.index_cast %add3A_304 : i32 to index
        %swap3A_381 = arith.constant 80 : index
        %swap3A_382 = tpu.vector_load %arg12[%swap3A_380, %swap3A_381] {strides = array<i32>} : memref<80x128xf32, #tpu.memory_space<vmem>>, vector<1x16xf32>,
        %swap3A_383 = vector.shape_cast %swap3A_382 : vector<1x16xf32> to vector<16xf32>
        %swap3A_384 = vector.shape_cast %mul3A_379 : vector<16xf32> to vector<1x16xf32>
        tpu.vector_store %arg12[%swap3A_380, %swap3A_381], %swap3A_384 {strides = array<i32>} : memref<80x128xf32, #tpu.memory_space<vmem>>, vector<1x16xf32>,
        %get3A_385 = arith.index_cast %add3A_304 : i32 to index
        %get3A_386 = arith.constant 48 : index
        %get3A_387 = tpu.vector_load %arg11[%get3A_385, %get3A_386] {strides = array<i32>} : memref<80x64xi32, #tpu.memory_space<vmem>>, vector<1x16xi32>,
        %get3A_388 = vector.shape_cast %get3A_387 : vector<1x16xi32> to vector<16xi32>
        %shift_left3A_389 = arith.constant 16 : i32
        %shift_left3A_390 = vector.broadcast %shift_left3A_389 : i32 to vector<16xi32>
        %shift_left3A_391 = arith.shli %get3A_388, %shift_left3A_390 : vector<16xi32>
        %bitcast_convert_type3A_392 = tpu.bitcast %shift_left3A_391 : vector<16xi32> -> vector<16xf32>
        %and3A_393 = arith.constant -65536 : i32
        %and3A_394 = vector.broadcast %and3A_393 : i32 to vector<16xi32>
        %and3A_395 = arith.andi %get3A_388, %and3A_394 : vector<16xi32>
        %bitcast_convert_type3A_396 = tpu.bitcast %and3A_395 : vector<16xi32> -> vector<16xf32>
        %mul3A_397 = vector.broadcast %squeeze3A_306 : f32 to vector<16xf32>
        %mul3A_398 = arith.mulf %bitcast_convert_type3A_392, %mul3A_397 : vector<16xf32>
        %swap3A_399 = arith.index_cast %add3A_304 : i32 to index
        %swap3A_400 = arith.constant 96 : index
        %swap3A_401 = tpu.vector_load %arg12[%swap3A_399, %swap3A_400] {strides = array<i32>} : memref<80x128xf32, #tpu.memory_space<vmem>>, vector<1x16xf32>,
        %swap3A_402 = vector.shape_cast %swap3A_401 : vector<1x16xf32> to vector<16xf32>
        %swap3A_403 = vector.shape_cast %mul3A_398 : vector<16xf32> to vector<1x16xf32>
        tpu.vector_store %arg12[%swap3A_399, %swap3A_400], %swap3A_403 {strides = array<i32>} : memref<80x128xf32, #tpu.memory_space<vmem>>, vector<1x16xf32>,
        %mul3A_404 = vector.broadcast %squeeze3A_306 : f32 to vector<16xf32>
        %mul3A_405 = arith.mulf %bitcast_convert_type3A_396, %mul3A_404 : vector<16xf32>
        %swap3A_406 = arith.index_cast %add3A_304 : i32 to index
        %swap3A_407 = arith.constant 112 : index
        %swap3A_408 = tpu.vector_load %arg12[%swap3A_406, %swap3A_407] {strides = array<i32>} : memref<80x128xf32, #tpu.memory_space<vmem>>, vector<1x16xf32>,
        %swap3A_409 = vector.shape_cast %swap3A_408 : vector<1x16xf32> to vector<16xf32>
        %swap3A_410 = vector.shape_cast %mul3A_405 : vector<16xf32> to vector<1x16xf32>
        tpu.vector_store %arg12[%swap3A_406, %swap3A_407], %swap3A_410 {strides = array<i32>} : memref<80x128xf32, #tpu.memory_space<vmem>>, vector<1x16xf32>,
        %mul3A_411 = arith.constant 16 : i32
        %mul3A_412 = arith.muli %scan3A_81, %mul3A_411 : i32
        %add3A_413 = arith.constant 3 : i32
        %add3A_414 = arith.addi %mul3A_412, %add3A_413 : i32
        %slice3A_415 = vector.extract_strided_slice %get3A_86 {offsets = [3], sizes = [1], strides = [1]} : vector<16xf32> to vector<1xf32>
        %squeeze3A_416 = vector.extract %slice3A_415[0] : f32 from vector<1xf32>
        %get3A_417 = arith.index_cast %add3A_414 : i32 to index
        %get3A_418 = arith.constant 0 : index
        %get3A_419 = tpu.vector_load %arg11[%get3A_417, %get3A_418] {strides = array<i32>} : memref<80x64xi32, #tpu.memory_space<vmem>>, vector<1x16xi32>,
        %get3A_420 = vector.shape_cast %get3A_419 : vector<1x16xi32> to vector<16xi32>
        %shift_left3A_421 = arith.constant 16 : i32
        %shift_left3A_422 = vector.broadcast %shift_left3A_421 : i32 to vector<16xi32>
        %shift_left3A_423 = arith.shli %get3A_420, %shift_left3A_422 : vector<16xi32>
        %bitcast_convert_type3A_424 = tpu.bitcast %shift_left3A_423 : vector<16xi32> -> vector<16xf32>
        %and3A_425 = arith.constant -65536 : i32
        %and3A_426 = vector.broadcast %and3A_425 : i32 to vector<16xi32>
        %and3A_427 = arith.andi %get3A_420, %and3A_426 : vector<16xi32>
        %bitcast_convert_type3A_428 = tpu.bitcast %and3A_427 : vector<16xi32> -> vector<16xf32>
        %mul3A_429 = vector.broadcast %squeeze3A_416 : f32 to vector<16xf32>
        %mul3A_430 = arith.mulf %bitcast_convert_type3A_424, %mul3A_429 : vector<16xf32>
        %swap3A_431 = arith.index_cast %add3A_414 : i32 to index
        %swap3A_432 = arith.constant 0 : index
        %swap3A_433 = tpu.vector_load %arg12[%swap3A_431, %swap3A_432] {strides = array<i32>} : memref<80x128xf32, #tpu.memory_space<vmem>>, vector<1x16xf32>,
        %swap3A_434 = vector.shape_cast %swap3A_433 : vector<1x16xf32> to vector<16xf32>
        %swap3A_435 = vector.shape_cast %mul3A_430 : vector<16xf32> to vector<1x16xf32>
        tpu.vector_store %arg12[%swap3A_431, %swap3A_432], %swap3A_435 {strides = array<i32>} : memref<80x128xf32, #tpu.memory_space<vmem>>, vector<1x16xf32>,
        %mul3A_436 = vector.broadcast %squeeze3A_416 : f32 to vector<16xf32>
        %mul3A_437 = arith.mulf %bitcast_convert_type3A_428, %mul3A_436 : vector<16xf32>
        %swap3A_438 = arith.index_cast %add3A_414 : i32 to index
        %swap3A_439 = arith.constant 16 : index
        %swap3A_440 = tpu.vector_load %arg12[%swap3A_438, %swap3A_439] {strides = array<i32>} : memref<80x128xf32, #tpu.memory_space<vmem>>, vector<1x16xf32>,
        %swap3A_441 = vector.shape_cast %swap3A_440 : vector<1x16xf32> to vector<16xf32>
        %swap3A_442 = vector.shape_cast %mul3A_437 : vector<16xf32> to vector<1x16xf32>
        tpu.vector_store %arg12[%swap3A_438, %swap3A_439], %swap3A_442 {strides = array<i32>} : memref<80x128xf32, #tpu.memory_space<vmem>>, vector<1x16xf32>,
        %get3A_443 = arith.index_cast %add3A_414 : i32 to index
        %get3A_444 = arith.constant 16 : index
        %get3A_445 = tpu.vector_load %arg11[%get3A_443, %get3A_444] {strides = array<i32>} : memref<80x64xi32, #tpu.memory_space<vmem>>, vector<1x16xi32>,
        %get3A_446 = vector.shape_cast %get3A_445 : vector<1x16xi32> to vector<16xi32>
        %shift_left3A_447 = arith.constant 16 : i32
        %shift_left3A_448 = vector.broadcast %shift_left3A_447 : i32 to vector<16xi32>
        %shift_left3A_449 = arith.shli %get3A_446, %shift_left3A_448 : vector<16xi32>
        %bitcast_convert_type3A_450 = tpu.bitcast %shift_left3A_449 : vector<16xi32> -> vector<16xf32>
        %and3A_451 = arith.constant -65536 : i32
        %and3A_452 = vector.broadcast %and3A_451 : i32 to vector<16xi32>
        %and3A_453 = arith.andi %get3A_446, %and3A_452 : vector<16xi32>
        %bitcast_convert_type3A_454 = tpu.bitcast %and3A_453 : vector<16xi32> -> vector<16xf32>
        %mul3A_455 = vector.broadcast %squeeze3A_416 : f32 to vector<16xf32>
        %mul3A_456 = arith.mulf %bitcast_convert_type3A_450, %mul3A_455 : vector<16xf32>
        %swap3A_457 = arith.index_cast %add3A_414 : i32 to index
        %swap3A_458 = arith.constant 32 : index
        %swap3A_459 = tpu.vector_load %arg12[%swap3A_457, %swap3A_458] {strides = array<i32>} : memref<80x128xf32, #tpu.memory_space<vmem>>, vector<1x16xf32>,
        %swap3A_460 = vector.shape_cast %swap3A_459 : vector<1x16xf32> to vector<16xf32>
        %swap3A_461 = vector.shape_cast %mul3A_456 : vector<16xf32> to vector<1x16xf32>
        tpu.vector_store %arg12[%swap3A_457, %swap3A_458], %swap3A_461 {strides = array<i32>} : memref<80x128xf32, #tpu.memory_space<vmem>>, vector<1x16xf32>,
        %mul3A_462 = vector.broadcast %squeeze3A_416 : f32 to vector<16xf32>
        %mul3A_463 = arith.mulf %bitcast_convert_type3A_454, %mul3A_462 : vector<16xf32>
        %swap3A_464 = arith.index_cast %add3A_414 : i32 to index
        %swap3A_465 = arith.constant 48 : index
        %swap3A_466 = tpu.vector_load %arg12[%swap3A_464, %swap3A_465] {strides = array<i32>} : memref<80x128xf32, #tpu.memory_space<vmem>>, vector<1x16xf32>,
        %swap3A_467 = vector.shape_cast %swap3A_466 : vector<1x16xf32> to vector<16xf32>
        %swap3A_468 = vector.shape_cast %mul3A_463 : vector<16xf32> to vector<1x16xf32>
        tpu.vector_store %arg12[%swap3A_464, %swap3A_465], %swap3A_468 {strides = array<i32>} : memref<80x128xf32, #tpu.memory_space<vmem>>, vector<1x16xf32>,
        %get3A_469 = arith.index_cast %add3A_414 : i32 to index
        %get3A_470 = arith.constant 32 : index
        %get3A_471 = tpu.vector_load %arg11[%get3A_469, %get3A_470] {strides = array<i32>} : memref<80x64xi32, #tpu.memory_space<vmem>>, vector<1x16xi32>,
        %get3A_472 = vector.shape_cast %get3A_471 : vector<1x16xi32> to vector<16xi32>
        %shift_left3A_473 = arith.constant 16 : i32
        %shift_left3A_474 = vector.broadcast %shift_left3A_473 : i32 to vector<16xi32>
        %shift_left3A_475 = arith.shli %get3A_472, %shift_left3A_474 : vector<16xi32>
        %bitcast_convert_type3A_476 = tpu.bitcast %shift_left3A_475 : vector<16xi32> -> vector<16xf32>
        %and3A_477 = arith.constant -65536 : i32
        %and3A_478 = vector.broadcast %and3A_477 : i32 to vector<16xi32>
        %and3A_479 = arith.andi %get3A_472, %and3A_478 : vector<16xi32>
        %bitcast_convert_type3A_480 = tpu.bitcast %and3A_479 : vector<16xi32> -> vector<16xf32>
        %mul3A_481 = vector.broadcast %squeeze3A_416 : f32 to vector<16xf32>
        %mul3A_482 = arith.mulf %bitcast_convert_type3A_476, %mul3A_481 : vector<16xf32>
        %swap3A_483 = arith.index_cast %add3A_414 : i32 to index
        %swap3A_484 = arith.constant 64 : index
        %swap3A_485 = tpu.vector_load %arg12[%swap3A_483, %swap3A_484] {strides = array<i32>} : memref<80x128xf32, #tpu.memory_space<vmem>>, vector<1x16xf32>,
        %swap3A_486 = vector.shape_cast %swap3A_485 : vector<1x16xf32> to vector<16xf32>
        %swap3A_487 = vector.shape_cast %mul3A_482 : vector<16xf32> to vector<1x16xf32>
        tpu.vector_store %arg12[%swap3A_483, %swap3A_484], %swap3A_487 {strides = array<i32>} : memref<80x128xf32, #tpu.memory_space<vmem>>, vector<1x16xf32>,
        %mul3A_488 = vector.broadcast %squeeze3A_416 : f32 to vector<16xf32>
        %mul3A_489 = arith.mulf %bitcast_convert_type3A_480, %mul3A_488 : vector<16xf32>
        %swap3A_490 = arith.index_cast %add3A_414 : i32 to index
        %swap3A_491 = arith.constant 80 : index
        %swap3A_492 = tpu.vector_load %arg12[%swap3A_490, %swap3A_491] {strides = array<i32>} : memref<80x128xf32, #tpu.memory_space<vmem>>, vector<1x16xf32>,
        %swap3A_493 = vector.shape_cast %swap3A_492 : vector<1x16xf32> to vector<16xf32>
        %swap3A_494 = vector.shape_cast %mul3A_489 : vector<16xf32> to vector<1x16xf32>
        tpu.vector_store %arg12[%swap3A_490, %swap3A_491], %swap3A_494 {strides = array<i32>} : memref<80x128xf32, #tpu.memory_space<vmem>>, vector<1x16xf32>,
        %get3A_495 = arith.index_cast %add3A_414 : i32 to index
        %get3A_496 = arith.constant 48 : index
        %get3A_497 = tpu.vector_load %arg11[%get3A_495, %get3A_496] {strides = array<i32>} : memref<80x64xi32, #tpu.memory_space<vmem>>, vector<1x16xi32>,
        %get3A_498 = vector.shape_cast %get3A_497 : vector<1x16xi32> to vector<16xi32>
        %shift_left3A_499 = arith.constant 16 : i32
        %shift_left3A_500 = vector.broadcast %shift_left3A_499 : i32 to vector<16xi32>
        %shift_left3A_501 = arith.shli %get3A_498, %shift_left3A_500 : vector<16xi32>
        %bitcast_convert_type3A_502 = tpu.bitcast %shift_left3A_501 : vector<16xi32> -> vector<16xf32>
        %and3A_503 = arith.constant -65536 : i32
        %and3A_504 = vector.broadcast %and3A_503 : i32 to vector<16xi32>
        %and3A_505 = arith.andi %get3A_498, %and3A_504 : vector<16xi32>
        %bitcast_convert_type3A_506 = tpu.bitcast %and3A_505 : vector<16xi32> -> vector<16xf32>
        %mul3A_507 = vector.broadcast %squeeze3A_416 : f32 to vector<16xf32>
        %mul3A_508 = arith.mulf %bitcast_convert_type3A_502, %mul3A_507 : vector<16xf32>
        %swap3A_509 = arith.index_cast %add3A_414 : i32 to index
        %swap3A_510 = arith.constant 96 : index
        %swap3A_511 = tpu.vector_load %arg12[%swap3A_509, %swap3A_510] {strides = array<i32>} : memref<80x128xf32, #tpu.memory_space<vmem>>, vector<1x16xf32>,
        %swap3A_512 = vector.shape_cast %swap3A_511 : vector<1x16xf32> to vector<16xf32>
        %swap3A_513 = vector.shape_cast %mul3A_508 : vector<16xf32> to vector<1x16xf32>
        tpu.vector_store %arg12[%swap3A_509, %swap3A_510], %swap3A_513 {strides = array<i32>} : memref<80x128xf32, #tpu.memory_space<vmem>>, vector<1x16xf32>,
        %mul3A_514 = vector.broadcast %squeeze3A_416 : f32 to vector<16xf32>
        %mul3A_515 = arith.mulf %bitcast_convert_type3A_506, %mul3A_514 : vector<16xf32>
        %swap3A_516 = arith.index_cast %add3A_414 : i32 to index
        %swap3A_517 = arith.constant 112 : index
        %swap3A_518 = tpu.vector_load %arg12[%swap3A_516, %swap3A_517] {strides = array<i32>} : memref<80x128xf32, #tpu.memory_space<vmem>>, vector<1x16xf32>,
        %swap3A_519 = vector.shape_cast %swap3A_518 : vector<1x16xf32> to vector<16xf32>
        %swap3A_520 = vector.shape_cast %mul3A_515 : vector<16xf32> to vector<1x16xf32>
        tpu.vector_store %arg12[%swap3A_516, %swap3A_517], %swap3A_520 {strides = array<i32>} : memref<80x128xf32, #tpu.memory_space<vmem>>, vector<1x16xf32>,
        %mul3A_521 = arith.constant 16 : i32
        %mul3A_522 = arith.muli %scan3A_81, %mul3A_521 : i32
        %add3A_523 = arith.constant 4 : i32
        %add3A_524 = arith.addi %mul3A_522, %add3A_523 : i32
        %slice3A_525 = vector.extract_strided_slice %get3A_86 {offsets = [4], sizes = [1], strides = [1]} : vector<16xf32> to vector<1xf32>
        %squeeze3A_526 = vector.extract %slice3A_525[0] : f32 from vector<1xf32>
        %get3A_527 = arith.index_cast %add3A_524 : i32 to index
        %get3A_528 = arith.constant 0 : index
        %get3A_529 = tpu.vector_load %arg11[%get3A_527, %get3A_528] {strides = array<i32>} : memref<80x64xi32, #tpu.memory_space<vmem>>, vector<1x16xi32>,
        %get3A_530 = vector.shape_cast %get3A_529 : vector<1x16xi32> to vector<16xi32>
        %shift_left3A_531 = arith.constant 16 : i32
        %shift_left3A_532 = vector.broadcast %shift_left3A_531 : i32 to vector<16xi32>
        %shift_left3A_533 = arith.shli %get3A_530, %shift_left3A_532 : vector<16xi32>
        %bitcast_convert_type3A_534 = tpu.bitcast %shift_left3A_533 : vector<16xi32> -> vector<16xf32>
        %and3A_535 = arith.constant -65536 : i32
        %and3A_536 = vector.broadcast %and3A_535 : i32 to vector<16xi32>
        %and3A_537 = arith.andi %get3A_530, %and3A_536 : vector<16xi32>
        %bitcast_convert_type3A_538 = tpu.bitcast %and3A_537 : vector<16xi32> -> vector<16xf32>
        %mul3A_539 = vector.broadcast %squeeze3A_526 : f32 to vector<16xf32>
        %mul3A_540 = arith.mulf %bitcast_convert_type3A_534, %mul3A_539 : vector<16xf32>
        %swap3A_541 = arith.index_cast %add3A_524 : i32 to index
        %swap3A_542 = arith.constant 0 : index
        %swap3A_543 = tpu.vector_load %arg12[%swap3A_541, %swap3A_542] {strides = array<i32>} : memref<80x128xf32, #tpu.memory_space<vmem>>, vector<1x16xf32>,
        %swap3A_544 = vector.shape_cast %swap3A_543 : vector<1x16xf32> to vector<16xf32>
        %swap3A_545 = vector.shape_cast %mul3A_540 : vector<16xf32> to vector<1x16xf32>
        tpu.vector_store %arg12[%swap3A_541, %swap3A_542], %swap3A_545 {strides = array<i32>} : memref<80x128xf32, #tpu.memory_space<vmem>>, vector<1x16xf32>,
        %mul3A_546 = vector.broadcast %squeeze3A_526 : f32 to vector<16xf32>
        %mul3A_547 = arith.mulf %bitcast_convert_type3A_538, %mul3A_546 : vector<16xf32>
        %swap3A_548 = arith.index_cast %add3A_524 : i32 to index
        %swap3A_549 = arith.constant 16 : index
        %swap3A_550 = tpu.vector_load %arg12[%swap3A_548, %swap3A_549] {strides = array<i32>} : memref<80x128xf32, #tpu.memory_space<vmem>>, vector<1x16xf32>,
        %swap3A_551 = vector.shape_cast %swap3A_550 : vector<1x16xf32> to vector<16xf32>
        %swap3A_552 = vector.shape_cast %mul3A_547 : vector<16xf32> to vector<1x16xf32>
        tpu.vector_store %arg12[%swap3A_548, %swap3A_549], %swap3A_552 {strides = array<i32>} : memref<80x128xf32, #tpu.memory_space<vmem>>, vector<1x16xf32>,
        %get3A_553 = arith.index_cast %add3A_524 : i32 to index
        %get3A_554 = arith.constant 16 : index
        %get3A_555 = tpu.vector_load %arg11[%get3A_553, %get3A_554] {strides = array<i32>} : memref<80x64xi32, #tpu.memory_space<vmem>>, vector<1x16xi32>,
        %get3A_556 = vector.shape_cast %get3A_555 : vector<1x16xi32> to vector<16xi32>
        %shift_left3A_557 = arith.constant 16 : i32
        %shift_left3A_558 = vector.broadcast %shift_left3A_557 : i32 to vector<16xi32>
        %shift_left3A_559 = arith.shli %get3A_556, %shift_left3A_558 : vector<16xi32>
        %bitcast_convert_type3A_560 = tpu.bitcast %shift_left3A_559 : vector<16xi32> -> vector<16xf32>
        %and3A_561 = arith.constant -65536 : i32
        %and3A_562 = vector.broadcast %and3A_561 : i32 to vector<16xi32>
        %and3A_563 = arith.andi %get3A_556, %and3A_562 : vector<16xi32>
        %bitcast_convert_type3A_564 = tpu.bitcast %and3A_563 : vector<16xi32> -> vector<16xf32>
        %mul3A_565 = vector.broadcast %squeeze3A_526 : f32 to vector<16xf32>
        %mul3A_566 = arith.mulf %bitcast_convert_type3A_560, %mul3A_565 : vector<16xf32>
        %swap3A_567 = arith.index_cast %add3A_524 : i32 to index
        %swap3A_568 = arith.constant 32 : index
        %swap3A_569 = tpu.vector_load %arg12[%swap3A_567, %swap3A_568] {strides = array<i32>} : memref<80x128xf32, #tpu.memory_space<vmem>>, vector<1x16xf32>,
        %swap3A_570 = vector.shape_cast %swap3A_569 : vector<1x16xf32> to vector<16xf32>
        %swap3A_571 = vector.shape_cast %mul3A_566 : vector<16xf32> to vector<1x16xf32>
        tpu.vector_store %arg12[%swap3A_567, %swap3A_568], %swap3A_571 {strides = array<i32>} : memref<80x128xf32, #tpu.memory_space<vmem>>, vector<1x16xf32>,
        %mul3A_572 = vector.broadcast %squeeze3A_526 : f32 to vector<16xf32>
        %mul3A_573 = arith.mulf %bitcast_convert_type3A_564, %mul3A_572 : vector<16xf32>
        %swap3A_574 = arith.index_cast %add3A_524 : i32 to index
        %swap3A_575 = arith.constant 48 : index
        %swap3A_576 = tpu.vector_load %arg12[%swap3A_574, %swap3A_575] {strides = array<i32>} : memref<80x128xf32, #tpu.memory_space<vmem>>, vector<1x16xf32>,
        %swap3A_577 = vector.shape_cast %swap3A_576 : vector<1x16xf32> to vector<16xf32>
        %swap3A_578 = vector.shape_cast %mul3A_573 : vector<16xf32> to vector<1x16xf32>
        tpu.vector_store %arg12[%swap3A_574, %swap3A_575], %swap3A_578 {strides = array<i32>} : memref<80x128xf32, #tpu.memory_space<vmem>>, vector<1x16xf32>,
        %get3A_579 = arith.index_cast %add3A_524 : i32 to index
        %get3A_580 = arith.constant 32 : index
        %get3A_581 = tpu.vector_load %arg11[%get3A_579, %get3A_580] {strides = array<i32>} : memref<80x64xi32, #tpu.memory_space<vmem>>, vector<1x16xi32>,
        %get3A_582 = vector.shape_cast %get3A_581 : vector<1x16xi32> to vector<16xi32>
        %shift_left3A_583 = arith.constant 16 : i32
        %shift_left3A_584 = vector.broadcast %shift_left3A_583 : i32 to vector<16xi32>
        %shift_left3A_585 = arith.shli %get3A_582, %shift_left3A_584 : vector<16xi32>
        %bitcast_convert_type3A_586 = tpu.bitcast %shift_left3A_585 : vector<16xi32> -> vector<16xf32>
        %and3A_587 = arith.constant -65536 : i32
        %and3A_588 = vector.broadcast %and3A_587 : i32 to vector<16xi32>
        %and3A_589 = arith.andi %get3A_582, %and3A_588 : vector<16xi32>
        %bitcast_convert_type3A_590 = tpu.bitcast %and3A_589 : vector<16xi32> -> vector<16xf32>
        %mul3A_591 = vector.broadcast %squeeze3A_526 : f32 to vector<16xf32>
        %mul3A_592 = arith.mulf %bitcast_convert_type3A_586, %mul3A_591 : vector<16xf32>
        %swap3A_593 = arith.index_cast %add3A_524 : i32 to index
        %swap3A_594 = arith.constant 64 : index
        %swap3A_595 = tpu.vector_load %arg12[%swap3A_593, %swap3A_594] {strides = array<i32>} : memref<80x128xf32, #tpu.memory_space<vmem>>, vector<1x16xf32>,
        %swap3A_596 = vector.shape_cast %swap3A_595 : vector<1x16xf32> to vector<16xf32>
        %swap3A_597 = vector.shape_cast %mul3A_592 : vector<16xf32> to vector<1x16xf32>
        tpu.vector_store %arg12[%swap3A_593, %swap3A_594], %swap3A_597 {strides = array<i32>} : memref<80x128xf32, #tpu.memory_space<vmem>>, vector<1x16xf32>,
        %mul3A_598 = vector.broadcast %squeeze3A_526 : f32 to vector<16xf32>
        %mul3A_599 = arith.mulf %bitcast_convert_type3A_590, %mul3A_598 : vector<16xf32>
        %swap3A_600 = arith.index_cast %add3A_524 : i32 to index
        %swap3A_601 = arith.constant 80 : index
        %swap3A_602 = tpu.vector_load %arg12[%swap3A_600, %swap3A_601] {strides = array<i32>} : memref<80x128xf32, #tpu.memory_space<vmem>>, vector<1x16xf32>,
        %swap3A_603 = vector.shape_cast %swap3A_602 : vector<1x16xf32> to vector<16xf32>
        %swap3A_604 = vector.shape_cast %mul3A_599 : vector<16xf32> to vector<1x16xf32>
        tpu.vector_store %arg12[%swap3A_600, %swap3A_601], %swap3A_604 {strides = array<i32>} : memref<80x128xf32, #tpu.memory_space<vmem>>, vector<1x16xf32>,
        %get3A_605 = arith.index_cast %add3A_524 : i32 to index
        %get3A_606 = arith.constant 48 : index
        %get3A_607 = tpu.vector_load %arg11[%get3A_605, %get3A_606] {strides = array<i32>} : memref<80x64xi32, #tpu.memory_space<vmem>>, vector<1x16xi32>,
        %get3A_608 = vector.shape_cast %get3A_607 : vector<1x16xi32> to vector<16xi32>
        %shift_left3A_609 = arith.constant 16 : i32
        %shift_left3A_610 = vector.broadcast %shift_left3A_609 : i32 to vector<16xi32>
        %shift_left3A_611 = arith.shli %get3A_608, %shift_left3A_610 : vector<16xi32>
        %bitcast_convert_type3A_612 = tpu.bitcast %shift_left3A_611 : vector<16xi32> -> vector<16xf32>
        %and3A_613 = arith.constant -65536 : i32
        %and3A_614 = vector.broadcast %and3A_613 : i32 to vector<16xi32>
        %and3A_615 = arith.andi %get3A_608, %and3A_614 : vector<16xi32>
        %bitcast_convert_type3A_616 = tpu.bitcast %and3A_615 : vector<16xi32> -> vector<16xf32>
        %mul3A_617 = vector.broadcast %squeeze3A_526 : f32 to vector<16xf32>
        %mul3A_618 = arith.mulf %bitcast_convert_type3A_612, %mul3A_617 : vector<16xf32>
        %swap3A_619 = arith.index_cast %add3A_524 : i32 to index
        %swap3A_620 = arith.constant 96 : index
        %swap3A_621 = tpu.vector_load %arg12[%swap3A_619, %swap3A_620] {strides = array<i32>} : memref<80x128xf32, #tpu.memory_space<vmem>>, vector<1x16xf32>,
        %swap3A_622 = vector.shape_cast %swap3A_621 : vector<1x16xf32> to vector<16xf32>
        %swap3A_623 = vector.shape_cast %mul3A_618 : vector<16xf32> to vector<1x16xf32>
        tpu.vector_store %arg12[%swap3A_619, %swap3A_620], %swap3A_623 {strides = array<i32>} : memref<80x128xf32, #tpu.memory_space<vmem>>, vector<1x16xf32>,
        %mul3A_624 = vector.broadcast %squeeze3A_526 : f32 to vector<16xf32>
        %mul3A_625 = arith.mulf %bitcast_convert_type3A_616, %mul3A_624 : vector<16xf32>
        %swap3A_626 = arith.index_cast %add3A_524 : i32 to index
        %swap3A_627 = arith.constant 112 : index
        %swap3A_628 = tpu.vector_load %arg12[%swap3A_626, %swap3A_627] {strides = array<i32>} : memref<80x128xf32, #tpu.memory_space<vmem>>, vector<1x16xf32>,
        %swap3A_629 = vector.shape_cast %swap3A_628 : vector<1x16xf32> to vector<16xf32>
        %swap3A_630 = vector.shape_cast %mul3A_625 : vector<16xf32> to vector<1x16xf32>
        tpu.vector_store %arg12[%swap3A_626, %swap3A_627], %swap3A_630 {strides = array<i32>} : memref<80x128xf32, #tpu.memory_space<vmem>>, vector<1x16xf32>,
        %mul3A_631 = arith.constant 16 : i32
        %mul3A_632 = arith.muli %scan3A_81, %mul3A_631 : i32
        %add3A_633 = arith.constant 5 : i32
        %add3A_634 = arith.addi %mul3A_632, %add3A_633 : i32
        %slice3A_635 = vector.extract_strided_slice %get3A_86 {offsets = [5], sizes = [1], strides = [1]} : vector<16xf32> to vector<1xf32>
        %squeeze3A_636 = vector.extract %slice3A_635[0] : f32 from vector<1xf32>
        %get3A_637 = arith.index_cast %add3A_634 : i32 to index
        %get3A_638 = arith.constant 0 : index
        %get3A_639 = tpu.vector_load %arg11[%get3A_637, %get3A_638] {strides = array<i32>} : memref<80x64xi32, #tpu.memory_space<vmem>>, vector<1x16xi32>,
        %get3A_640 = vector.shape_cast %get3A_639 : vector<1x16xi32> to vector<16xi32>
        %shift_left3A_641 = arith.constant 16 : i32
        %shift_left3A_642 = vector.broadcast %shift_left3A_641 : i32 to vector<16xi32>
        %shift_left3A_643 = arith.shli %get3A_640, %shift_left3A_642 : vector<16xi32>
        %bitcast_convert_type3A_644 = tpu.bitcast %shift_left3A_643 : vector<16xi32> -> vector<16xf32>
        %and3A_645 = arith.constant -65536 : i32
        %and3A_646 = vector.broadcast %and3A_645 : i32 to vector<16xi32>
        %and3A_647 = arith.andi %get3A_640, %and3A_646 : vector<16xi32>
        %bitcast_convert_type3A_648 = tpu.bitcast %and3A_647 : vector<16xi32> -> vector<16xf32>
        %mul3A_649 = vector.broadcast %squeeze3A_636 : f32 to vector<16xf32>
        %mul3A_650 = arith.mulf %bitcast_convert_type3A_644, %mul3A_649 : vector<16xf32>
        %swap3A_651 = arith.index_cast %add3A_634 : i32 to index
        %swap3A_652 = arith.constant 0 : index
        %swap3A_653 = tpu.vector_load %arg12[%swap3A_651, %swap3A_652] {strides = array<i32>} : memref<80x128xf32, #tpu.memory_space<vmem>>, vector<1x16xf32>,
        %swap3A_654 = vector.shape_cast %swap3A_653 : vector<1x16xf32> to vector<16xf32>
        %swap3A_655 = vector.shape_cast %mul3A_650 : vector<16xf32> to vector<1x16xf32>
        tpu.vector_store %arg12[%swap3A_651, %swap3A_652], %swap3A_655 {strides = array<i32>} : memref<80x128xf32, #tpu.memory_space<vmem>>, vector<1x16xf32>,
        %mul3A_656 = vector.broadcast %squeeze3A_636 : f32 to vector<16xf32>
        %mul3A_657 = arith.mulf %bitcast_convert_type3A_648, %mul3A_656 : vector<16xf32>
        %swap3A_658 = arith.index_cast %add3A_634 : i32 to index
        %swap3A_659 = arith.constant 16 : index
        %swap3A_660 = tpu.vector_load %arg12[%swap3A_658, %swap3A_659] {strides = array<i32>} : memref<80x128xf32, #tpu.memory_space<vmem>>, vector<1x16xf32>,
        %swap3A_661 = vector.shape_cast %swap3A_660 : vector<1x16xf32> to vector<16xf32>
        %swap3A_662 = vector.shape_cast %mul3A_657 : vector<16xf32> to vector<1x16xf32>
        tpu.vector_store %arg12[%swap3A_658, %swap3A_659], %swap3A_662 {strides = array<i32>} : memref<80x128xf32, #tpu.memory_space<vmem>>, vector<1x16xf32>,
        %get3A_663 = arith.index_cast %add3A_634 : i32 to index
        %get3A_664 = arith.constant 16 : index
        %get3A_665 = tpu.vector_load %arg11[%get3A_663, %get3A_664] {strides = array<i32>} : memref<80x64xi32, #tpu.memory_space<vmem>>, vector<1x16xi32>,
        %get3A_666 = vector.shape_cast %get3A_665 : vector<1x16xi32> to vector<16xi32>
        %shift_left3A_667 = arith.constant 16 : i32
        %shift_left3A_668 = vector.broadcast %shift_left3A_667 : i32 to vector<16xi32>
        %shift_left3A_669 = arith.shli %get3A_666, %shift_left3A_668 : vector<16xi32>
        %bitcast_convert_type3A_670 = tpu.bitcast %shift_left3A_669 : vector<16xi32> -> vector<16xf32>
        %and3A_671 = arith.constant -65536 : i32
        %and3A_672 = vector.broadcast %and3A_671 : i32 to vector<16xi32>
        %and3A_673 = arith.andi %get3A_666, %and3A_672 : vector<16xi32>
        %bitcast_convert_type3A_674 = tpu.bitcast %and3A_673 : vector<16xi32> -> vector<16xf32>
        %mul3A_675 = vector.broadcast %squeeze3A_636 : f32 to vector<16xf32>
        %mul3A_676 = arith.mulf %bitcast_convert_type3A_670, %mul3A_675 : vector<16xf32>
        %swap3A_677 = arith.index_cast %add3A_634 : i32 to index
        %swap3A_678 = arith.constant 32 : index
        %swap3A_679 = tpu.vector_load %arg12[%swap3A_677, %swap3A_678] {strides = array<i32>} : memref<80x128xf32, #tpu.memory_space<vmem>>, vector<1x16xf32>,
        %swap3A_680 = vector.shape_cast %swap3A_679 : vector<1x16xf32> to vector<16xf32>
        %swap3A_681 = vector.shape_cast %mul3A_676 : vector<16xf32> to vector<1x16xf32>
        tpu.vector_store %arg12[%swap3A_677, %swap3A_678], %swap3A_681 {strides = array<i32>} : memref<80x128xf32, #tpu.memory_space<vmem>>, vector<1x16xf32>,
        %mul3A_682 = vector.broadcast %squeeze3A_636 : f32 to vector<16xf32>
        %mul3A_683 = arith.mulf %bitcast_convert_type3A_674, %mul3A_682 : vector<16xf32>
        %swap3A_684 = arith.index_cast %add3A_634 : i32 to index
        %swap3A_685 = arith.constant 48 : index
        %swap3A_686 = tpu.vector_load %arg12[%swap3A_684, %swap3A_685] {strides = array<i32>} : memref<80x128xf32, #tpu.memory_space<vmem>>, vector<1x16xf32>,
        %swap3A_687 = vector.shape_cast %swap3A_686 : vector<1x16xf32> to vector<16xf32>
        %swap3A_688 = vector.shape_cast %mul3A_683 : vector<16xf32> to vector<1x16xf32>
        tpu.vector_store %arg12[%swap3A_684, %swap3A_685], %swap3A_688 {strides = array<i32>} : memref<80x128xf32, #tpu.memory_space<vmem>>, vector<1x16xf32>,
        %get3A_689 = arith.index_cast %add3A_634 : i32 to index
        %get3A_690 = arith.constant 32 : index
        %get3A_691 = tpu.vector_load %arg11[%get3A_689, %get3A_690] {strides = array<i32>} : memref<80x64xi32, #tpu.memory_space<vmem>>, vector<1x16xi32>,
        %get3A_692 = vector.shape_cast %get3A_691 : vector<1x16xi32> to vector<16xi32>
        %shift_left3A_693 = arith.constant 16 : i32
        %shift_left3A_694 = vector.broadcast %shift_left3A_693 : i32 to vector<16xi32>
        %shift_left3A_695 = arith.shli %get3A_692, %shift_left3A_694 : vector<16xi32>
        %bitcast_convert_type3A_696 = tpu.bitcast %shift_left3A_695 : vector<16xi32> -> vector<16xf32>
        %and3A_697 = arith.constant -65536 : i32
        %and3A_698 = vector.broadcast %and3A_697 : i32 to vector<16xi32>
        %and3A_699 = arith.andi %get3A_692, %and3A_698 : vector<16xi32>
        %bitcast_convert_type3A_700 = tpu.bitcast %and3A_699 : vector<16xi32> -> vector<16xf32>
        %mul3A_701 = vector.broadcast %squeeze3A_636 : f32 to vector<16xf32>
        %mul3A_702 = arith.mulf %bitcast_convert_type3A_696, %mul3A_701 : vector<16xf32>
        %swap3A_703 = arith.index_cast %add3A_634 : i32 to index
        %swap3A_704 = arith.constant 64 : index
        %swap3A_705 = tpu.vector_load %arg12[%swap3A_703, %swap3A_704] {strides = array<i32>} : memref<80x128xf32, #tpu.memory_space<vmem>>, vector<1x16xf32>,
        %swap3A_706 = vector.shape_cast %swap3A_705 : vector<1x16xf32> to vector<16xf32>
        %swap3A_707 = vector.shape_cast %mul3A_702 : vector<16xf32> to vector<1x16xf32>
        tpu.vector_store %arg12[%swap3A_703, %swap3A_704], %swap3A_707 {strides = array<i32>} : memref<80x128xf32, #tpu.memory_space<vmem>>, vector<1x16xf32>,
        %mul3A_708 = vector.broadcast %squeeze3A_636 : f32 to vector<16xf32>
        %mul3A_709 = arith.mulf %bitcast_convert_type3A_700, %mul3A_708 : vector<16xf32>
        %swap3A_710 = arith.index_cast %add3A_634 : i32 to index
        %swap3A_711 = arith.constant 80 : index
        %swap3A_712 = tpu.vector_load %arg12[%swap3A_710, %swap3A_711] {strides = array<i32>} : memref<80x128xf32, #tpu.memory_space<vmem>>, vector<1x16xf32>,
        %swap3A_713 = vector.shape_cast %swap3A_712 : vector<1x16xf32> to vector<16xf32>
        %swap3A_714 = vector.shape_cast %mul3A_709 : vector<16xf32> to vector<1x16xf32>
        tpu.vector_store %arg12[%swap3A_710, %swap3A_711], %swap3A_714 {strides = array<i32>} : memref<80x128xf32, #tpu.memory_space<vmem>>, vector<1x16xf32>,
        %get3A_715 = arith.index_cast %add3A_634 : i32 to index
        %get3A_716 = arith.constant 48 : index
        %get3A_717 = tpu.vector_load %arg11[%get3A_715, %get3A_716] {strides = array<i32>} : memref<80x64xi32, #tpu.memory_space<vmem>>, vector<1x16xi32>,
        %get3A_718 = vector.shape_cast %get3A_717 : vector<1x16xi32> to vector<16xi32>
        %shift_left3A_719 = arith.constant 16 : i32
        %shift_left3A_720 = vector.broadcast %shift_left3A_719 : i32 to vector<16xi32>
        %shift_left3A_721 = arith.shli %get3A_718, %shift_left3A_720 : vector<16xi32>
        %bitcast_convert_type3A_722 = tpu.bitcast %shift_left3A_721 : vector<16xi32> -> vector<16xf32>
        %and3A_723 = arith.constant -65536 : i32
        %and3A_724 = vector.broadcast %and3A_723 : i32 to vector<16xi32>
        %and3A_725 = arith.andi %get3A_718, %and3A_724 : vector<16xi32>
        %bitcast_convert_type3A_726 = tpu.bitcast %and3A_725 : vector<16xi32> -> vector<16xf32>
        %mul3A_727 = vector.broadcast %squeeze3A_636 : f32 to vector<16xf32>
        %mul3A_728 = arith.mulf %bitcast_convert_type3A_722, %mul3A_727 : vector<16xf32>
        %swap3A_729 = arith.index_cast %add3A_634 : i32 to index
        %swap3A_730 = arith.constant 96 : index
        %swap3A_731 = tpu.vector_load %arg12[%swap3A_729, %swap3A_730] {strides = array<i32>} : memref<80x128xf32, #tpu.memory_space<vmem>>, vector<1x16xf32>,
        %swap3A_732 = vector.shape_cast %swap3A_731 : vector<1x16xf32> to vector<16xf32>
        %swap3A_733 = vector.shape_cast %mul3A_728 : vector<16xf32> to vector<1x16xf32>
        tpu.vector_store %arg12[%swap3A_729, %swap3A_730], %swap3A_733 {strides = array<i32>} : memref<80x128xf32, #tpu.memory_space<vmem>>, vector<1x16xf32>,
        %mul3A_734 = vector.broadcast %squeeze3A_636 : f32 to vector<16xf32>
        %mul3A_735 = arith.mulf %bitcast_convert_type3A_726, %mul3A_734 : vector<16xf32>
        %swap3A_736 = arith.index_cast %add3A_634 : i32 to index
        %swap3A_737 = arith.constant 112 : index
        %swap3A_738 = tpu.vector_load %arg12[%swap3A_736, %swap3A_737] {strides = array<i32>} : memref<80x128xf32, #tpu.memory_space<vmem>>, vector<1x16xf32>,
        %swap3A_739 = vector.shape_cast %swap3A_738 : vector<1x16xf32> to vector<16xf32>
        %swap3A_740 = vector.shape_cast %mul3A_735 : vector<16xf32> to vector<1x16xf32>
        tpu.vector_store %arg12[%swap3A_736, %swap3A_737], %swap3A_740 {strides = array<i32>} : memref<80x128xf32, #tpu.memory_space<vmem>>, vector<1x16xf32>,
        %mul3A_741 = arith.constant 16 : i32
        %mul3A_742 = arith.muli %scan3A_81, %mul3A_741 : i32
        %add3A_743 = arith.constant 6 : i32
        %add3A_744 = arith.addi %mul3A_742, %add3A_743 : i32
        %slice3A_745 = vector.extract_strided_slice %get3A_86 {offsets = [6], sizes = [1], strides = [1]} : vector<16xf32> to vector<1xf32>
        %squeeze3A_746 = vector.extract %slice3A_745[0] : f32 from vector<1xf32>
        %get3A_747 = arith.index_cast %add3A_744 : i32 to index
        %get3A_748 = arith.constant 0 : index
        %get3A_749 = tpu.vector_load %arg11[%get3A_747, %get3A_748] {strides = array<i32>} : memref<80x64xi32, #tpu.memory_space<vmem>>, vector<1x16xi32>,
        %get3A_750 = vector.shape_cast %get3A_749 : vector<1x16xi32> to vector<16xi32>
        %shift_left3A_751 = arith.constant 16 : i32
        %shift_left3A_752 = vector.broadcast %shift_left3A_751 : i32 to vector<16xi32>
        %shift_left3A_753 = arith.shli %get3A_750, %shift_left3A_752 : vector<16xi32>
        %bitcast_convert_type3A_754 = tpu.bitcast %shift_left3A_753 : vector<16xi32> -> vector<16xf32>
        %and3A_755 = arith.constant -65536 : i32
        %and3A_756 = vector.broadcast %and3A_755 : i32 to vector<16xi32>
        %and3A_757 = arith.andi %get3A_750, %and3A_756 : vector<16xi32>
        %bitcast_convert_type3A_758 = tpu.bitcast %and3A_757 : vector<16xi32> -> vector<16xf32>
        %mul3A_759 = vector.broadcast %squeeze3A_746 : f32 to vector<16xf32>
        %mul3A_760 = arith.mulf %bitcast_convert_type3A_754, %mul3A_759 : vector<16xf32>
        %swap3A_761 = arith.index_cast %add3A_744 : i32 to index
        %swap3A_762 = arith.constant 0 : index
        %swap3A_763 = tpu.vector_load %arg12[%swap3A_761, %swap3A_762] {strides = array<i32>} : memref<80x128xf32, #tpu.memory_space<vmem>>, vector<1x16xf32>,
        %swap3A_764 = vector.shape_cast %swap3A_763 : vector<1x16xf32> to vector<16xf32>
        %swap3A_765 = vector.shape_cast %mul3A_760 : vector<16xf32> to vector<1x16xf32>
        tpu.vector_store %arg12[%swap3A_761, %swap3A_762], %swap3A_765 {strides = array<i32>} : memref<80x128xf32, #tpu.memory_space<vmem>>, vector<1x16xf32>,
        %mul3A_766 = vector.broadcast %squeeze3A_746 : f32 to vector<16xf32>
        %mul3A_767 = arith.mulf %bitcast_convert_type3A_758, %mul3A_766 : vector<16xf32>
        %swap3A_768 = arith.index_cast %add3A_744 : i32 to index
        %swap3A_769 = arith.constant 16 : index
        %swap3A_770 = tpu.vector_load %arg12[%swap3A_768, %swap3A_769] {strides = array<i32>} : memref<80x128xf32, #tpu.memory_space<vmem>>, vector<1x16xf32>,
        %swap3A_771 = vector.shape_cast %swap3A_770 : vector<1x16xf32> to vector<16xf32>
        %swap3A_772 = vector.shape_cast %mul3A_767 : vector<16xf32> to vector<1x16xf32>
        tpu.vector_store %arg12[%swap3A_768, %swap3A_769], %swap3A_772 {strides = array<i32>} : memref<80x128xf32, #tpu.memory_space<vmem>>, vector<1x16xf32>,
        %get3A_773 = arith.index_cast %add3A_744 : i32 to index
        %get3A_774 = arith.constant 16 : index
        %get3A_775 = tpu.vector_load %arg11[%get3A_773, %get3A_774] {strides = array<i32>} : memref<80x64xi32, #tpu.memory_space<vmem>>, vector<1x16xi32>,
        %get3A_776 = vector.shape_cast %get3A_775 : vector<1x16xi32> to vector<16xi32>
        %shift_left3A_777 = arith.constant 16 : i32
        %shift_left3A_778 = vector.broadcast %shift_left3A_777 : i32 to vector<16xi32>
        %shift_left3A_779 = arith.shli %get3A_776, %shift_left3A_778 : vector<16xi32>
        %bitcast_convert_type3A_780 = tpu.bitcast %shift_left3A_779 : vector<16xi32> -> vector<16xf32>
        %and3A_781 = arith.constant -65536 : i32
        %and3A_782 = vector.broadcast %and3A_781 : i32 to vector<16xi32>
        %and3A_783 = arith.andi %get3A_776, %and3A_782 : vector<16xi32>
        %bitcast_convert_type3A_784 = tpu.bitcast %and3A_783 : vector<16xi32> -> vector<16xf32>
        %mul3A_785 = vector.broadcast %squeeze3A_746 : f32 to vector<16xf32>
        %mul3A_786 = arith.mulf %bitcast_convert_type3A_780, %mul3A_785 : vector<16xf32>
        %swap3A_787 = arith.index_cast %add3A_744 : i32 to index
        %swap3A_788 = arith.constant 32 : index
        %swap3A_789 = tpu.vector_load %arg12[%swap3A_787, %swap3A_788] {strides = array<i32>} : memref<80x128xf32, #tpu.memory_space<vmem>>, vector<1x16xf32>,
        %swap3A_790 = vector.shape_cast %swap3A_789 : vector<1x16xf32> to vector<16xf32>
        %swap3A_791 = vector.shape_cast %mul3A_786 : vector<16xf32> to vector<1x16xf32>
        tpu.vector_store %arg12[%swap3A_787, %swap3A_788], %swap3A_791 {strides = array<i32>} : memref<80x128xf32, #tpu.memory_space<vmem>>, vector<1x16xf32>,
        %mul3A_792 = vector.broadcast %squeeze3A_746 : f32 to vector<16xf32>
        %mul3A_793 = arith.mulf %bitcast_convert_type3A_784, %mul3A_792 : vector<16xf32>
        %swap3A_794 = arith.index_cast %add3A_744 : i32 to index
        %swap3A_795 = arith.constant 48 : index
        %swap3A_796 = tpu.vector_load %arg12[%swap3A_794, %swap3A_795] {strides = array<i32>} : memref<80x128xf32, #tpu.memory_space<vmem>>, vector<1x16xf32>,
        %swap3A_797 = vector.shape_cast %swap3A_796 : vector<1x16xf32> to vector<16xf32>
        %swap3A_798 = vector.shape_cast %mul3A_793 : vector<16xf32> to vector<1x16xf32>
        tpu.vector_store %arg12[%swap3A_794, %swap3A_795], %swap3A_798 {strides = array<i32>} : memref<80x128xf32, #tpu.memory_space<vmem>>, vector<1x16xf32>,
        %get3A_799 = arith.index_cast %add3A_744 : i32 to index
        %get3A_800 = arith.constant 32 : index
        %get3A_801 = tpu.vector_load %arg11[%get3A_799, %get3A_800] {strides = array<i32>} : memref<80x64xi32, #tpu.memory_space<vmem>>, vector<1x16xi32>,
        %get3A_802 = vector.shape_cast %get3A_801 : vector<1x16xi32> to vector<16xi32>
        %shift_left3A_803 = arith.constant 16 : i32
        %shift_left3A_804 = vector.broadcast %shift_left3A_803 : i32 to vector<16xi32>
        %shift_left3A_805 = arith.shli %get3A_802, %shift_left3A_804 : vector<16xi32>
        %bitcast_convert_type3A_806 = tpu.bitcast %shift_left3A_805 : vector<16xi32> -> vector<16xf32>
        %and3A_807 = arith.constant -65536 : i32
        %and3A_808 = vector.broadcast %and3A_807 : i32 to vector<16xi32>
        %and3A_809 = arith.andi %get3A_802, %and3A_808 : vector<16xi32>
        %bitcast_convert_type3A_810 = tpu.bitcast %and3A_809 : vector<16xi32> -> vector<16xf32>
        %mul3A_811 = vector.broadcast %squeeze3A_746 : f32 to vector<16xf32>
        %mul3A_812 = arith.mulf %bitcast_convert_type3A_806, %mul3A_811 : vector<16xf32>
        %swap3A_813 = arith.index_cast %add3A_744 : i32 to index
        %swap3A_814 = arith.constant 64 : index
        %swap3A_815 = tpu.vector_load %arg12[%swap3A_813, %swap3A_814] {strides = array<i32>} : memref<80x128xf32, #tpu.memory_space<vmem>>, vector<1x16xf32>,
        %swap3A_816 = vector.shape_cast %swap3A_815 : vector<1x16xf32> to vector<16xf32>
        %swap3A_817 = vector.shape_cast %mul3A_812 : vector<16xf32> to vector<1x16xf32>
        tpu.vector_store %arg12[%swap3A_813, %swap3A_814], %swap3A_817 {strides = array<i32>} : memref<80x128xf32, #tpu.memory_space<vmem>>, vector<1x16xf32>,
        %mul3A_818 = vector.broadcast %squeeze3A_746 : f32 to vector<16xf32>
        %mul3A_819 = arith.mulf %bitcast_convert_type3A_810, %mul3A_818 : vector<16xf32>
        %swap3A_820 = arith.index_cast %add3A_744 : i32 to index
        %swap3A_821 = arith.constant 80 : index
        %swap3A_822 = tpu.vector_load %arg12[%swap3A_820, %swap3A_821] {strides = array<i32>} : memref<80x128xf32, #tpu.memory_space<vmem>>, vector<1x16xf32>,
        %swap3A_823 = vector.shape_cast %swap3A_822 : vector<1x16xf32> to vector<16xf32>
        %swap3A_824 = vector.shape_cast %mul3A_819 : vector<16xf32> to vector<1x16xf32>
        tpu.vector_store %arg12[%swap3A_820, %swap3A_821], %swap3A_824 {strides = array<i32>} : memref<80x128xf32, #tpu.memory_space<vmem>>, vector<1x16xf32>,
        %get3A_825 = arith.index_cast %add3A_744 : i32 to index
        %get3A_826 = arith.constant 48 : index
        %get3A_827 = tpu.vector_load %arg11[%get3A_825, %get3A_826] {strides = array<i32>} : memref<80x64xi32, #tpu.memory_space<vmem>>, vector<1x16xi32>,
        %get3A_828 = vector.shape_cast %get3A_827 : vector<1x16xi32> to vector<16xi32>
        %shift_left3A_829 = arith.constant 16 : i32
        %shift_left3A_830 = vector.broadcast %shift_left3A_829 : i32 to vector<16xi32>
        %shift_left3A_831 = arith.shli %get3A_828, %shift_left3A_830 : vector<16xi32>
        %bitcast_convert_type3A_832 = tpu.bitcast %shift_left3A_831 : vector<16xi32> -> vector<16xf32>
        %and3A_833 = arith.constant -65536 : i32
        %and3A_834 = vector.broadcast %and3A_833 : i32 to vector<16xi32>
        %and3A_835 = arith.andi %get3A_828, %and3A_834 : vector<16xi32>
        %bitcast_convert_type3A_836 = tpu.bitcast %and3A_835 : vector<16xi32> -> vector<16xf32>
        %mul3A_837 = vector.broadcast %squeeze3A_746 : f32 to vector<16xf32>
        %mul3A_838 = arith.mulf %bitcast_convert_type3A_832, %mul3A_837 : vector<16xf32>
        %swap3A_839 = arith.index_cast %add3A_744 : i32 to index
        %swap3A_840 = arith.constant 96 : index
        %swap3A_841 = tpu.vector_load %arg12[%swap3A_839, %swap3A_840] {strides = array<i32>} : memref<80x128xf32, #tpu.memory_space<vmem>>, vector<1x16xf32>,
        %swap3A_842 = vector.shape_cast %swap3A_841 : vector<1x16xf32> to vector<16xf32>
        %swap3A_843 = vector.shape_cast %mul3A_838 : vector<16xf32> to vector<1x16xf32>
        tpu.vector_store %arg12[%swap3A_839, %swap3A_840], %swap3A_843 {strides = array<i32>} : memref<80x128xf32, #tpu.memory_space<vmem>>, vector<1x16xf32>,
        %mul3A_844 = vector.broadcast %squeeze3A_746 : f32 to vector<16xf32>
        %mul3A_845 = arith.mulf %bitcast_convert_type3A_836, %mul3A_844 : vector<16xf32>
        %swap3A_846 = arith.index_cast %add3A_744 : i32 to index
        %swap3A_847 = arith.constant 112 : index
        %swap3A_848 = tpu.vector_load %arg12[%swap3A_846, %swap3A_847] {strides = array<i32>} : memref<80x128xf32, #tpu.memory_space<vmem>>, vector<1x16xf32>,
        %swap3A_849 = vector.shape_cast %swap3A_848 : vector<1x16xf32> to vector<16xf32>
        %swap3A_850 = vector.shape_cast %mul3A_845 : vector<16xf32> to vector<1x16xf32>
        tpu.vector_store %arg12[%swap3A_846, %swap3A_847], %swap3A_850 {strides = array<i32>} : memref<80x128xf32, #tpu.memory_space<vmem>>, vector<1x16xf32>,
        %mul3A_851 = arith.constant 16 : i32
        %mul3A_852 = arith.muli %scan3A_81, %mul3A_851 : i32
        %add3A_853 = arith.constant 7 : i32
        %add3A_854 = arith.addi %mul3A_852, %add3A_853 : i32
        %slice3A_855 = vector.extract_strided_slice %get3A_86 {offsets = [7], sizes = [1], strides = [1]} : vector<16xf32> to vector<1xf32>
        %squeeze3A_856 = vector.extract %slice3A_855[0] : f32 from vector<1xf32>
        %get3A_857 = arith.index_cast %add3A_854 : i32 to index
        %get3A_858 = arith.constant 0 : index
        %get3A_859 = tpu.vector_load %arg11[%get3A_857, %get3A_858] {strides = array<i32>} : memref<80x64xi32, #tpu.memory_space<vmem>>, vector<1x16xi32>,
        %get3A_860 = vector.shape_cast %get3A_859 : vector<1x16xi32> to vector<16xi32>
        %shift_left3A_861 = arith.constant 16 : i32
        %shift_left3A_862 = vector.broadcast %shift_left3A_861 : i32 to vector<16xi32>
        %shift_left3A_863 = arith.shli %get3A_860, %shift_left3A_862 : vector<16xi32>
        %bitcast_convert_type3A_864 = tpu.bitcast %shift_left3A_863 : vector<16xi32> -> vector<16xf32>
        %and3A_865 = arith.constant -65536 : i32
        %and3A_866 = vector.broadcast %and3A_865 : i32 to vector<16xi32>
        %and3A_867 = arith.andi %get3A_860, %and3A_866 : vector<16xi32>
        %bitcast_convert_type3A_868 = tpu.bitcast %and3A_867 : vector<16xi32> -> vector<16xf32>
        %mul3A_869 = vector.broadcast %squeeze3A_856 : f32 to vector<16xf32>
        %mul3A_870 = arith.mulf %bitcast_convert_type3A_864, %mul3A_869 : vector<16xf32>
        %swap3A_871 = arith.index_cast %add3A_854 : i32 to index
        %swap3A_872 = arith.constant 0 : index
        %swap3A_873 = tpu.vector_load %arg12[%swap3A_871, %swap3A_872] {strides = array<i32>} : memref<80x128xf32, #tpu.memory_space<vmem>>, vector<1x16xf32>,
        %swap3A_874 = vector.shape_cast %swap3A_873 : vector<1x16xf32> to vector<16xf32>
        %swap3A_875 = vector.shape_cast %mul3A_870 : vector<16xf32> to vector<1x16xf32>
        tpu.vector_store %arg12[%swap3A_871, %swap3A_872], %swap3A_875 {strides = array<i32>} : memref<80x128xf32, #tpu.memory_space<vmem>>, vector<1x16xf32>,
        %mul3A_876 = vector.broadcast %squeeze3A_856 : f32 to vector<16xf32>
        %mul3A_877 = arith.mulf %bitcast_convert_type3A_868, %mul3A_876 : vector<16xf32>
        %swap3A_878 = arith.index_cast %add3A_854 : i32 to index
        %swap3A_879 = arith.constant 16 : index
        %swap3A_880 = tpu.vector_load %arg12[%swap3A_878, %swap3A_879] {strides = array<i32>} : memref<80x128xf32, #tpu.memory_space<vmem>>, vector<1x16xf32>,
        %swap3A_881 = vector.shape_cast %swap3A_880 : vector<1x16xf32> to vector<16xf32>
        %swap3A_882 = vector.shape_cast %mul3A_877 : vector<16xf32> to vector<1x16xf32>
        tpu.vector_store %arg12[%swap3A_878, %swap3A_879], %swap3A_882 {strides = array<i32>} : memref<80x128xf32, #tpu.memory_space<vmem>>, vector<1x16xf32>,
        %get3A_883 = arith.index_cast %add3A_854 : i32 to index
        %get3A_884 = arith.constant 16 : index
        %get3A_885 = tpu.vector_load %arg11[%get3A_883, %get3A_884] {strides = array<i32>} : memref<80x64xi32, #tpu.memory_space<vmem>>, vector<1x16xi32>,
        %get3A_886 = vector.shape_cast %get3A_885 : vector<1x16xi32> to vector<16xi32>
        %shift_left3A_887 = arith.constant 16 : i32
        %shift_left3A_888 = vector.broadcast %shift_left3A_887 : i32 to vector<16xi32>
        %shift_left3A_889 = arith.shli %get3A_886, %shift_left3A_888 : vector<16xi32>
        %bitcast_convert_type3A_890 = tpu.bitcast %shift_left3A_889 : vector<16xi32> -> vector<16xf32>
        %and3A_891 = arith.constant -65536 : i32
        %and3A_892 = vector.broadcast %and3A_891 : i32 to vector<16xi32>
        %and3A_893 = arith.andi %get3A_886, %and3A_892 : vector<16xi32>
        %bitcast_convert_type3A_894 = tpu.bitcast %and3A_893 : vector<16xi32> -> vector<16xf32>
        %mul3A_895 = vector.broadcast %squeeze3A_856 : f32 to vector<16xf32>
        %mul3A_896 = arith.mulf %bitcast_convert_type3A_890, %mul3A_895 : vector<16xf32>
        %swap3A_897 = arith.index_cast %add3A_854 : i32 to index
        %swap3A_898 = arith.constant 32 : index
        %swap3A_899 = tpu.vector_load %arg12[%swap3A_897, %swap3A_898] {strides = array<i32>} : memref<80x128xf32, #tpu.memory_space<vmem>>, vector<1x16xf32>,
        %swap3A_900 = vector.shape_cast %swap3A_899 : vector<1x16xf32> to vector<16xf32>
        %swap3A_901 = vector.shape_cast %mul3A_896 : vector<16xf32> to vector<1x16xf32>
        tpu.vector_store %arg12[%swap3A_897, %swap3A_898], %swap3A_901 {strides = array<i32>} : memref<80x128xf32, #tpu.memory_space<vmem>>, vector<1x16xf32>,
        %mul3A_902 = vector.broadcast %squeeze3A_856 : f32 to vector<16xf32>
        %mul3A_903 = arith.mulf %bitcast_convert_type3A_894, %mul3A_902 : vector<16xf32>
        %swap3A_904 = arith.index_cast %add3A_854 : i32 to index
        %swap3A_905 = arith.constant 48 : index
        %swap3A_906 = tpu.vector_load %arg12[%swap3A_904, %swap3A_905] {strides = array<i32>} : memref<80x128xf32, #tpu.memory_space<vmem>>, vector<1x16xf32>,
        %swap3A_907 = vector.shape_cast %swap3A_906 : vector<1x16xf32> to vector<16xf32>
        %swap3A_908 = vector.shape_cast %mul3A_903 : vector<16xf32> to vector<1x16xf32>
        tpu.vector_store %arg12[%swap3A_904, %swap3A_905], %swap3A_908 {strides = array<i32>} : memref<80x128xf32, #tpu.memory_space<vmem>>, vector<1x16xf32>,
        %get3A_909 = arith.index_cast %add3A_854 : i32 to index
        %get3A_910 = arith.constant 32 : index
        %get3A_911 = tpu.vector_load %arg11[%get3A_909, %get3A_910] {strides = array<i32>} : memref<80x64xi32, #tpu.memory_space<vmem>>, vector<1x16xi32>,
        %get3A_912 = vector.shape_cast %get3A_911 : vector<1x16xi32> to vector<16xi32>
        %shift_left3A_913 = arith.constant 16 : i32
        %shift_left3A_914 = vector.broadcast %shift_left3A_913 : i32 to vector<16xi32>
        %shift_left3A_915 = arith.shli %get3A_912, %shift_left3A_914 : vector<16xi32>
        %bitcast_convert_type3A_916 = tpu.bitcast %shift_left3A_915 : vector<16xi32> -> vector<16xf32>
        %and3A_917 = arith.constant -65536 : i32
        %and3A_918 = vector.broadcast %and3A_917 : i32 to vector<16xi32>
        %and3A_919 = arith.andi %get3A_912, %and3A_918 : vector<16xi32>
        %bitcast_convert_type3A_920 = tpu.bitcast %and3A_919 : vector<16xi32> -> vector<16xf32>
        %mul3A_921 = vector.broadcast %squeeze3A_856 : f32 to vector<16xf32>
        %mul3A_922 = arith.mulf %bitcast_convert_type3A_916, %mul3A_921 : vector<16xf32>
        %swap3A_923 = arith.index_cast %add3A_854 : i32 to index
        %swap3A_924 = arith.constant 64 : index
        %swap3A_925 = tpu.vector_load %arg12[%swap3A_923, %swap3A_924] {strides = array<i32>} : memref<80x128xf32, #tpu.memory_space<vmem>>, vector<1x16xf32>,
        %swap3A_926 = vector.shape_cast %swap3A_925 : vector<1x16xf32> to vector<16xf32>
        %swap3A_927 = vector.shape_cast %mul3A_922 : vector<16xf32> to vector<1x16xf32>
        tpu.vector_store %arg12[%swap3A_923, %swap3A_924], %swap3A_927 {strides = array<i32>} : memref<80x128xf32, #tpu.memory_space<vmem>>, vector<1x16xf32>,
        %mul3A_928 = vector.broadcast %squeeze3A_856 : f32 to vector<16xf32>
        %mul3A_929 = arith.mulf %bitcast_convert_type3A_920, %mul3A_928 : vector<16xf32>
        %swap3A_930 = arith.index_cast %add3A_854 : i32 to index
        %swap3A_931 = arith.constant 80 : index
        %swap3A_932 = tpu.vector_load %arg12[%swap3A_930, %swap3A_931] {strides = array<i32>} : memref<80x128xf32, #tpu.memory_space<vmem>>, vector<1x16xf32>,
        %swap3A_933 = vector.shape_cast %swap3A_932 : vector<1x16xf32> to vector<16xf32>
        %swap3A_934 = vector.shape_cast %mul3A_929 : vector<16xf32> to vector<1x16xf32>
        tpu.vector_store %arg12[%swap3A_930, %swap3A_931], %swap3A_934 {strides = array<i32>} : memref<80x128xf32, #tpu.memory_space<vmem>>, vector<1x16xf32>,
        %get3A_935 = arith.index_cast %add3A_854 : i32 to index
        %get3A_936 = arith.constant 48 : index
        %get3A_937 = tpu.vector_load %arg11[%get3A_935, %get3A_936] {strides = array<i32>} : memref<80x64xi32, #tpu.memory_space<vmem>>, vector<1x16xi32>,
        %get3A_938 = vector.shape_cast %get3A_937 : vector<1x16xi32> to vector<16xi32>
        %shift_left3A_939 = arith.constant 16 : i32
        %shift_left3A_940 = vector.broadcast %shift_left3A_939 : i32 to vector<16xi32>
        %shift_left3A_941 = arith.shli %get3A_938, %shift_left3A_940 : vector<16xi32>
        %bitcast_convert_type3A_942 = tpu.bitcast %shift_left3A_941 : vector<16xi32> -> vector<16xf32>
        %and3A_943 = arith.constant -65536 : i32
        %and3A_944 = vector.broadcast %and3A_943 : i32 to vector<16xi32>
        %and3A_945 = arith.andi %get3A_938, %and3A_944 : vector<16xi32>
        %bitcast_convert_type3A_946 = tpu.bitcast %and3A_945 : vector<16xi32> -> vector<16xf32>
        %mul3A_947 = vector.broadcast %squeeze3A_856 : f32 to vector<16xf32>
        %mul3A_948 = arith.mulf %bitcast_convert_type3A_942, %mul3A_947 : vector<16xf32>
        %swap3A_949 = arith.index_cast %add3A_854 : i32 to index
        %swap3A_950 = arith.constant 96 : index
        %swap3A_951 = tpu.vector_load %arg12[%swap3A_949, %swap3A_950] {strides = array<i32>} : memref<80x128xf32, #tpu.memory_space<vmem>>, vector<1x16xf32>,
        %swap3A_952 = vector.shape_cast %swap3A_951 : vector<1x16xf32> to vector<16xf32>
        %swap3A_953 = vector.shape_cast %mul3A_948 : vector<16xf32> to vector<1x16xf32>
        tpu.vector_store %arg12[%swap3A_949, %swap3A_950], %swap3A_953 {strides = array<i32>} : memref<80x128xf32, #tpu.memory_space<vmem>>, vector<1x16xf32>,
        %mul3A_954 = vector.broadcast %squeeze3A_856 : f32 to vector<16xf32>
        %mul3A_955 = arith.mulf %bitcast_convert_type3A_946, %mul3A_954 : vector<16xf32>
        %swap3A_956 = arith.index_cast %add3A_854 : i32 to index
        %swap3A_957 = arith.constant 112 : index
        %swap3A_958 = tpu.vector_load %arg12[%swap3A_956, %swap3A_957] {strides = array<i32>} : memref<80x128xf32, #tpu.memory_space<vmem>>, vector<1x16xf32>,
        %swap3A_959 = vector.shape_cast %swap3A_958 : vector<1x16xf32> to vector<16xf32>
        %swap3A_960 = vector.shape_cast %mul3A_955 : vector<16xf32> to vector<1x16xf32>
        tpu.vector_store %arg12[%swap3A_956, %swap3A_957], %swap3A_960 {strides = array<i32>} : memref<80x128xf32, #tpu.memory_space<vmem>>, vector<1x16xf32>,
        %mul3A_961 = arith.constant 16 : i32
        %mul3A_962 = arith.muli %scan3A_81, %mul3A_961 : i32
        %add3A_963 = arith.constant 8 : i32
        %add3A_964 = arith.addi %mul3A_962, %add3A_963 : i32
        %slice3A_965 = vector.extract_strided_slice %get3A_86 {offsets = [8], sizes = [1], strides = [1]} : vector<16xf32> to vector<1xf32>
        %squeeze3A_966 = vector.extract %slice3A_965[0] : f32 from vector<1xf32>
        %get3A_967 = arith.index_cast %add3A_964 : i32 to index
        %get3A_968 = arith.constant 0 : index
        %get3A_969 = tpu.vector_load %arg11[%get3A_967, %get3A_968] {strides = array<i32>} : memref<80x64xi32, #tpu.memory_space<vmem>>, vector<1x16xi32>,
        %get3A_970 = vector.shape_cast %get3A_969 : vector<1x16xi32> to vector<16xi32>
        %shift_left3A_971 = arith.constant 16 : i32
        %shift_left3A_972 = vector.broadcast %shift_left3A_971 : i32 to vector<16xi32>
        %shift_left3A_973 = arith.shli %get3A_970, %shift_left3A_972 : vector<16xi32>
        %bitcast_convert_type3A_974 = tpu.bitcast %shift_left3A_973 : vector<16xi32> -> vector<16xf32>
        %and3A_975 = arith.constant -65536 : i32
        %and3A_976 = vector.broadcast %and3A_975 : i32 to vector<16xi32>
        %and3A_977 = arith.andi %get3A_970, %and3A_976 : vector<16xi32>
        %bitcast_convert_type3A_978 = tpu.bitcast %and3A_977 : vector<16xi32> -> vector<16xf32>
        %mul3A_979 = vector.broadcast %squeeze3A_966 : f32 to vector<16xf32>
        %mul3A_980 = arith.mulf %bitcast_convert_type3A_974, %mul3A_979 : vector<16xf32>
        %swap3A_981 = arith.index_cast %add3A_964 : i32 to index
        %swap3A_982 = arith.constant 0 : index
        %swap3A_983 = tpu.vector_load %arg12[%swap3A_981, %swap3A_982] {strides = array<i32>} : memref<80x128xf32, #tpu.memory_space<vmem>>, vector<1x16xf32>,
        %swap3A_984 = vector.shape_cast %swap3A_983 : vector<1x16xf32> to vector<16xf32>
        %swap3A_985 = vector.shape_cast %mul3A_980 : vector<16xf32> to vector<1x16xf32>
        tpu.vector_store %arg12[%swap3A_981, %swap3A_982], %swap3A_985 {strides = array<i32>} : memref<80x128xf32, #tpu.memory_space<vmem>>, vector<1x16xf32>,
        %mul3A_986 = vector.broadcast %squeeze3A_966 : f32 to vector<16xf32>
        %mul3A_987 = arith.mulf %bitcast_convert_type3A_978, %mul3A_986 : vector<16xf32>
        %swap3A_988 = arith.index_cast %add3A_964 : i32 to index
        %swap3A_989 = arith.constant 16 : index
        %swap3A_990 = tpu.vector_load %arg12[%swap3A_988, %swap3A_989] {strides = array<i32>} : memref<80x128xf32, #tpu.memory_space<vmem>>, vector<1x16xf32>,
        %swap3A_991 = vector.shape_cast %swap3A_990 : vector<1x16xf32> to vector<16xf32>
        %swap3A_992 = vector.shape_cast %mul3A_987 : vector<16xf32> to vector<1x16xf32>
        tpu.vector_store %arg12[%swap3A_988, %swap3A_989], %swap3A_992 {strides = array<i32>} : memref<80x128xf32, #tpu.memory_space<vmem>>, vector<1x16xf32>,
        %get3A_993 = arith.index_cast %add3A_964 : i32 to index
        %get3A_994 = arith.constant 16 : index
        %get3A_995 = tpu.vector_load %arg11[%get3A_993, %get3A_994] {strides = array<i32>} : memref<80x64xi32, #tpu.memory_space<vmem>>, vector<1x16xi32>,
        %get3A_996 = vector.shape_cast %get3A_995 : vector<1x16xi32> to vector<16xi32>
        %shift_left3A_997 = arith.constant 16 : i32
        %shift_left3A_998 = vector.broadcast %shift_left3A_997 : i32 to vector<16xi32>
        %shift_left3A_999 = arith.shli %get3A_996, %shift_left3A_998 : vector<16xi32>
        %bitcast_convert_type3A_1000 = tpu.bitcast %shift_left3A_999 : vector<16xi32> -> vector<16xf32>
        %and3A_1001 = arith.constant -65536 : i32
        %and3A_1002 = vector.broadcast %and3A_1001 : i32 to vector<16xi32>
        %and3A_1003 = arith.andi %get3A_996, %and3A_1002 : vector<16xi32>
        %bitcast_convert_type3A_1004 = tpu.bitcast %and3A_1003 : vector<16xi32> -> vector<16xf32>
        %mul3A_1005 = vector.broadcast %squeeze3A_966 : f32 to vector<16xf32>
        %mul3A_1006 = arith.mulf %bitcast_convert_type3A_1000, %mul3A_1005 : vector<16xf32>
        %swap3A_1007 = arith.index_cast %add3A_964 : i32 to index
        %swap3A_1008 = arith.constant 32 : index
        %swap3A_1009 = tpu.vector_load %arg12[%swap3A_1007, %swap3A_1008] {strides = array<i32>} : memref<80x128xf32, #tpu.memory_space<vmem>>, vector<1x16xf32>,
        %swap3A_1010 = vector.shape_cast %swap3A_1009 : vector<1x16xf32> to vector<16xf32>
        %swap3A_1011 = vector.shape_cast %mul3A_1006 : vector<16xf32> to vector<1x16xf32>
        tpu.vector_store %arg12[%swap3A_1007, %swap3A_1008], %swap3A_1011 {strides = array<i32>} : memref<80x128xf32, #tpu.memory_space<vmem>>, vector<1x16xf32>,
        %mul3A_1012 = vector.broadcast %squeeze3A_966 : f32 to vector<16xf32>
        %mul3A_1013 = arith.mulf %bitcast_convert_type3A_1004, %mul3A_1012 : vector<16xf32>
        %swap3A_1014 = arith.index_cast %add3A_964 : i32 to index
        %swap3A_1015 = arith.constant 48 : index
        %swap3A_1016 = tpu.vector_load %arg12[%swap3A_1014, %swap3A_1015] {strides = array<i32>} : memref<80x128xf32, #tpu.memory_space<vmem>>, vector<1x16xf32>,
        %swap3A_1017 = vector.shape_cast %swap3A_1016 : vector<1x16xf32> to vector<16xf32>
        %swap3A_1018 = vector.shape_cast %mul3A_1013 : vector<16xf32> to vector<1x16xf32>
        tpu.vector_store %arg12[%swap3A_1014, %swap3A_1015], %swap3A_1018 {strides = array<i32>} : memref<80x128xf32, #tpu.memory_space<vmem>>, vector<1x16xf32>,
        %get3A_1019 = arith.index_cast %add3A_964 : i32 to index
        %get3A_1020 = arith.constant 32 : index
        %get3A_1021 = tpu.vector_load %arg11[%get3A_1019, %get3A_1020] {strides = array<i32>} : memref<80x64xi32, #tpu.memory_space<vmem>>, vector<1x16xi32>,
        %get3A_1022 = vector.shape_cast %get3A_1021 : vector<1x16xi32> to vector<16xi32>
        %shift_left3A_1023 = arith.constant 16 : i32
        %shift_left3A_1024 = vector.broadcast %shift_left3A_1023 : i32 to vector<16xi32>
        %shift_left3A_1025 = arith.shli %get3A_1022, %shift_left3A_1024 : vector<16xi32>
        %bitcast_convert_type3A_1026 = tpu.bitcast %shift_left3A_1025 : vector<16xi32> -> vector<16xf32>
        %and3A_1027 = arith.constant -65536 : i32
        %and3A_1028 = vector.broadcast %and3A_1027 : i32 to vector<16xi32>
        %and3A_1029 = arith.andi %get3A_1022, %and3A_1028 : vector<16xi32>
        %bitcast_convert_type3A_1030 = tpu.bitcast %and3A_1029 : vector<16xi32> -> vector<16xf32>
        %mul3A_1031 = vector.broadcast %squeeze3A_966 : f32 to vector<16xf32>
        %mul3A_1032 = arith.mulf %bitcast_convert_type3A_1026, %mul3A_1031 : vector<16xf32>
        %swap3A_1033 = arith.index_cast %add3A_964 : i32 to index
        %swap3A_1034 = arith.constant 64 : index
        %swap3A_1035 = tpu.vector_load %arg12[%swap3A_1033, %swap3A_1034] {strides = array<i32>} : memref<80x128xf32, #tpu.memory_space<vmem>>, vector<1x16xf32>,
        %swap3A_1036 = vector.shape_cast %swap3A_1035 : vector<1x16xf32> to vector<16xf32>
        %swap3A_1037 = vector.shape_cast %mul3A_1032 : vector<16xf32> to vector<1x16xf32>
        tpu.vector_store %arg12[%swap3A_1033, %swap3A_1034], %swap3A_1037 {strides = array<i32>} : memref<80x128xf32, #tpu.memory_space<vmem>>, vector<1x16xf32>,
        %mul3A_1038 = vector.broadcast %squeeze3A_966 : f32 to vector<16xf32>
        %mul3A_1039 = arith.mulf %bitcast_convert_type3A_1030, %mul3A_1038 : vector<16xf32>
        %swap3A_1040 = arith.index_cast %add3A_964 : i32 to index
        %swap3A_1041 = arith.constant 80 : index
        %swap3A_1042 = tpu.vector_load %arg12[%swap3A_1040, %swap3A_1041] {strides = array<i32>} : memref<80x128xf32, #tpu.memory_space<vmem>>, vector<1x16xf32>,
        %swap3A_1043 = vector.shape_cast %swap3A_1042 : vector<1x16xf32> to vector<16xf32>
        %swap3A_1044 = vector.shape_cast %mul3A_1039 : vector<16xf32> to vector<1x16xf32>
        tpu.vector_store %arg12[%swap3A_1040, %swap3A_1041], %swap3A_1044 {strides = array<i32>} : memref<80x128xf32, #tpu.memory_space<vmem>>, vector<1x16xf32>,
        %get3A_1045 = arith.index_cast %add3A_964 : i32 to index
        %get3A_1046 = arith.constant 48 : index
        %get3A_1047 = tpu.vector_load %arg11[%get3A_1045, %get3A_1046] {strides = array<i32>} : memref<80x64xi32, #tpu.memory_space<vmem>>, vector<1x16xi32>,
        %get3A_1048 = vector.shape_cast %get3A_1047 : vector<1x16xi32> to vector<16xi32>
        %shift_left3A_1049 = arith.constant 16 : i32
        %shift_left3A_1050 = vector.broadcast %shift_left3A_1049 : i32 to vector<16xi32>
        %shift_left3A_1051 = arith.shli %get3A_1048, %shift_left3A_1050 : vector<16xi32>
        %bitcast_convert_type3A_1052 = tpu.bitcast %shift_left3A_1051 : vector<16xi32> -> vector<16xf32>
        %and3A_1053 = arith.constant -65536 : i32
        %and3A_1054 = vector.broadcast %and3A_1053 : i32 to vector<16xi32>
        %and3A_1055 = arith.andi %get3A_1048, %and3A_1054 : vector<16xi32>
        %bitcast_convert_type3A_1056 = tpu.bitcast %and3A_1055 : vector<16xi32> -> vector<16xf32>
        %mul3A_1057 = vector.broadcast %squeeze3A_966 : f32 to vector<16xf32>
        %mul3A_1058 = arith.mulf %bitcast_convert_type3A_1052, %mul3A_1057 : vector<16xf32>
        %swap3A_1059 = arith.index_cast %add3A_964 : i32 to index
        %swap3A_1060 = arith.constant 96 : index
        %swap3A_1061 = tpu.vector_load %arg12[%swap3A_1059, %swap3A_1060] {strides = array<i32>} : memref<80x128xf32, #tpu.memory_space<vmem>>, vector<1x16xf32>,
        %swap3A_1062 = vector.shape_cast %swap3A_1061 : vector<1x16xf32> to vector<16xf32>
        %swap3A_1063 = vector.shape_cast %mul3A_1058 : vector<16xf32> to vector<1x16xf32>
        tpu.vector_store %arg12[%swap3A_1059, %swap3A_1060], %swap3A_1063 {strides = array<i32>} : memref<80x128xf32, #tpu.memory_space<vmem>>, vector<1x16xf32>,
        %mul3A_1064 = vector.broadcast %squeeze3A_966 : f32 to vector<16xf32>
        %mul3A_1065 = arith.mulf %bitcast_convert_type3A_1056, %mul3A_1064 : vector<16xf32>
        %swap3A_1066 = arith.index_cast %add3A_964 : i32 to index
        %swap3A_1067 = arith.constant 112 : index
        %swap3A_1068 = tpu.vector_load %arg12[%swap3A_1066, %swap3A_1067] {strides = array<i32>} : memref<80x128xf32, #tpu.memory_space<vmem>>, vector<1x16xf32>,
        %swap3A_1069 = vector.shape_cast %swap3A_1068 : vector<1x16xf32> to vector<16xf32>
        %swap3A_1070 = vector.shape_cast %mul3A_1065 : vector<16xf32> to vector<1x16xf32>
        tpu.vector_store %arg12[%swap3A_1066, %swap3A_1067], %swap3A_1070 {strides = array<i32>} : memref<80x128xf32, #tpu.memory_space<vmem>>, vector<1x16xf32>,
        %mul3A_1071 = arith.constant 16 : i32
        %mul3A_1072 = arith.muli %scan3A_81, %mul3A_1071 : i32
        %add3A_1073 = arith.constant 9 : i32
        %add3A_1074 = arith.addi %mul3A_1072, %add3A_1073 : i32
        %slice3A_1075 = vector.extract_strided_slice %get3A_86 {offsets = [9], sizes = [1], strides = [1]} : vector<16xf32> to vector<1xf32>
        %squeeze3A_1076 = vector.extract %slice3A_1075[0] : f32 from vector<1xf32>
        %get3A_1077 = arith.index_cast %add3A_1074 : i32 to index
        %get3A_1078 = arith.constant 0 : index
        %get3A_1079 = tpu.vector_load %arg11[%get3A_1077, %get3A_1078] {strides = array<i32>} : memref<80x64xi32, #tpu.memory_space<vmem>>, vector<1x16xi32>,
        %get3A_1080 = vector.shape_cast %get3A_1079 : vector<1x16xi32> to vector<16xi32>
        %shift_left3A_1081 = arith.constant 16 : i32
        %shift_left3A_1082 = vector.broadcast %shift_left3A_1081 : i32 to vector<16xi32>
        %shift_left3A_1083 = arith.shli %get3A_1080, %shift_left3A_1082 : vector<16xi32>
        %bitcast_convert_type3A_1084 = tpu.bitcast %shift_left3A_1083 : vector<16xi32> -> vector<16xf32>
        %and3A_1085 = arith.constant -65536 : i32
        %and3A_1086 = vector.broadcast %and3A_1085 : i32 to vector<16xi32>
        %and3A_1087 = arith.andi %get3A_1080, %and3A_1086 : vector<16xi32>
        %bitcast_convert_type3A_1088 = tpu.bitcast %and3A_1087 : vector<16xi32> -> vector<16xf32>
        %mul3A_1089 = vector.broadcast %squeeze3A_1076 : f32 to vector<16xf32>
        %mul3A_1090 = arith.mulf %bitcast_convert_type3A_1084, %mul3A_1089 : vector<16xf32>
        %swap3A_1091 = arith.index_cast %add3A_1074 : i32 to index
        %swap3A_1092 = arith.constant 0 : index
        %swap3A_1093 = tpu.vector_load %arg12[%swap3A_1091, %swap3A_1092] {strides = array<i32>} : memref<80x128xf32, #tpu.memory_space<vmem>>, vector<1x16xf32>,
        %swap3A_1094 = vector.shape_cast %swap3A_1093 : vector<1x16xf32> to vector<16xf32>
        %swap3A_1095 = vector.shape_cast %mul3A_1090 : vector<16xf32> to vector<1x16xf32>
        tpu.vector_store %arg12[%swap3A_1091, %swap3A_1092], %swap3A_1095 {strides = array<i32>} : memref<80x128xf32, #tpu.memory_space<vmem>>, vector<1x16xf32>,
        %mul3A_1096 = vector.broadcast %squeeze3A_1076 : f32 to vector<16xf32>
        %mul3A_1097 = arith.mulf %bitcast_convert_type3A_1088, %mul3A_1096 : vector<16xf32>
        %swap3A_1098 = arith.index_cast %add3A_1074 : i32 to index
        %swap3A_1099 = arith.constant 16 : index
        %swap3A_1100 = tpu.vector_load %arg12[%swap3A_1098, %swap3A_1099] {strides = array<i32>} : memref<80x128xf32, #tpu.memory_space<vmem>>, vector<1x16xf32>,
        %swap3A_1101 = vector.shape_cast %swap3A_1100 : vector<1x16xf32> to vector<16xf32>
        %swap3A_1102 = vector.shape_cast %mul3A_1097 : vector<16xf32> to vector<1x16xf32>
        tpu.vector_store %arg12[%swap3A_1098, %swap3A_1099], %swap3A_1102 {strides = array<i32>} : memref<80x128xf32, #tpu.memory_space<vmem>>, vector<1x16xf32>,
        %get3A_1103 = arith.index_cast %add3A_1074 : i32 to index
        %get3A_1104 = arith.constant 16 : index
        %get3A_1105 = tpu.vector_load %arg11[%get3A_1103, %get3A_1104] {strides = array<i32>} : memref<80x64xi32, #tpu.memory_space<vmem>>, vector<1x16xi32>,
        %get3A_1106 = vector.shape_cast %get3A_1105 : vector<1x16xi32> to vector<16xi32>
        %shift_left3A_1107 = arith.constant 16 : i32
        %shift_left3A_1108 = vector.broadcast %shift_left3A_1107 : i32 to vector<16xi32>
        %shift_left3A_1109 = arith.shli %get3A_1106, %shift_left3A_1108 : vector<16xi32>
        %bitcast_convert_type3A_1110 = tpu.bitcast %shift_left3A_1109 : vector<16xi32> -> vector<16xf32>
        %and3A_1111 = arith.constant -65536 : i32
        %and3A_1112 = vector.broadcast %and3A_1111 : i32 to vector<16xi32>
        %and3A_1113 = arith.andi %get3A_1106, %and3A_1112 : vector<16xi32>
        %bitcast_convert_type3A_1114 = tpu.bitcast %and3A_1113 : vector<16xi32> -> vector<16xf32>
        %mul3A_1115 = vector.broadcast %squeeze3A_1076 : f32 to vector<16xf32>
        %mul3A_1116 = arith.mulf %bitcast_convert_type3A_1110, %mul3A_1115 : vector<16xf32>
        %swap3A_1117 = arith.index_cast %add3A_1074 : i32 to index
        %swap3A_1118 = arith.constant 32 : index
        %swap3A_1119 = tpu.vector_load %arg12[%swap3A_1117, %swap3A_1118] {strides = array<i32>} : memref<80x128xf32, #tpu.memory_space<vmem>>, vector<1x16xf32>,
        %swap3A_1120 = vector.shape_cast %swap3A_1119 : vector<1x16xf32> to vector<16xf32>
        %swap3A_1121 = vector.shape_cast %mul3A_1116 : vector<16xf32> to vector<1x16xf32>
        tpu.vector_store %arg12[%swap3A_1117, %swap3A_1118], %swap3A_1121 {strides = array<i32>} : memref<80x128xf32, #tpu.memory_space<vmem>>, vector<1x16xf32>,
        %mul3A_1122 = vector.broadcast %squeeze3A_1076 : f32 to vector<16xf32>
        %mul3A_1123 = arith.mulf %bitcast_convert_type3A_1114, %mul3A_1122 : vector<16xf32>
        %swap3A_1124 = arith.index_cast %add3A_1074 : i32 to index
        %swap3A_1125 = arith.constant 48 : index
        %swap3A_1126 = tpu.vector_load %arg12[%swap3A_1124, %swap3A_1125] {strides = array<i32>} : memref<80x128xf32, #tpu.memory_space<vmem>>, vector<1x16xf32>,
        %swap3A_1127 = vector.shape_cast %swap3A_1126 : vector<1x16xf32> to vector<16xf32>
        %swap3A_1128 = vector.shape_cast %mul3A_1123 : vector<16xf32> to vector<1x16xf32>
        tpu.vector_store %arg12[%swap3A_1124, %swap3A_1125], %swap3A_1128 {strides = array<i32>} : memref<80x128xf32, #tpu.memory_space<vmem>>, vector<1x16xf32>,
        %get3A_1129 = arith.index_cast %add3A_1074 : i32 to index
        %get3A_1130 = arith.constant 32 : index
        %get3A_1131 = tpu.vector_load %arg11[%get3A_1129, %get3A_1130] {strides = array<i32>} : memref<80x64xi32, #tpu.memory_space<vmem>>, vector<1x16xi32>,
        %get3A_1132 = vector.shape_cast %get3A_1131 : vector<1x16xi32> to vector<16xi32>
        %shift_left3A_1133 = arith.constant 16 : i32
        %shift_left3A_1134 = vector.broadcast %shift_left3A_1133 : i32 to vector<16xi32>
        %shift_left3A_1135 = arith.shli %get3A_1132, %shift_left3A_1134 : vector<16xi32>
        %bitcast_convert_type3A_1136 = tpu.bitcast %shift_left3A_1135 : vector<16xi32> -> vector<16xf32>
        %and3A_1137 = arith.constant -65536 : i32
        %and3A_1138 = vector.broadcast %and3A_1137 : i32 to vector<16xi32>
        %and3A_1139 = arith.andi %get3A_1132, %and3A_1138 : vector<16xi32>
        %bitcast_convert_type3A_1140 = tpu.bitcast %and3A_1139 : vector<16xi32> -> vector<16xf32>
        %mul3A_1141 = vector.broadcast %squeeze3A_1076 : f32 to vector<16xf32>
        %mul3A_1142 = arith.mulf %bitcast_convert_type3A_1136, %mul3A_1141 : vector<16xf32>
        %swap3A_1143 = arith.index_cast %add3A_1074 : i32 to index
        %swap3A_1144 = arith.constant 64 : index
        %swap3A_1145 = tpu.vector_load %arg12[%swap3A_1143, %swap3A_1144] {strides = array<i32>} : memref<80x128xf32, #tpu.memory_space<vmem>>, vector<1x16xf32>,
        %swap3A_1146 = vector.shape_cast %swap3A_1145 : vector<1x16xf32> to vector<16xf32>
        %swap3A_1147 = vector.shape_cast %mul3A_1142 : vector<16xf32> to vector<1x16xf32>
        tpu.vector_store %arg12[%swap3A_1143, %swap3A_1144], %swap3A_1147 {strides = array<i32>} : memref<80x128xf32, #tpu.memory_space<vmem>>, vector<1x16xf32>,
        %mul3A_1148 = vector.broadcast %squeeze3A_1076 : f32 to vector<16xf32>
        %mul3A_1149 = arith.mulf %bitcast_convert_type3A_1140, %mul3A_1148 : vector<16xf32>
        %swap3A_1150 = arith.index_cast %add3A_1074 : i32 to index
        %swap3A_1151 = arith.constant 80 : index
        %swap3A_1152 = tpu.vector_load %arg12[%swap3A_1150, %swap3A_1151] {strides = array<i32>} : memref<80x128xf32, #tpu.memory_space<vmem>>, vector<1x16xf32>,
        %swap3A_1153 = vector.shape_cast %swap3A_1152 : vector<1x16xf32> to vector<16xf32>
        %swap3A_1154 = vector.shape_cast %mul3A_1149 : vector<16xf32> to vector<1x16xf32>
        tpu.vector_store %arg12[%swap3A_1150, %swap3A_1151], %swap3A_1154 {strides = array<i32>} : memref<80x128xf32, #tpu.memory_space<vmem>>, vector<1x16xf32>,
        %get3A_1155 = arith.index_cast %add3A_1074 : i32 to index
        %get3A_1156 = arith.constant 48 : index
        %get3A_1157 = tpu.vector_load %arg11[%get3A_1155, %get3A_1156] {strides = array<i32>} : memref<80x64xi32, #tpu.memory_space<vmem>>, vector<1x16xi32>,
        %get3A_1158 = vector.shape_cast %get3A_1157 : vector<1x16xi32> to vector<16xi32>
        %shift_left3A_1159 = arith.constant 16 : i32
        %shift_left3A_1160 = vector.broadcast %shift_left3A_1159 : i32 to vector<16xi32>
        %shift_left3A_1161 = arith.shli %get3A_1158, %shift_left3A_1160 : vector<16xi32>
        %bitcast_convert_type3A_1162 = tpu.bitcast %shift_left3A_1161 : vector<16xi32> -> vector<16xf32>
        %and3A_1163 = arith.constant -65536 : i32
        %and3A_1164 = vector.broadcast %and3A_1163 : i32 to vector<16xi32>
        %and3A_1165 = arith.andi %get3A_1158, %and3A_1164 : vector<16xi32>
        %bitcast_convert_type3A_1166 = tpu.bitcast %and3A_1165 : vector<16xi32> -> vector<16xf32>
        %mul3A_1167 = vector.broadcast %squeeze3A_1076 : f32 to vector<16xf32>
        %mul3A_1168 = arith.mulf %bitcast_convert_type3A_1162, %mul3A_1167 : vector<16xf32>
        %swap3A_1169 = arith.index_cast %add3A_1074 : i32 to index
        %swap3A_1170 = arith.constant 96 : index
        %swap3A_1171 = tpu.vector_load %arg12[%swap3A_1169, %swap3A_1170] {strides = array<i32>} : memref<80x128xf32, #tpu.memory_space<vmem>>, vector<1x16xf32>,
        %swap3A_1172 = vector.shape_cast %swap3A_1171 : vector<1x16xf32> to vector<16xf32>
        %swap3A_1173 = vector.shape_cast %mul3A_1168 : vector<16xf32> to vector<1x16xf32>
        tpu.vector_store %arg12[%swap3A_1169, %swap3A_1170], %swap3A_1173 {strides = array<i32>} : memref<80x128xf32, #tpu.memory_space<vmem>>, vector<1x16xf32>,
        %mul3A_1174 = vector.broadcast %squeeze3A_1076 : f32 to vector<16xf32>
        %mul3A_1175 = arith.mulf %bitcast_convert_type3A_1166, %mul3A_1174 : vector<16xf32>
        %swap3A_1176 = arith.index_cast %add3A_1074 : i32 to index
        %swap3A_1177 = arith.constant 112 : index
        %swap3A_1178 = tpu.vector_load %arg12[%swap3A_1176, %swap3A_1177] {strides = array<i32>} : memref<80x128xf32, #tpu.memory_space<vmem>>, vector<1x16xf32>,
        %swap3A_1179 = vector.shape_cast %swap3A_1178 : vector<1x16xf32> to vector<16xf32>
        %swap3A_1180 = vector.shape_cast %mul3A_1175 : vector<16xf32> to vector<1x16xf32>
        tpu.vector_store %arg12[%swap3A_1176, %swap3A_1177], %swap3A_1180 {strides = array<i32>} : memref<80x128xf32, #tpu.memory_space<vmem>>, vector<1x16xf32>,
        %mul3A_1181 = arith.constant 16 : i32
        %mul3A_1182 = arith.muli %scan3A_81, %mul3A_1181 : i32
        %add3A_1183 = arith.constant 10 : i32
        %add3A_1184 = arith.addi %mul3A_1182, %add3A_1183 : i32
        %slice3A_1185 = vector.extract_strided_slice %get3A_86 {offsets = [10], sizes = [1], strides = [1]} : vector<16xf32> to vector<1xf32>
        %squeeze3A_1186 = vector.extract %slice3A_1185[0] : f32 from vector<1xf32>
        %get3A_1187 = arith.index_cast %add3A_1184 : i32 to index
        %get3A_1188 = arith.constant 0 : index
        %get3A_1189 = tpu.vector_load %arg11[%get3A_1187, %get3A_1188] {strides = array<i32>} : memref<80x64xi32, #tpu.memory_space<vmem>>, vector<1x16xi32>,
        %get3A_1190 = vector.shape_cast %get3A_1189 : vector<1x16xi32> to vector<16xi32>
        %shift_left3A_1191 = arith.constant 16 : i32
        %shift_left3A_1192 = vector.broadcast %shift_left3A_1191 : i32 to vector<16xi32>
        %shift_left3A_1193 = arith.shli %get3A_1190, %shift_left3A_1192 : vector<16xi32>
        %bitcast_convert_type3A_1194 = tpu.bitcast %shift_left3A_1193 : vector<16xi32> -> vector<16xf32>
        %and3A_1195 = arith.constant -65536 : i32
        %and3A_1196 = vector.broadcast %and3A_1195 : i32 to vector<16xi32>
        %and3A_1197 = arith.andi %get3A_1190, %and3A_1196 : vector<16xi32>
        %bitcast_convert_type3A_1198 = tpu.bitcast %and3A_1197 : vector<16xi32> -> vector<16xf32>
        %mul3A_1199 = vector.broadcast %squeeze3A_1186 : f32 to vector<16xf32>
        %mul3A_1200 = arith.mulf %bitcast_convert_type3A_1194, %mul3A_1199 : vector<16xf32>
        %swap3A_1201 = arith.index_cast %add3A_1184 : i32 to index
        %swap3A_1202 = arith.constant 0 : index
        %swap3A_1203 = tpu.vector_load %arg12[%swap3A_1201, %swap3A_1202] {strides = array<i32>} : memref<80x128xf32, #tpu.memory_space<vmem>>, vector<1x16xf32>,
        %swap3A_1204 = vector.shape_cast %swap3A_1203 : vector<1x16xf32> to vector<16xf32>
        %swap3A_1205 = vector.shape_cast %mul3A_1200 : vector<16xf32> to vector<1x16xf32>
        tpu.vector_store %arg12[%swap3A_1201, %swap3A_1202], %swap3A_1205 {strides = array<i32>} : memref<80x128xf32, #tpu.memory_space<vmem>>, vector<1x16xf32>,
        %mul3A_1206 = vector.broadcast %squeeze3A_1186 : f32 to vector<16xf32>
        %mul3A_1207 = arith.mulf %bitcast_convert_type3A_1198, %mul3A_1206 : vector<16xf32>
        %swap3A_1208 = arith.index_cast %add3A_1184 : i32 to index
        %swap3A_1209 = arith.constant 16 : index
        %swap3A_1210 = tpu.vector_load %arg12[%swap3A_1208, %swap3A_1209] {strides = array<i32>} : memref<80x128xf32, #tpu.memory_space<vmem>>, vector<1x16xf32>,
        %swap3A_1211 = vector.shape_cast %swap3A_1210 : vector<1x16xf32> to vector<16xf32>
        %swap3A_1212 = vector.shape_cast %mul3A_1207 : vector<16xf32> to vector<1x16xf32>
        tpu.vector_store %arg12[%swap3A_1208, %swap3A_1209], %swap3A_1212 {strides = array<i32>} : memref<80x128xf32, #tpu.memory_space<vmem>>, vector<1x16xf32>,
        %get3A_1213 = arith.index_cast %add3A_1184 : i32 to index
        %get3A_1214 = arith.constant 16 : index
        %get3A_1215 = tpu.vector_load %arg11[%get3A_1213, %get3A_1214] {strides = array<i32>} : memref<80x64xi32, #tpu.memory_space<vmem>>, vector<1x16xi32>,
        %get3A_1216 = vector.shape_cast %get3A_1215 : vector<1x16xi32> to vector<16xi32>
        %shift_left3A_1217 = arith.constant 16 : i32
        %shift_left3A_1218 = vector.broadcast %shift_left3A_1217 : i32 to vector<16xi32>
        %shift_left3A_1219 = arith.shli %get3A_1216, %shift_left3A_1218 : vector<16xi32>
        %bitcast_convert_type3A_1220 = tpu.bitcast %shift_left3A_1219 : vector<16xi32> -> vector<16xf32>
        %and3A_1221 = arith.constant -65536 : i32
        %and3A_1222 = vector.broadcast %and3A_1221 : i32 to vector<16xi32>
        %and3A_1223 = arith.andi %get3A_1216, %and3A_1222 : vector<16xi32>
        %bitcast_convert_type3A_1224 = tpu.bitcast %and3A_1223 : vector<16xi32> -> vector<16xf32>
        %mul3A_1225 = vector.broadcast %squeeze3A_1186 : f32 to vector<16xf32>
        %mul3A_1226 = arith.mulf %bitcast_convert_type3A_1220, %mul3A_1225 : vector<16xf32>
        %swap3A_1227 = arith.index_cast %add3A_1184 : i32 to index
        %swap3A_1228 = arith.constant 32 : index
        %swap3A_1229 = tpu.vector_load %arg12[%swap3A_1227, %swap3A_1228] {strides = array<i32>} : memref<80x128xf32, #tpu.memory_space<vmem>>, vector<1x16xf32>,
        %swap3A_1230 = vector.shape_cast %swap3A_1229 : vector<1x16xf32> to vector<16xf32>
        %swap3A_1231 = vector.shape_cast %mul3A_1226 : vector<16xf32> to vector<1x16xf32>
        tpu.vector_store %arg12[%swap3A_1227, %swap3A_1228], %swap3A_1231 {strides = array<i32>} : memref<80x128xf32, #tpu.memory_space<vmem>>, vector<1x16xf32>,
        %mul3A_1232 = vector.broadcast %squeeze3A_1186 : f32 to vector<16xf32>
        %mul3A_1233 = arith.mulf %bitcast_convert_type3A_1224, %mul3A_1232 : vector<16xf32>
        %swap3A_1234 = arith.index_cast %add3A_1184 : i32 to index
        %swap3A_1235 = arith.constant 48 : index
        %swap3A_1236 = tpu.vector_load %arg12[%swap3A_1234, %swap3A_1235] {strides = array<i32>} : memref<80x128xf32, #tpu.memory_space<vmem>>, vector<1x16xf32>,
        %swap3A_1237 = vector.shape_cast %swap3A_1236 : vector<1x16xf32> to vector<16xf32>
        %swap3A_1238 = vector.shape_cast %mul3A_1233 : vector<16xf32> to vector<1x16xf32>
        tpu.vector_store %arg12[%swap3A_1234, %swap3A_1235], %swap3A_1238 {strides = array<i32>} : memref<80x128xf32, #tpu.memory_space<vmem>>, vector<1x16xf32>,
        %get3A_1239 = arith.index_cast %add3A_1184 : i32 to index
        %get3A_1240 = arith.constant 32 : index
        %get3A_1241 = tpu.vector_load %arg11[%get3A_1239, %get3A_1240] {strides = array<i32>} : memref<80x64xi32, #tpu.memory_space<vmem>>, vector<1x16xi32>,
        %get3A_1242 = vector.shape_cast %get3A_1241 : vector<1x16xi32> to vector<16xi32>
        %shift_left3A_1243 = arith.constant 16 : i32
        %shift_left3A_1244 = vector.broadcast %shift_left3A_1243 : i32 to vector<16xi32>
        %shift_left3A_1245 = arith.shli %get3A_1242, %shift_left3A_1244 : vector<16xi32>
        %bitcast_convert_type3A_1246 = tpu.bitcast %shift_left3A_1245 : vector<16xi32> -> vector<16xf32>
        %and3A_1247 = arith.constant -65536 : i32
        %and3A_1248 = vector.broadcast %and3A_1247 : i32 to vector<16xi32>
        %and3A_1249 = arith.andi %get3A_1242, %and3A_1248 : vector<16xi32>
        %bitcast_convert_type3A_1250 = tpu.bitcast %and3A_1249 : vector<16xi32> -> vector<16xf32>
        %mul3A_1251 = vector.broadcast %squeeze3A_1186 : f32 to vector<16xf32>
        %mul3A_1252 = arith.mulf %bitcast_convert_type3A_1246, %mul3A_1251 : vector<16xf32>
        %swap3A_1253 = arith.index_cast %add3A_1184 : i32 to index
        %swap3A_1254 = arith.constant 64 : index
        %swap3A_1255 = tpu.vector_load %arg12[%swap3A_1253, %swap3A_1254] {strides = array<i32>} : memref<80x128xf32, #tpu.memory_space<vmem>>, vector<1x16xf32>,
        %swap3A_1256 = vector.shape_cast %swap3A_1255 : vector<1x16xf32> to vector<16xf32>
        %swap3A_1257 = vector.shape_cast %mul3A_1252 : vector<16xf32> to vector<1x16xf32>
        tpu.vector_store %arg12[%swap3A_1253, %swap3A_1254], %swap3A_1257 {strides = array<i32>} : memref<80x128xf32, #tpu.memory_space<vmem>>, vector<1x16xf32>,
        %mul3A_1258 = vector.broadcast %squeeze3A_1186 : f32 to vector<16xf32>
        %mul3A_1259 = arith.mulf %bitcast_convert_type3A_1250, %mul3A_1258 : vector<16xf32>
        %swap3A_1260 = arith.index_cast %add3A_1184 : i32 to index
        %swap3A_1261 = arith.constant 80 : index
        %swap3A_1262 = tpu.vector_load %arg12[%swap3A_1260, %swap3A_1261] {strides = array<i32>} : memref<80x128xf32, #tpu.memory_space<vmem>>, vector<1x16xf32>,
        %swap3A_1263 = vector.shape_cast %swap3A_1262 : vector<1x16xf32> to vector<16xf32>
        %swap3A_1264 = vector.shape_cast %mul3A_1259 : vector<16xf32> to vector<1x16xf32>
        tpu.vector_store %arg12[%swap3A_1260, %swap3A_1261], %swap3A_1264 {strides = array<i32>} : memref<80x128xf32, #tpu.memory_space<vmem>>, vector<1x16xf32>,
        %get3A_1265 = arith.index_cast %add3A_1184 : i32 to index
        %get3A_1266 = arith.constant 48 : index
        %get3A_1267 = tpu.vector_load %arg11[%get3A_1265, %get3A_1266] {strides = array<i32>} : memref<80x64xi32, #tpu.memory_space<vmem>>, vector<1x16xi32>,
        %get3A_1268 = vector.shape_cast %get3A_1267 : vector<1x16xi32> to vector<16xi32>
        %shift_left3A_1269 = arith.constant 16 : i32
        %shift_left3A_1270 = vector.broadcast %shift_left3A_1269 : i32 to vector<16xi32>
        %shift_left3A_1271 = arith.shli %get3A_1268, %shift_left3A_1270 : vector<16xi32>
        %bitcast_convert_type3A_1272 = tpu.bitcast %shift_left3A_1271 : vector<16xi32> -> vector<16xf32>
        %and3A_1273 = arith.constant -65536 : i32
        %and3A_1274 = vector.broadcast %and3A_1273 : i32 to vector<16xi32>
        %and3A_1275 = arith.andi %get3A_1268, %and3A_1274 : vector<16xi32>
        %bitcast_convert_type3A_1276 = tpu.bitcast %and3A_1275 : vector<16xi32> -> vector<16xf32>
        %mul3A_1277 = vector.broadcast %squeeze3A_1186 : f32 to vector<16xf32>
        %mul3A_1278 = arith.mulf %bitcast_convert_type3A_1272, %mul3A_1277 : vector<16xf32>
        %swap3A_1279 = arith.index_cast %add3A_1184 : i32 to index
        %swap3A_1280 = arith.constant 96 : index
        %swap3A_1281 = tpu.vector_load %arg12[%swap3A_1279, %swap3A_1280] {strides = array<i32>} : memref<80x128xf32, #tpu.memory_space<vmem>>, vector<1x16xf32>,
        %swap3A_1282 = vector.shape_cast %swap3A_1281 : vector<1x16xf32> to vector<16xf32>
        %swap3A_1283 = vector.shape_cast %mul3A_1278 : vector<16xf32> to vector<1x16xf32>
        tpu.vector_store %arg12[%swap3A_1279, %swap3A_1280], %swap3A_1283 {strides = array<i32>} : memref<80x128xf32, #tpu.memory_space<vmem>>, vector<1x16xf32>,
        %mul3A_1284 = vector.broadcast %squeeze3A_1186 : f32 to vector<16xf32>
        %mul3A_1285 = arith.mulf %bitcast_convert_type3A_1276, %mul3A_1284 : vector<16xf32>
        %swap3A_1286 = arith.index_cast %add3A_1184 : i32 to index
        %swap3A_1287 = arith.constant 112 : index
        %swap3A_1288 = tpu.vector_load %arg12[%swap3A_1286, %swap3A_1287] {strides = array<i32>} : memref<80x128xf32, #tpu.memory_space<vmem>>, vector<1x16xf32>,
        %swap3A_1289 = vector.shape_cast %swap3A_1288 : vector<1x16xf32> to vector<16xf32>
        %swap3A_1290 = vector.shape_cast %mul3A_1285 : vector<16xf32> to vector<1x16xf32>
        tpu.vector_store %arg12[%swap3A_1286, %swap3A_1287], %swap3A_1290 {strides = array<i32>} : memref<80x128xf32, #tpu.memory_space<vmem>>, vector<1x16xf32>,
        %mul3A_1291 = arith.constant 16 : i32
        %mul3A_1292 = arith.muli %scan3A_81, %mul3A_1291 : i32
        %add3A_1293 = arith.constant 11 : i32
        %add3A_1294 = arith.addi %mul3A_1292, %add3A_1293 : i32
        %slice3A_1295 = vector.extract_strided_slice %get3A_86 {offsets = [11], sizes = [1], strides = [1]} : vector<16xf32> to vector<1xf32>
        %squeeze3A_1296 = vector.extract %slice3A_1295[0] : f32 from vector<1xf32>
        %get3A_1297 = arith.index_cast %add3A_1294 : i32 to index
        %get3A_1298 = arith.constant 0 : index
        %get3A_1299 = tpu.vector_load %arg11[%get3A_1297, %get3A_1298] {strides = array<i32>} : memref<80x64xi32, #tpu.memory_space<vmem>>, vector<1x16xi32>,
        %get3A_1300 = vector.shape_cast %get3A_1299 : vector<1x16xi32> to vector<16xi32>
        %shift_left3A_1301 = arith.constant 16 : i32
        %shift_left3A_1302 = vector.broadcast %shift_left3A_1301 : i32 to vector<16xi32>
        %shift_left3A_1303 = arith.shli %get3A_1300, %shift_left3A_1302 : vector<16xi32>
        %bitcast_convert_type3A_1304 = tpu.bitcast %shift_left3A_1303 : vector<16xi32> -> vector<16xf32>
        %and3A_1305 = arith.constant -65536 : i32
        %and3A_1306 = vector.broadcast %and3A_1305 : i32 to vector<16xi32>
        %and3A_1307 = arith.andi %get3A_1300, %and3A_1306 : vector<16xi32>
        %bitcast_convert_type3A_1308 = tpu.bitcast %and3A_1307 : vector<16xi32> -> vector<16xf32>
        %mul3A_1309 = vector.broadcast %squeeze3A_1296 : f32 to vector<16xf32>
        %mul3A_1310 = arith.mulf %bitcast_convert_type3A_1304, %mul3A_1309 : vector<16xf32>
        %swap3A_1311 = arith.index_cast %add3A_1294 : i32 to index
        %swap3A_1312 = arith.constant 0 : index
        %swap3A_1313 = tpu.vector_load %arg12[%swap3A_1311, %swap3A_1312] {strides = array<i32>} : memref<80x128xf32, #tpu.memory_space<vmem>>, vector<1x16xf32>,
        %swap3A_1314 = vector.shape_cast %swap3A_1313 : vector<1x16xf32> to vector<16xf32>
        %swap3A_1315 = vector.shape_cast %mul3A_1310 : vector<16xf32> to vector<1x16xf32>
        tpu.vector_store %arg12[%swap3A_1311, %swap3A_1312], %swap3A_1315 {strides = array<i32>} : memref<80x128xf32, #tpu.memory_space<vmem>>, vector<1x16xf32>,
        %mul3A_1316 = vector.broadcast %squeeze3A_1296 : f32 to vector<16xf32>
        %mul3A_1317 = arith.mulf %bitcast_convert_type3A_1308, %mul3A_1316 : vector<16xf32>
        %swap3A_1318 = arith.index_cast %add3A_1294 : i32 to index
        %swap3A_1319 = arith.constant 16 : index
        %swap3A_1320 = tpu.vector_load %arg12[%swap3A_1318, %swap3A_1319] {strides = array<i32>} : memref<80x128xf32, #tpu.memory_space<vmem>>, vector<1x16xf32>,
        %swap3A_1321 = vector.shape_cast %swap3A_1320 : vector<1x16xf32> to vector<16xf32>
        %swap3A_1322 = vector.shape_cast %mul3A_1317 : vector<16xf32> to vector<1x16xf32>
        tpu.vector_store %arg12[%swap3A_1318, %swap3A_1319], %swap3A_1322 {strides = array<i32>} : memref<80x128xf32, #tpu.memory_space<vmem>>, vector<1x16xf32>,
        %get3A_1323 = arith.index_cast %add3A_1294 : i32 to index
        %get3A_1324 = arith.constant 16 : index
        %get3A_1325 = tpu.vector_load %arg11[%get3A_1323, %get3A_1324] {strides = array<i32>} : memref<80x64xi32, #tpu.memory_space<vmem>>, vector<1x16xi32>,
        %get3A_1326 = vector.shape_cast %get3A_1325 : vector<1x16xi32> to vector<16xi32>
        %shift_left3A_1327 = arith.constant 16 : i32
        %shift_left3A_1328 = vector.broadcast %shift_left3A_1327 : i32 to vector<16xi32>
        %shift_left3A_1329 = arith.shli %get3A_1326, %shift_left3A_1328 : vector<16xi32>
        %bitcast_convert_type3A_1330 = tpu.bitcast %shift_left3A_1329 : vector<16xi32> -> vector<16xf32>
        %and3A_1331 = arith.constant -65536 : i32
        %and3A_1332 = vector.broadcast %and3A_1331 : i32 to vector<16xi32>
        %and3A_1333 = arith.andi %get3A_1326, %and3A_1332 : vector<16xi32>
        %bitcast_convert_type3A_1334 = tpu.bitcast %and3A_1333 : vector<16xi32> -> vector<16xf32>
        %mul3A_1335 = vector.broadcast %squeeze3A_1296 : f32 to vector<16xf32>
        %mul3A_1336 = arith.mulf %bitcast_convert_type3A_1330, %mul3A_1335 : vector<16xf32>
        %swap3A_1337 = arith.index_cast %add3A_1294 : i32 to index
        %swap3A_1338 = arith.constant 32 : index
        %swap3A_1339 = tpu.vector_load %arg12[%swap3A_1337, %swap3A_1338] {strides = array<i32>} : memref<80x128xf32, #tpu.memory_space<vmem>>, vector<1x16xf32>,
        %swap3A_1340 = vector.shape_cast %swap3A_1339 : vector<1x16xf32> to vector<16xf32>
        %swap3A_1341 = vector.shape_cast %mul3A_1336 : vector<16xf32> to vector<1x16xf32>
        tpu.vector_store %arg12[%swap3A_1337, %swap3A_1338], %swap3A_1341 {strides = array<i32>} : memref<80x128xf32, #tpu.memory_space<vmem>>, vector<1x16xf32>,
        %mul3A_1342 = vector.broadcast %squeeze3A_1296 : f32 to vector<16xf32>
        %mul3A_1343 = arith.mulf %bitcast_convert_type3A_1334, %mul3A_1342 : vector<16xf32>
        %swap3A_1344 = arith.index_cast %add3A_1294 : i32 to index
        %swap3A_1345 = arith.constant 48 : index
        %swap3A_1346 = tpu.vector_load %arg12[%swap3A_1344, %swap3A_1345] {strides = array<i32>} : memref<80x128xf32, #tpu.memory_space<vmem>>, vector<1x16xf32>,
        %swap3A_1347 = vector.shape_cast %swap3A_1346 : vector<1x16xf32> to vector<16xf32>
        %swap3A_1348 = vector.shape_cast %mul3A_1343 : vector<16xf32> to vector<1x16xf32>
        tpu.vector_store %arg12[%swap3A_1344, %swap3A_1345], %swap3A_1348 {strides = array<i32>} : memref<80x128xf32, #tpu.memory_space<vmem>>, vector<1x16xf32>,
        %get3A_1349 = arith.index_cast %add3A_1294 : i32 to index
        %get3A_1350 = arith.constant 32 : index
        %get3A_1351 = tpu.vector_load %arg11[%get3A_1349, %get3A_1350] {strides = array<i32>} : memref<80x64xi32, #tpu.memory_space<vmem>>, vector<1x16xi32>,
        %get3A_1352 = vector.shape_cast %get3A_1351 : vector<1x16xi32> to vector<16xi32>
        %shift_left3A_1353 = arith.constant 16 : i32
        %shift_left3A_1354 = vector.broadcast %shift_left3A_1353 : i32 to vector<16xi32>
        %shift_left3A_1355 = arith.shli %get3A_1352, %shift_left3A_1354 : vector<16xi32>
        %bitcast_convert_type3A_1356 = tpu.bitcast %shift_left3A_1355 : vector<16xi32> -> vector<16xf32>
        %and3A_1357 = arith.constant -65536 : i32
        %and3A_1358 = vector.broadcast %and3A_1357 : i32 to vector<16xi32>
        %and3A_1359 = arith.andi %get3A_1352, %and3A_1358 : vector<16xi32>
        %bitcast_convert_type3A_1360 = tpu.bitcast %and3A_1359 : vector<16xi32> -> vector<16xf32>
        %mul3A_1361 = vector.broadcast %squeeze3A_1296 : f32 to vector<16xf32>
        %mul3A_1362 = arith.mulf %bitcast_convert_type3A_1356, %mul3A_1361 : vector<16xf32>
        %swap3A_1363 = arith.index_cast %add3A_1294 : i32 to index
        %swap3A_1364 = arith.constant 64 : index
        %swap3A_1365 = tpu.vector_load %arg12[%swap3A_1363, %swap3A_1364] {strides = array<i32>} : memref<80x128xf32, #tpu.memory_space<vmem>>, vector<1x16xf32>,
        %swap3A_1366 = vector.shape_cast %swap3A_1365 : vector<1x16xf32> to vector<16xf32>
        %swap3A_1367 = vector.shape_cast %mul3A_1362 : vector<16xf32> to vector<1x16xf32>
        tpu.vector_store %arg12[%swap3A_1363, %swap3A_1364], %swap3A_1367 {strides = array<i32>} : memref<80x128xf32, #tpu.memory_space<vmem>>, vector<1x16xf32>,
        %mul3A_1368 = vector.broadcast %squeeze3A_1296 : f32 to vector<16xf32>
        %mul3A_1369 = arith.mulf %bitcast_convert_type3A_1360, %mul3A_1368 : vector<16xf32>
        %swap3A_1370 = arith.index_cast %add3A_1294 : i32 to index
        %swap3A_1371 = arith.constant 80 : index
        %swap3A_1372 = tpu.vector_load %arg12[%swap3A_1370, %swap3A_1371] {strides = array<i32>} : memref<80x128xf32, #tpu.memory_space<vmem>>, vector<1x16xf32>,
        %swap3A_1373 = vector.shape_cast %swap3A_1372 : vector<1x16xf32> to vector<16xf32>
        %swap3A_1374 = vector.shape_cast %mul3A_1369 : vector<16xf32> to vector<1x16xf32>
        tpu.vector_store %arg12[%swap3A_1370, %swap3A_1371], %swap3A_1374 {strides = array<i32>} : memref<80x128xf32, #tpu.memory_space<vmem>>, vector<1x16xf32>,
        %get3A_1375 = arith.index_cast %add3A_1294 : i32 to index
        %get3A_1376 = arith.constant 48 : index
        %get3A_1377 = tpu.vector_load %arg11[%get3A_1375, %get3A_1376] {strides = array<i32>} : memref<80x64xi32, #tpu.memory_space<vmem>>, vector<1x16xi32>,
        %get3A_1378 = vector.shape_cast %get3A_1377 : vector<1x16xi32> to vector<16xi32>
        %shift_left3A_1379 = arith.constant 16 : i32
        %shift_left3A_1380 = vector.broadcast %shift_left3A_1379 : i32 to vector<16xi32>
        %shift_left3A_1381 = arith.shli %get3A_1378, %shift_left3A_1380 : vector<16xi32>
        %bitcast_convert_type3A_1382 = tpu.bitcast %shift_left3A_1381 : vector<16xi32> -> vector<16xf32>
        %and3A_1383 = arith.constant -65536 : i32
        %and3A_1384 = vector.broadcast %and3A_1383 : i32 to vector<16xi32>
        %and3A_1385 = arith.andi %get3A_1378, %and3A_1384 : vector<16xi32>
        %bitcast_convert_type3A_1386 = tpu.bitcast %and3A_1385 : vector<16xi32> -> vector<16xf32>
        %mul3A_1387 = vector.broadcast %squeeze3A_1296 : f32 to vector<16xf32>
        %mul3A_1388 = arith.mulf %bitcast_convert_type3A_1382, %mul3A_1387 : vector<16xf32>
        %swap3A_1389 = arith.index_cast %add3A_1294 : i32 to index
        %swap3A_1390 = arith.constant 96 : index
        %swap3A_1391 = tpu.vector_load %arg12[%swap3A_1389, %swap3A_1390] {strides = array<i32>} : memref<80x128xf32, #tpu.memory_space<vmem>>, vector<1x16xf32>,
        %swap3A_1392 = vector.shape_cast %swap3A_1391 : vector<1x16xf32> to vector<16xf32>
        %swap3A_1393 = vector.shape_cast %mul3A_1388 : vector<16xf32> to vector<1x16xf32>
        tpu.vector_store %arg12[%swap3A_1389, %swap3A_1390], %swap3A_1393 {strides = array<i32>} : memref<80x128xf32, #tpu.memory_space<vmem>>, vector<1x16xf32>,
        %mul3A_1394 = vector.broadcast %squeeze3A_1296 : f32 to vector<16xf32>
        %mul3A_1395 = arith.mulf %bitcast_convert_type3A_1386, %mul3A_1394 : vector<16xf32>
        %swap3A_1396 = arith.index_cast %add3A_1294 : i32 to index
        %swap3A_1397 = arith.constant 112 : index
        %swap3A_1398 = tpu.vector_load %arg12[%swap3A_1396, %swap3A_1397] {strides = array<i32>} : memref<80x128xf32, #tpu.memory_space<vmem>>, vector<1x16xf32>,
        %swap3A_1399 = vector.shape_cast %swap3A_1398 : vector<1x16xf32> to vector<16xf32>
        %swap3A_1400 = vector.shape_cast %mul3A_1395 : vector<16xf32> to vector<1x16xf32>
        tpu.vector_store %arg12[%swap3A_1396, %swap3A_1397], %swap3A_1400 {strides = array<i32>} : memref<80x128xf32, #tpu.memory_space<vmem>>, vector<1x16xf32>,
        %mul3A_1401 = arith.constant 16 : i32
        %mul3A_1402 = arith.muli %scan3A_81, %mul3A_1401 : i32
        %add3A_1403 = arith.constant 12 : i32
        %add3A_1404 = arith.addi %mul3A_1402, %add3A_1403 : i32
        %slice3A_1405 = vector.extract_strided_slice %get3A_86 {offsets = [12], sizes = [1], strides = [1]} : vector<16xf32> to vector<1xf32>
        %squeeze3A_1406 = vector.extract %slice3A_1405[0] : f32 from vector<1xf32>
        %get3A_1407 = arith.index_cast %add3A_1404 : i32 to index
        %get3A_1408 = arith.constant 0 : index
        %get3A_1409 = tpu.vector_load %arg11[%get3A_1407, %get3A_1408] {strides = array<i32>} : memref<80x64xi32, #tpu.memory_space<vmem>>, vector<1x16xi32>,
        %get3A_1410 = vector.shape_cast %get3A_1409 : vector<1x16xi32> to vector<16xi32>
        %shift_left3A_1411 = arith.constant 16 : i32
        %shift_left3A_1412 = vector.broadcast %shift_left3A_1411 : i32 to vector<16xi32>
        %shift_left3A_1413 = arith.shli %get3A_1410, %shift_left3A_1412 : vector<16xi32>
        %bitcast_convert_type3A_1414 = tpu.bitcast %shift_left3A_1413 : vector<16xi32> -> vector<16xf32>
        %and3A_1415 = arith.constant -65536 : i32
        %and3A_1416 = vector.broadcast %and3A_1415 : i32 to vector<16xi32>
        %and3A_1417 = arith.andi %get3A_1410, %and3A_1416 : vector<16xi32>
        %bitcast_convert_type3A_1418 = tpu.bitcast %and3A_1417 : vector<16xi32> -> vector<16xf32>
        %mul3A_1419 = vector.broadcast %squeeze3A_1406 : f32 to vector<16xf32>
        %mul3A_1420 = arith.mulf %bitcast_convert_type3A_1414, %mul3A_1419 : vector<16xf32>
        %swap3A_1421 = arith.index_cast %add3A_1404 : i32 to index
        %swap3A_1422 = arith.constant 0 : index
        %swap3A_1423 = tpu.vector_load %arg12[%swap3A_1421, %swap3A_1422] {strides = array<i32>} : memref<80x128xf32, #tpu.memory_space<vmem>>, vector<1x16xf32>,
        %swap3A_1424 = vector.shape_cast %swap3A_1423 : vector<1x16xf32> to vector<16xf32>
        %swap3A_1425 = vector.shape_cast %mul3A_1420 : vector<16xf32> to vector<1x16xf32>
        tpu.vector_store %arg12[%swap3A_1421, %swap3A_1422], %swap3A_1425 {strides = array<i32>} : memref<80x128xf32, #tpu.memory_space<vmem>>, vector<1x16xf32>,
        %mul3A_1426 = vector.broadcast %squeeze3A_1406 : f32 to vector<16xf32>
        %mul3A_1427 = arith.mulf %bitcast_convert_type3A_1418, %mul3A_1426 : vector<16xf32>
        %swap3A_1428 = arith.index_cast %add3A_1404 : i32 to index
        %swap3A_1429 = arith.constant 16 : index
        %swap3A_1430 = tpu.vector_load %arg12[%swap3A_1428, %swap3A_1429] {strides = array<i32>} : memref<80x128xf32, #tpu.memory_space<vmem>>, vector<1x16xf32>,
        %swap3A_1431 = vector.shape_cast %swap3A_1430 : vector<1x16xf32> to vector<16xf32>
        %swap3A_1432 = vector.shape_cast %mul3A_1427 : vector<16xf32> to vector<1x16xf32>
        tpu.vector_store %arg12[%swap3A_1428, %swap3A_1429], %swap3A_1432 {strides = array<i32>} : memref<80x128xf32, #tpu.memory_space<vmem>>, vector<1x16xf32>,
        %get3A_1433 = arith.index_cast %add3A_1404 : i32 to index
        %get3A_1434 = arith.constant 16 : index
        %get3A_1435 = tpu.vector_load %arg11[%get3A_1433, %get3A_1434] {strides = array<i32>} : memref<80x64xi32, #tpu.memory_space<vmem>>, vector<1x16xi32>,
        %get3A_1436 = vector.shape_cast %get3A_1435 : vector<1x16xi32> to vector<16xi32>
        %shift_left3A_1437 = arith.constant 16 : i32
        %shift_left3A_1438 = vector.broadcast %shift_left3A_1437 : i32 to vector<16xi32>
        %shift_left3A_1439 = arith.shli %get3A_1436, %shift_left3A_1438 : vector<16xi32>
        %bitcast_convert_type3A_1440 = tpu.bitcast %shift_left3A_1439 : vector<16xi32> -> vector<16xf32>
        %and3A_1441 = arith.constant -65536 : i32
        %and3A_1442 = vector.broadcast %and3A_1441 : i32 to vector<16xi32>
        %and3A_1443 = arith.andi %get3A_1436, %and3A_1442 : vector<16xi32>
        %bitcast_convert_type3A_1444 = tpu.bitcast %and3A_1443 : vector<16xi32> -> vector<16xf32>
        %mul3A_1445 = vector.broadcast %squeeze3A_1406 : f32 to vector<16xf32>
        %mul3A_1446 = arith.mulf %bitcast_convert_type3A_1440, %mul3A_1445 : vector<16xf32>
        %swap3A_1447 = arith.index_cast %add3A_1404 : i32 to index
        %swap3A_1448 = arith.constant 32 : index
        %swap3A_1449 = tpu.vector_load %arg12[%swap3A_1447, %swap3A_1448] {strides = array<i32>} : memref<80x128xf32, #tpu.memory_space<vmem>>, vector<1x16xf32>,
        %swap3A_1450 = vector.shape_cast %swap3A_1449 : vector<1x16xf32> to vector<16xf32>
        %swap3A_1451 = vector.shape_cast %mul3A_1446 : vector<16xf32> to vector<1x16xf32>
        tpu.vector_store %arg12[%swap3A_1447, %swap3A_1448], %swap3A_1451 {strides = array<i32>} : memref<80x128xf32, #tpu.memory_space<vmem>>, vector<1x16xf32>,
        %mul3A_1452 = vector.broadcast %squeeze3A_1406 : f32 to vector<16xf32>
        %mul3A_1453 = arith.mulf %bitcast_convert_type3A_1444, %mul3A_1452 : vector<16xf32>
        %swap3A_1454 = arith.index_cast %add3A_1404 : i32 to index
        %swap3A_1455 = arith.constant 48 : index
        %swap3A_1456 = tpu.vector_load %arg12[%swap3A_1454, %swap3A_1455] {strides = array<i32>} : memref<80x128xf32, #tpu.memory_space<vmem>>, vector<1x16xf32>,
        %swap3A_1457 = vector.shape_cast %swap3A_1456 : vector<1x16xf32> to vector<16xf32>
        %swap3A_1458 = vector.shape_cast %mul3A_1453 : vector<16xf32> to vector<1x16xf32>
        tpu.vector_store %arg12[%swap3A_1454, %swap3A_1455], %swap3A_1458 {strides = array<i32>} : memref<80x128xf32, #tpu.memory_space<vmem>>, vector<1x16xf32>,
        %get3A_1459 = arith.index_cast %add3A_1404 : i32 to index
        %get3A_1460 = arith.constant 32 : index
        %get3A_1461 = tpu.vector_load %arg11[%get3A_1459, %get3A_1460] {strides = array<i32>} : memref<80x64xi32, #tpu.memory_space<vmem>>, vector<1x16xi32>,
        %get3A_1462 = vector.shape_cast %get3A_1461 : vector<1x16xi32> to vector<16xi32>
        %shift_left3A_1463 = arith.constant 16 : i32
        %shift_left3A_1464 = vector.broadcast %shift_left3A_1463 : i32 to vector<16xi32>
        %shift_left3A_1465 = arith.shli %get3A_1462, %shift_left3A_1464 : vector<16xi32>
        %bitcast_convert_type3A_1466 = tpu.bitcast %shift_left3A_1465 : vector<16xi32> -> vector<16xf32>
        %and3A_1467 = arith.constant -65536 : i32
        %and3A_1468 = vector.broadcast %and3A_1467 : i32 to vector<16xi32>
        %and3A_1469 = arith.andi %get3A_1462, %and3A_1468 : vector<16xi32>
        %bitcast_convert_type3A_1470 = tpu.bitcast %and3A_1469 : vector<16xi32> -> vector<16xf32>
        %mul3A_1471 = vector.broadcast %squeeze3A_1406 : f32 to vector<16xf32>
        %mul3A_1472 = arith.mulf %bitcast_convert_type3A_1466, %mul3A_1471 : vector<16xf32>
        %swap3A_1473 = arith.index_cast %add3A_1404 : i32 to index
        %swap3A_1474 = arith.constant 64 : index
        %swap3A_1475 = tpu.vector_load %arg12[%swap3A_1473, %swap3A_1474] {strides = array<i32>} : memref<80x128xf32, #tpu.memory_space<vmem>>, vector<1x16xf32>,
        %swap3A_1476 = vector.shape_cast %swap3A_1475 : vector<1x16xf32> to vector<16xf32>
        %swap3A_1477 = vector.shape_cast %mul3A_1472 : vector<16xf32> to vector<1x16xf32>
        tpu.vector_store %arg12[%swap3A_1473, %swap3A_1474], %swap3A_1477 {strides = array<i32>} : memref<80x128xf32, #tpu.memory_space<vmem>>, vector<1x16xf32>,
        %mul3A_1478 = vector.broadcast %squeeze3A_1406 : f32 to vector<16xf32>
        %mul3A_1479 = arith.mulf %bitcast_convert_type3A_1470, %mul3A_1478 : vector<16xf32>
        %swap3A_1480 = arith.index_cast %add3A_1404 : i32 to index
        %swap3A_1481 = arith.constant 80 : index
        %swap3A_1482 = tpu.vector_load %arg12[%swap3A_1480, %swap3A_1481] {strides = array<i32>} : memref<80x128xf32, #tpu.memory_space<vmem>>, vector<1x16xf32>,
        %swap3A_1483 = vector.shape_cast %swap3A_1482 : vector<1x16xf32> to vector<16xf32>
        %swap3A_1484 = vector.shape_cast %mul3A_1479 : vector<16xf32> to vector<1x16xf32>
        tpu.vector_store %arg12[%swap3A_1480, %swap3A_1481], %swap3A_1484 {strides = array<i32>} : memref<80x128xf32, #tpu.memory_space<vmem>>, vector<1x16xf32>,
        %get3A_1485 = arith.index_cast %add3A_1404 : i32 to index
        %get3A_1486 = arith.constant 48 : index
        %get3A_1487 = tpu.vector_load %arg11[%get3A_1485, %get3A_1486] {strides = array<i32>} : memref<80x64xi32, #tpu.memory_space<vmem>>, vector<1x16xi32>,
        %get3A_1488 = vector.shape_cast %get3A_1487 : vector<1x16xi32> to vector<16xi32>
        %shift_left3A_1489 = arith.constant 16 : i32
        %shift_left3A_1490 = vector.broadcast %shift_left3A_1489 : i32 to vector<16xi32>
        %shift_left3A_1491 = arith.shli %get3A_1488, %shift_left3A_1490 : vector<16xi32>
        %bitcast_convert_type3A_1492 = tpu.bitcast %shift_left3A_1491 : vector<16xi32> -> vector<16xf32>
        %and3A_1493 = arith.constant -65536 : i32
        %and3A_1494 = vector.broadcast %and3A_1493 : i32 to vector<16xi32>
        %and3A_1495 = arith.andi %get3A_1488, %and3A_1494 : vector<16xi32>
        %bitcast_convert_type3A_1496 = tpu.bitcast %and3A_1495 : vector<16xi32> -> vector<16xf32>
        %mul3A_1497 = vector.broadcast %squeeze3A_1406 : f32 to vector<16xf32>
        %mul3A_1498 = arith.mulf %bitcast_convert_type3A_1492, %mul3A_1497 : vector<16xf32>
        %swap3A_1499 = arith.index_cast %add3A_1404 : i32 to index
        %swap3A_1500 = arith.constant 96 : index
        %swap3A_1501 = tpu.vector_load %arg12[%swap3A_1499, %swap3A_1500] {strides = array<i32>} : memref<80x128xf32, #tpu.memory_space<vmem>>, vector<1x16xf32>,
        %swap3A_1502 = vector.shape_cast %swap3A_1501 : vector<1x16xf32> to vector<16xf32>
        %swap3A_1503 = vector.shape_cast %mul3A_1498 : vector<16xf32> to vector<1x16xf32>
        tpu.vector_store %arg12[%swap3A_1499, %swap3A_1500], %swap3A_1503 {strides = array<i32>} : memref<80x128xf32, #tpu.memory_space<vmem>>, vector<1x16xf32>,
        %mul3A_1504 = vector.broadcast %squeeze3A_1406 : f32 to vector<16xf32>
        %mul3A_1505 = arith.mulf %bitcast_convert_type3A_1496, %mul3A_1504 : vector<16xf32>
        %swap3A_1506 = arith.index_cast %add3A_1404 : i32 to index
        %swap3A_1507 = arith.constant 112 : index
        %swap3A_1508 = tpu.vector_load %arg12[%swap3A_1506, %swap3A_1507] {strides = array<i32>} : memref<80x128xf32, #tpu.memory_space<vmem>>, vector<1x16xf32>,
        %swap3A_1509 = vector.shape_cast %swap3A_1508 : vector<1x16xf32> to vector<16xf32>
        %swap3A_1510 = vector.shape_cast %mul3A_1505 : vector<16xf32> to vector<1x16xf32>
        tpu.vector_store %arg12[%swap3A_1506, %swap3A_1507], %swap3A_1510 {strides = array<i32>} : memref<80x128xf32, #tpu.memory_space<vmem>>, vector<1x16xf32>,
        %mul3A_1511 = arith.constant 16 : i32
        %mul3A_1512 = arith.muli %scan3A_81, %mul3A_1511 : i32
        %add3A_1513 = arith.constant 13 : i32
        %add3A_1514 = arith.addi %mul3A_1512, %add3A_1513 : i32
        %slice3A_1515 = vector.extract_strided_slice %get3A_86 {offsets = [13], sizes = [1], strides = [1]} : vector<16xf32> to vector<1xf32>
        %squeeze3A_1516 = vector.extract %slice3A_1515[0] : f32 from vector<1xf32>
        %get3A_1517 = arith.index_cast %add3A_1514 : i32 to index
        %get3A_1518 = arith.constant 0 : index
        %get3A_1519 = tpu.vector_load %arg11[%get3A_1517, %get3A_1518] {strides = array<i32>} : memref<80x64xi32, #tpu.memory_space<vmem>>, vector<1x16xi32>,
        %get3A_1520 = vector.shape_cast %get3A_1519 : vector<1x16xi32> to vector<16xi32>
        %shift_left3A_1521 = arith.constant 16 : i32
        %shift_left3A_1522 = vector.broadcast %shift_left3A_1521 : i32 to vector<16xi32>
        %shift_left3A_1523 = arith.shli %get3A_1520, %shift_left3A_1522 : vector<16xi32>
        %bitcast_convert_type3A_1524 = tpu.bitcast %shift_left3A_1523 : vector<16xi32> -> vector<16xf32>
        %and3A_1525 = arith.constant -65536 : i32
        %and3A_1526 = vector.broadcast %and3A_1525 : i32 to vector<16xi32>
        %and3A_1527 = arith.andi %get3A_1520, %and3A_1526 : vector<16xi32>
        %bitcast_convert_type3A_1528 = tpu.bitcast %and3A_1527 : vector<16xi32> -> vector<16xf32>
        %mul3A_1529 = vector.broadcast %squeeze3A_1516 : f32 to vector<16xf32>
        %mul3A_1530 = arith.mulf %bitcast_convert_type3A_1524, %mul3A_1529 : vector<16xf32>
        %swap3A_1531 = arith.index_cast %add3A_1514 : i32 to index
        %swap3A_1532 = arith.constant 0 : index
        %swap3A_1533 = tpu.vector_load %arg12[%swap3A_1531, %swap3A_1532] {strides = array<i32>} : memref<80x128xf32, #tpu.memory_space<vmem>>, vector<1x16xf32>,
        %swap3A_1534 = vector.shape_cast %swap3A_1533 : vector<1x16xf32> to vector<16xf32>
        %swap3A_1535 = vector.shape_cast %mul3A_1530 : vector<16xf32> to vector<1x16xf32>
        tpu.vector_store %arg12[%swap3A_1531, %swap3A_1532], %swap3A_1535 {strides = array<i32>} : memref<80x128xf32, #tpu.memory_space<vmem>>, vector<1x16xf32>,
        %mul3A_1536 = vector.broadcast %squeeze3A_1516 : f32 to vector<16xf32>
        %mul3A_1537 = arith.mulf %bitcast_convert_type3A_1528, %mul3A_1536 : vector<16xf32>
        %swap3A_1538 = arith.index_cast %add3A_1514 : i32 to index
        %swap3A_1539 = arith.constant 16 : index
        %swap3A_1540 = tpu.vector_load %arg12[%swap3A_1538, %swap3A_1539] {strides = array<i32>} : memref<80x128xf32, #tpu.memory_space<vmem>>, vector<1x16xf32>,
        %swap3A_1541 = vector.shape_cast %swap3A_1540 : vector<1x16xf32> to vector<16xf32>
        %swap3A_1542 = vector.shape_cast %mul3A_1537 : vector<16xf32> to vector<1x16xf32>
        tpu.vector_store %arg12[%swap3A_1538, %swap3A_1539], %swap3A_1542 {strides = array<i32>} : memref<80x128xf32, #tpu.memory_space<vmem>>, vector<1x16xf32>,
        %get3A_1543 = arith.index_cast %add3A_1514 : i32 to index
        %get3A_1544 = arith.constant 16 : index
        %get3A_1545 = tpu.vector_load %arg11[%get3A_1543, %get3A_1544] {strides = array<i32>} : memref<80x64xi32, #tpu.memory_space<vmem>>, vector<1x16xi32>,
        %get3A_1546 = vector.shape_cast %get3A_1545 : vector<1x16xi32> to vector<16xi32>
        %shift_left3A_1547 = arith.constant 16 : i32
        %shift_left3A_1548 = vector.broadcast %shift_left3A_1547 : i32 to vector<16xi32>
        %shift_left3A_1549 = arith.shli %get3A_1546, %shift_left3A_1548 : vector<16xi32>
        %bitcast_convert_type3A_1550 = tpu.bitcast %shift_left3A_1549 : vector<16xi32> -> vector<16xf32>
        %and3A_1551 = arith.constant -65536 : i32
        %and3A_1552 = vector.broadcast %and3A_1551 : i32 to vector<16xi32>
        %and3A_1553 = arith.andi %get3A_1546, %and3A_1552 : vector<16xi32>
        %bitcast_convert_type3A_1554 = tpu.bitcast %and3A_1553 : vector<16xi32> -> vector<16xf32>
        %mul3A_1555 = vector.broadcast %squeeze3A_1516 : f32 to vector<16xf32>
        %mul3A_1556 = arith.mulf %bitcast_convert_type3A_1550, %mul3A_1555 : vector<16xf32>
        %swap3A_1557 = arith.index_cast %add3A_1514 : i32 to index
        %swap3A_1558 = arith.constant 32 : index
        %swap3A_1559 = tpu.vector_load %arg12[%swap3A_1557, %swap3A_1558] {strides = array<i32>} : memref<80x128xf32, #tpu.memory_space<vmem>>, vector<1x16xf32>,
        %swap3A_1560 = vector.shape_cast %swap3A_1559 : vector<1x16xf32> to vector<16xf32>
        %swap3A_1561 = vector.shape_cast %mul3A_1556 : vector<16xf32> to vector<1x16xf32>
        tpu.vector_store %arg12[%swap3A_1557, %swap3A_1558], %swap3A_1561 {strides = array<i32>} : memref<80x128xf32, #tpu.memory_space<vmem>>, vector<1x16xf32>,
        %mul3A_1562 = vector.broadcast %squeeze3A_1516 : f32 to vector<16xf32>
        %mul3A_1563 = arith.mulf %bitcast_convert_type3A_1554, %mul3A_1562 : vector<16xf32>
        %swap3A_1564 = arith.index_cast %add3A_1514 : i32 to index
        %swap3A_1565 = arith.constant 48 : index
        %swap3A_1566 = tpu.vector_load %arg12[%swap3A_1564, %swap3A_1565] {strides = array<i32>} : memref<80x128xf32, #tpu.memory_space<vmem>>, vector<1x16xf32>,
        %swap3A_1567 = vector.shape_cast %swap3A_1566 : vector<1x16xf32> to vector<16xf32>
        %swap3A_1568 = vector.shape_cast %mul3A_1563 : vector<16xf32> to vector<1x16xf32>
        tpu.vector_store %arg12[%swap3A_1564, %swap3A_1565], %swap3A_1568 {strides = array<i32>} : memref<80x128xf32, #tpu.memory_space<vmem>>, vector<1x16xf32>,
        %get3A_1569 = arith.index_cast %add3A_1514 : i32 to index
        %get3A_1570 = arith.constant 32 : index
        %get3A_1571 = tpu.vector_load %arg11[%get3A_1569, %get3A_1570] {strides = array<i32>} : memref<80x64xi32, #tpu.memory_space<vmem>>, vector<1x16xi32>,
        %get3A_1572 = vector.shape_cast %get3A_1571 : vector<1x16xi32> to vector<16xi32>
        %shift_left3A_1573 = arith.constant 16 : i32
        %shift_left3A_1574 = vector.broadcast %shift_left3A_1573 : i32 to vector<16xi32>
        %shift_left3A_1575 = arith.shli %get3A_1572, %shift_left3A_1574 : vector<16xi32>
        %bitcast_convert_type3A_1576 = tpu.bitcast %shift_left3A_1575 : vector<16xi32> -> vector<16xf32>
        %and3A_1577 = arith.constant -65536 : i32
        %and3A_1578 = vector.broadcast %and3A_1577 : i32 to vector<16xi32>
        %and3A_1579 = arith.andi %get3A_1572, %and3A_1578 : vector<16xi32>
        %bitcast_convert_type3A_1580 = tpu.bitcast %and3A_1579 : vector<16xi32> -> vector<16xf32>
        %mul3A_1581 = vector.broadcast %squeeze3A_1516 : f32 to vector<16xf32>
        %mul3A_1582 = arith.mulf %bitcast_convert_type3A_1576, %mul3A_1581 : vector<16xf32>
        %swap3A_1583 = arith.index_cast %add3A_1514 : i32 to index
        %swap3A_1584 = arith.constant 64 : index
        %swap3A_1585 = tpu.vector_load %arg12[%swap3A_1583, %swap3A_1584] {strides = array<i32>} : memref<80x128xf32, #tpu.memory_space<vmem>>, vector<1x16xf32>,
        %swap3A_1586 = vector.shape_cast %swap3A_1585 : vector<1x16xf32> to vector<16xf32>
        %swap3A_1587 = vector.shape_cast %mul3A_1582 : vector<16xf32> to vector<1x16xf32>
        tpu.vector_store %arg12[%swap3A_1583, %swap3A_1584], %swap3A_1587 {strides = array<i32>} : memref<80x128xf32, #tpu.memory_space<vmem>>, vector<1x16xf32>,
        %mul3A_1588 = vector.broadcast %squeeze3A_1516 : f32 to vector<16xf32>
        %mul3A_1589 = arith.mulf %bitcast_convert_type3A_1580, %mul3A_1588 : vector<16xf32>
        %swap3A_1590 = arith.index_cast %add3A_1514 : i32 to index
        %swap3A_1591 = arith.constant 80 : index
        %swap3A_1592 = tpu.vector_load %arg12[%swap3A_1590, %swap3A_1591] {strides = array<i32>} : memref<80x128xf32, #tpu.memory_space<vmem>>, vector<1x16xf32>,
        %swap3A_1593 = vector.shape_cast %swap3A_1592 : vector<1x16xf32> to vector<16xf32>
        %swap3A_1594 = vector.shape_cast %mul3A_1589 : vector<16xf32> to vector<1x16xf32>
        tpu.vector_store %arg12[%swap3A_1590, %swap3A_1591], %swap3A_1594 {strides = array<i32>} : memref<80x128xf32, #tpu.memory_space<vmem>>, vector<1x16xf32>,
        %get3A_1595 = arith.index_cast %add3A_1514 : i32 to index
        %get3A_1596 = arith.constant 48 : index
        %get3A_1597 = tpu.vector_load %arg11[%get3A_1595, %get3A_1596] {strides = array<i32>} : memref<80x64xi32, #tpu.memory_space<vmem>>, vector<1x16xi32>,
        %get3A_1598 = vector.shape_cast %get3A_1597 : vector<1x16xi32> to vector<16xi32>
        %shift_left3A_1599 = arith.constant 16 : i32
        %shift_left3A_1600 = vector.broadcast %shift_left3A_1599 : i32 to vector<16xi32>
        %shift_left3A_1601 = arith.shli %get3A_1598, %shift_left3A_1600 : vector<16xi32>
        %bitcast_convert_type3A_1602 = tpu.bitcast %shift_left3A_1601 : vector<16xi32> -> vector<16xf32>
        %and3A_1603 = arith.constant -65536 : i32
        %and3A_1604 = vector.broadcast %and3A_1603 : i32 to vector<16xi32>
        %and3A_1605 = arith.andi %get3A_1598, %and3A_1604 : vector<16xi32>
        %bitcast_convert_type3A_1606 = tpu.bitcast %and3A_1605 : vector<16xi32> -> vector<16xf32>
        %mul3A_1607 = vector.broadcast %squeeze3A_1516 : f32 to vector<16xf32>
        %mul3A_1608 = arith.mulf %bitcast_convert_type3A_1602, %mul3A_1607 : vector<16xf32>
        %swap3A_1609 = arith.index_cast %add3A_1514 : i32 to index
        %swap3A_1610 = arith.constant 96 : index
        %swap3A_1611 = tpu.vector_load %arg12[%swap3A_1609, %swap3A_1610] {strides = array<i32>} : memref<80x128xf32, #tpu.memory_space<vmem>>, vector<1x16xf32>,
        %swap3A_1612 = vector.shape_cast %swap3A_1611 : vector<1x16xf32> to vector<16xf32>
        %swap3A_1613 = vector.shape_cast %mul3A_1608 : vector<16xf32> to vector<1x16xf32>
        tpu.vector_store %arg12[%swap3A_1609, %swap3A_1610], %swap3A_1613 {strides = array<i32>} : memref<80x128xf32, #tpu.memory_space<vmem>>, vector<1x16xf32>,
        %mul3A_1614 = vector.broadcast %squeeze3A_1516 : f32 to vector<16xf32>
        %mul3A_1615 = arith.mulf %bitcast_convert_type3A_1606, %mul3A_1614 : vector<16xf32>
        %swap3A_1616 = arith.index_cast %add3A_1514 : i32 to index
        %swap3A_1617 = arith.constant 112 : index
        %swap3A_1618 = tpu.vector_load %arg12[%swap3A_1616, %swap3A_1617] {strides = array<i32>} : memref<80x128xf32, #tpu.memory_space<vmem>>, vector<1x16xf32>,
        %swap3A_1619 = vector.shape_cast %swap3A_1618 : vector<1x16xf32> to vector<16xf32>
        %swap3A_1620 = vector.shape_cast %mul3A_1615 : vector<16xf32> to vector<1x16xf32>
        tpu.vector_store %arg12[%swap3A_1616, %swap3A_1617], %swap3A_1620 {strides = array<i32>} : memref<80x128xf32, #tpu.memory_space<vmem>>, vector<1x16xf32>,
        %mul3A_1621 = arith.constant 16 : i32
        %mul3A_1622 = arith.muli %scan3A_81, %mul3A_1621 : i32
        %add3A_1623 = arith.constant 14 : i32
        %add3A_1624 = arith.addi %mul3A_1622, %add3A_1623 : i32
        %slice3A_1625 = vector.extract_strided_slice %get3A_86 {offsets = [14], sizes = [1], strides = [1]} : vector<16xf32> to vector<1xf32>
        %squeeze3A_1626 = vector.extract %slice3A_1625[0] : f32 from vector<1xf32>
        %get3A_1627 = arith.index_cast %add3A_1624 : i32 to index
        %get3A_1628 = arith.constant 0 : index
        %get3A_1629 = tpu.vector_load %arg11[%get3A_1627, %get3A_1628] {strides = array<i32>} : memref<80x64xi32, #tpu.memory_space<vmem>>, vector<1x16xi32>,
        %get3A_1630 = vector.shape_cast %get3A_1629 : vector<1x16xi32> to vector<16xi32>
        %shift_left3A_1631 = arith.constant 16 : i32
        %shift_left3A_1632 = vector.broadcast %shift_left3A_1631 : i32 to vector<16xi32>
        %shift_left3A_1633 = arith.shli %get3A_1630, %shift_left3A_1632 : vector<16xi32>
        %bitcast_convert_type3A_1634 = tpu.bitcast %shift_left3A_1633 : vector<16xi32> -> vector<16xf32>
        %and3A_1635 = arith.constant -65536 : i32
        %and3A_1636 = vector.broadcast %and3A_1635 : i32 to vector<16xi32>
        %and3A_1637 = arith.andi %get3A_1630, %and3A_1636 : vector<16xi32>
        %bitcast_convert_type3A_1638 = tpu.bitcast %and3A_1637 : vector<16xi32> -> vector<16xf32>
        %mul3A_1639 = vector.broadcast %squeeze3A_1626 : f32 to vector<16xf32>
        %mul3A_1640 = arith.mulf %bitcast_convert_type3A_1634, %mul3A_1639 : vector<16xf32>
        %swap3A_1641 = arith.index_cast %add3A_1624 : i32 to index
        %swap3A_1642 = arith.constant 0 : index
        %swap3A_1643 = tpu.vector_load %arg12[%swap3A_1641, %swap3A_1642] {strides = array<i32>} : memref<80x128xf32, #tpu.memory_space<vmem>>, vector<1x16xf32>,
        %swap3A_1644 = vector.shape_cast %swap3A_1643 : vector<1x16xf32> to vector<16xf32>
        %swap3A_1645 = vector.shape_cast %mul3A_1640 : vector<16xf32> to vector<1x16xf32>
        tpu.vector_store %arg12[%swap3A_1641, %swap3A_1642], %swap3A_1645 {strides = array<i32>} : memref<80x128xf32, #tpu.memory_space<vmem>>, vector<1x16xf32>,
        %mul3A_1646 = vector.broadcast %squeeze3A_1626 : f32 to vector<16xf32>
        %mul3A_1647 = arith.mulf %bitcast_convert_type3A_1638, %mul3A_1646 : vector<16xf32>
        %swap3A_1648 = arith.index_cast %add3A_1624 : i32 to index
        %swap3A_1649 = arith.constant 16 : index
        %swap3A_1650 = tpu.vector_load %arg12[%swap3A_1648, %swap3A_1649] {strides = array<i32>} : memref<80x128xf32, #tpu.memory_space<vmem>>, vector<1x16xf32>,
        %swap3A_1651 = vector.shape_cast %swap3A_1650 : vector<1x16xf32> to vector<16xf32>
        %swap3A_1652 = vector.shape_cast %mul3A_1647 : vector<16xf32> to vector<1x16xf32>
        tpu.vector_store %arg12[%swap3A_1648, %swap3A_1649], %swap3A_1652 {strides = array<i32>} : memref<80x128xf32, #tpu.memory_space<vmem>>, vector<1x16xf32>,
        %get3A_1653 = arith.index_cast %add3A_1624 : i32 to index
        %get3A_1654 = arith.constant 16 : index
        %get3A_1655 = tpu.vector_load %arg11[%get3A_1653, %get3A_1654] {strides = array<i32>} : memref<80x64xi32, #tpu.memory_space<vmem>>, vector<1x16xi32>,
        %get3A_1656 = vector.shape_cast %get3A_1655 : vector<1x16xi32> to vector<16xi32>
        %shift_left3A_1657 = arith.constant 16 : i32
        %shift_left3A_1658 = vector.broadcast %shift_left3A_1657 : i32 to vector<16xi32>
        %shift_left3A_1659 = arith.shli %get3A_1656, %shift_left3A_1658 : vector<16xi32>
        %bitcast_convert_type3A_1660 = tpu.bitcast %shift_left3A_1659 : vector<16xi32> -> vector<16xf32>
        %and3A_1661 = arith.constant -65536 : i32
        %and3A_1662 = vector.broadcast %and3A_1661 : i32 to vector<16xi32>
        %and3A_1663 = arith.andi %get3A_1656, %and3A_1662 : vector<16xi32>
        %bitcast_convert_type3A_1664 = tpu.bitcast %and3A_1663 : vector<16xi32> -> vector<16xf32>
        %mul3A_1665 = vector.broadcast %squeeze3A_1626 : f32 to vector<16xf32>
        %mul3A_1666 = arith.mulf %bitcast_convert_type3A_1660, %mul3A_1665 : vector<16xf32>
        %swap3A_1667 = arith.index_cast %add3A_1624 : i32 to index
        %swap3A_1668 = arith.constant 32 : index
        %swap3A_1669 = tpu.vector_load %arg12[%swap3A_1667, %swap3A_1668] {strides = array<i32>} : memref<80x128xf32, #tpu.memory_space<vmem>>, vector<1x16xf32>,
        %swap3A_1670 = vector.shape_cast %swap3A_1669 : vector<1x16xf32> to vector<16xf32>
        %swap3A_1671 = vector.shape_cast %mul3A_1666 : vector<16xf32> to vector<1x16xf32>
        tpu.vector_store %arg12[%swap3A_1667, %swap3A_1668], %swap3A_1671 {strides = array<i32>} : memref<80x128xf32, #tpu.memory_space<vmem>>, vector<1x16xf32>,
        %mul3A_1672 = vector.broadcast %squeeze3A_1626 : f32 to vector<16xf32>
        %mul3A_1673 = arith.mulf %bitcast_convert_type3A_1664, %mul3A_1672 : vector<16xf32>
        %swap3A_1674 = arith.index_cast %add3A_1624 : i32 to index
        %swap3A_1675 = arith.constant 48 : index
        %swap3A_1676 = tpu.vector_load %arg12[%swap3A_1674, %swap3A_1675] {strides = array<i32>} : memref<80x128xf32, #tpu.memory_space<vmem>>, vector<1x16xf32>,
        %swap3A_1677 = vector.shape_cast %swap3A_1676 : vector<1x16xf32> to vector<16xf32>
        %swap3A_1678 = vector.shape_cast %mul3A_1673 : vector<16xf32> to vector<1x16xf32>
        tpu.vector_store %arg12[%swap3A_1674, %swap3A_1675], %swap3A_1678 {strides = array<i32>} : memref<80x128xf32, #tpu.memory_space<vmem>>, vector<1x16xf32>,
        %get3A_1679 = arith.index_cast %add3A_1624 : i32 to index
        %get3A_1680 = arith.constant 32 : index
        %get3A_1681 = tpu.vector_load %arg11[%get3A_1679, %get3A_1680] {strides = array<i32>} : memref<80x64xi32, #tpu.memory_space<vmem>>, vector<1x16xi32>,
        %get3A_1682 = vector.shape_cast %get3A_1681 : vector<1x16xi32> to vector<16xi32>
        %shift_left3A_1683 = arith.constant 16 : i32
        %shift_left3A_1684 = vector.broadcast %shift_left3A_1683 : i32 to vector<16xi32>
        %shift_left3A_1685 = arith.shli %get3A_1682, %shift_left3A_1684 : vector<16xi32>
        %bitcast_convert_type3A_1686 = tpu.bitcast %shift_left3A_1685 : vector<16xi32> -> vector<16xf32>
        %and3A_1687 = arith.constant -65536 : i32
        %and3A_1688 = vector.broadcast %and3A_1687 : i32 to vector<16xi32>
        %and3A_1689 = arith.andi %get3A_1682, %and3A_1688 : vector<16xi32>
        %bitcast_convert_type3A_1690 = tpu.bitcast %and3A_1689 : vector<16xi32> -> vector<16xf32>
        %mul3A_1691 = vector.broadcast %squeeze3A_1626 : f32 to vector<16xf32>
        %mul3A_1692 = arith.mulf %bitcast_convert_type3A_1686, %mul3A_1691 : vector<16xf32>
        %swap3A_1693 = arith.index_cast %add3A_1624 : i32 to index
        %swap3A_1694 = arith.constant 64 : index
        %swap3A_1695 = tpu.vector_load %arg12[%swap3A_1693, %swap3A_1694] {strides = array<i32>} : memref<80x128xf32, #tpu.memory_space<vmem>>, vector<1x16xf32>,
        %swap3A_1696 = vector.shape_cast %swap3A_1695 : vector<1x16xf32> to vector<16xf32>
        %swap3A_1697 = vector.shape_cast %mul3A_1692 : vector<16xf32> to vector<1x16xf32>
        tpu.vector_store %arg12[%swap3A_1693, %swap3A_1694], %swap3A_1697 {strides = array<i32>} : memref<80x128xf32, #tpu.memory_space<vmem>>, vector<1x16xf32>,
        %mul3A_1698 = vector.broadcast %squeeze3A_1626 : f32 to vector<16xf32>
        %mul3A_1699 = arith.mulf %bitcast_convert_type3A_1690, %mul3A_1698 : vector<16xf32>
        %swap3A_1700 = arith.index_cast %add3A_1624 : i32 to index
        %swap3A_1701 = arith.constant 80 : index
        %swap3A_1702 = tpu.vector_load %arg12[%swap3A_1700, %swap3A_1701] {strides = array<i32>} : memref<80x128xf32, #tpu.memory_space<vmem>>, vector<1x16xf32>,
        %swap3A_1703 = vector.shape_cast %swap3A_1702 : vector<1x16xf32> to vector<16xf32>
        %swap3A_1704 = vector.shape_cast %mul3A_1699 : vector<16xf32> to vector<1x16xf32>
        tpu.vector_store %arg12[%swap3A_1700, %swap3A_1701], %swap3A_1704 {strides = array<i32>} : memref<80x128xf32, #tpu.memory_space<vmem>>, vector<1x16xf32>,
        %get3A_1705 = arith.index_cast %add3A_1624 : i32 to index
        %get3A_1706 = arith.constant 48 : index
        %get3A_1707 = tpu.vector_load %arg11[%get3A_1705, %get3A_1706] {strides = array<i32>} : memref<80x64xi32, #tpu.memory_space<vmem>>, vector<1x16xi32>,
        %get3A_1708 = vector.shape_cast %get3A_1707 : vector<1x16xi32> to vector<16xi32>
        %shift_left3A_1709 = arith.constant 16 : i32
        %shift_left3A_1710 = vector.broadcast %shift_left3A_1709 : i32 to vector<16xi32>
        %shift_left3A_1711 = arith.shli %get3A_1708, %shift_left3A_1710 : vector<16xi32>
        %bitcast_convert_type3A_1712 = tpu.bitcast %shift_left3A_1711 : vector<16xi32> -> vector<16xf32>
        %and3A_1713 = arith.constant -65536 : i32
        %and3A_1714 = vector.broadcast %and3A_1713 : i32 to vector<16xi32>
        %and3A_1715 = arith.andi %get3A_1708, %and3A_1714 : vector<16xi32>
        %bitcast_convert_type3A_1716 = tpu.bitcast %and3A_1715 : vector<16xi32> -> vector<16xf32>
        %mul3A_1717 = vector.broadcast %squeeze3A_1626 : f32 to vector<16xf32>
        %mul3A_1718 = arith.mulf %bitcast_convert_type3A_1712, %mul3A_1717 : vector<16xf32>
        %swap3A_1719 = arith.index_cast %add3A_1624 : i32 to index
        %swap3A_1720 = arith.constant 96 : index
        %swap3A_1721 = tpu.vector_load %arg12[%swap3A_1719, %swap3A_1720] {strides = array<i32>} : memref<80x128xf32, #tpu.memory_space<vmem>>, vector<1x16xf32>,
        %swap3A_1722 = vector.shape_cast %swap3A_1721 : vector<1x16xf32> to vector<16xf32>
        %swap3A_1723 = vector.shape_cast %mul3A_1718 : vector<16xf32> to vector<1x16xf32>
        tpu.vector_store %arg12[%swap3A_1719, %swap3A_1720], %swap3A_1723 {strides = array<i32>} : memref<80x128xf32, #tpu.memory_space<vmem>>, vector<1x16xf32>,
        %mul3A_1724 = vector.broadcast %squeeze3A_1626 : f32 to vector<16xf32>
        %mul3A_1725 = arith.mulf %bitcast_convert_type3A_1716, %mul3A_1724 : vector<16xf32>
        %swap3A_1726 = arith.index_cast %add3A_1624 : i32 to index
        %swap3A_1727 = arith.constant 112 : index
        %swap3A_1728 = tpu.vector_load %arg12[%swap3A_1726, %swap3A_1727] {strides = array<i32>} : memref<80x128xf32, #tpu.memory_space<vmem>>, vector<1x16xf32>,
        %swap3A_1729 = vector.shape_cast %swap3A_1728 : vector<1x16xf32> to vector<16xf32>
        %swap3A_1730 = vector.shape_cast %mul3A_1725 : vector<16xf32> to vector<1x16xf32>
        tpu.vector_store %arg12[%swap3A_1726, %swap3A_1727], %swap3A_1730 {strides = array<i32>} : memref<80x128xf32, #tpu.memory_space<vmem>>, vector<1x16xf32>,
        %mul3A_1731 = arith.constant 16 : i32
        %mul3A_1732 = arith.muli %scan3A_81, %mul3A_1731 : i32
        %add3A_1733 = arith.constant 15 : i32
        %add3A_1734 = arith.addi %mul3A_1732, %add3A_1733 : i32
        %slice3A_1735 = vector.extract_strided_slice %get3A_86 {offsets = [15], sizes = [1], strides = [1]} : vector<16xf32> to vector<1xf32>
        %squeeze3A_1736 = vector.extract %slice3A_1735[0] : f32 from vector<1xf32>
        %get3A_1737 = arith.index_cast %add3A_1734 : i32 to index
        %get3A_1738 = arith.constant 0 : index
        %get3A_1739 = tpu.vector_load %arg11[%get3A_1737, %get3A_1738] {strides = array<i32>} : memref<80x64xi32, #tpu.memory_space<vmem>>, vector<1x16xi32>,
        %get3A_1740 = vector.shape_cast %get3A_1739 : vector<1x16xi32> to vector<16xi32>
        %shift_left3A_1741 = arith.constant 16 : i32
        %shift_left3A_1742 = vector.broadcast %shift_left3A_1741 : i32 to vector<16xi32>
        %shift_left3A_1743 = arith.shli %get3A_1740, %shift_left3A_1742 : vector<16xi32>
        %bitcast_convert_type3A_1744 = tpu.bitcast %shift_left3A_1743 : vector<16xi32> -> vector<16xf32>
        %and3A_1745 = arith.constant -65536 : i32
        %and3A_1746 = vector.broadcast %and3A_1745 : i32 to vector<16xi32>
        %and3A_1747 = arith.andi %get3A_1740, %and3A_1746 : vector<16xi32>
        %bitcast_convert_type3A_1748 = tpu.bitcast %and3A_1747 : vector<16xi32> -> vector<16xf32>
        %mul3A_1749 = vector.broadcast %squeeze3A_1736 : f32 to vector<16xf32>
        %mul3A_1750 = arith.mulf %bitcast_convert_type3A_1744, %mul3A_1749 : vector<16xf32>
        %swap3A_1751 = arith.index_cast %add3A_1734 : i32 to index
        %swap3A_1752 = arith.constant 0 : index
        %swap3A_1753 = tpu.vector_load %arg12[%swap3A_1751, %swap3A_1752] {strides = array<i32>} : memref<80x128xf32, #tpu.memory_space<vmem>>, vector<1x16xf32>,
        %swap3A_1754 = vector.shape_cast %swap3A_1753 : vector<1x16xf32> to vector<16xf32>
        %swap3A_1755 = vector.shape_cast %mul3A_1750 : vector<16xf32> to vector<1x16xf32>
        tpu.vector_store %arg12[%swap3A_1751, %swap3A_1752], %swap3A_1755 {strides = array<i32>} : memref<80x128xf32, #tpu.memory_space<vmem>>, vector<1x16xf32>,
        %mul3A_1756 = vector.broadcast %squeeze3A_1736 : f32 to vector<16xf32>
        %mul3A_1757 = arith.mulf %bitcast_convert_type3A_1748, %mul3A_1756 : vector<16xf32>
        %swap3A_1758 = arith.index_cast %add3A_1734 : i32 to index
        %swap3A_1759 = arith.constant 16 : index
        %swap3A_1760 = tpu.vector_load %arg12[%swap3A_1758, %swap3A_1759] {strides = array<i32>} : memref<80x128xf32, #tpu.memory_space<vmem>>, vector<1x16xf32>,
        %swap3A_1761 = vector.shape_cast %swap3A_1760 : vector<1x16xf32> to vector<16xf32>
        %swap3A_1762 = vector.shape_cast %mul3A_1757 : vector<16xf32> to vector<1x16xf32>
        tpu.vector_store %arg12[%swap3A_1758, %swap3A_1759], %swap3A_1762 {strides = array<i32>} : memref<80x128xf32, #tpu.memory_space<vmem>>, vector<1x16xf32>,
        %get3A_1763 = arith.index_cast %add3A_1734 : i32 to index
        %get3A_1764 = arith.constant 16 : index
        %get3A_1765 = tpu.vector_load %arg11[%get3A_1763, %get3A_1764] {strides = array<i32>} : memref<80x64xi32, #tpu.memory_space<vmem>>, vector<1x16xi32>,
        %get3A_1766 = vector.shape_cast %get3A_1765 : vector<1x16xi32> to vector<16xi32>
        %shift_left3A_1767 = arith.constant 16 : i32
        %shift_left3A_1768 = vector.broadcast %shift_left3A_1767 : i32 to vector<16xi32>
        %shift_left3A_1769 = arith.shli %get3A_1766, %shift_left3A_1768 : vector<16xi32>
        %bitcast_convert_type3A_1770 = tpu.bitcast %shift_left3A_1769 : vector<16xi32> -> vector<16xf32>
        %and3A_1771 = arith.constant -65536 : i32
        %and3A_1772 = vector.broadcast %and3A_1771 : i32 to vector<16xi32>
        %and3A_1773 = arith.andi %get3A_1766, %and3A_1772 : vector<16xi32>
        %bitcast_convert_type3A_1774 = tpu.bitcast %and3A_1773 : vector<16xi32> -> vector<16xf32>
        %mul3A_1775 = vector.broadcast %squeeze3A_1736 : f32 to vector<16xf32>
        %mul3A_1776 = arith.mulf %bitcast_convert_type3A_1770, %mul3A_1775 : vector<16xf32>
        %swap3A_1777 = arith.index_cast %add3A_1734 : i32 to index
        %swap3A_1778 = arith.constant 32 : index
        %swap3A_1779 = tpu.vector_load %arg12[%swap3A_1777, %swap3A_1778] {strides = array<i32>} : memref<80x128xf32, #tpu.memory_space<vmem>>, vector<1x16xf32>,
        %swap3A_1780 = vector.shape_cast %swap3A_1779 : vector<1x16xf32> to vector<16xf32>
        %swap3A_1781 = vector.shape_cast %mul3A_1776 : vector<16xf32> to vector<1x16xf32>
        tpu.vector_store %arg12[%swap3A_1777, %swap3A_1778], %swap3A_1781 {strides = array<i32>} : memref<80x128xf32, #tpu.memory_space<vmem>>, vector<1x16xf32>,
        %mul3A_1782 = vector.broadcast %squeeze3A_1736 : f32 to vector<16xf32>
        %mul3A_1783 = arith.mulf %bitcast_convert_type3A_1774, %mul3A_1782 : vector<16xf32>
        %swap3A_1784 = arith.index_cast %add3A_1734 : i32 to index
        %swap3A_1785 = arith.constant 48 : index
        %swap3A_1786 = tpu.vector_load %arg12[%swap3A_1784, %swap3A_1785] {strides = array<i32>} : memref<80x128xf32, #tpu.memory_space<vmem>>, vector<1x16xf32>,
        %swap3A_1787 = vector.shape_cast %swap3A_1786 : vector<1x16xf32> to vector<16xf32>
        %swap3A_1788 = vector.shape_cast %mul3A_1783 : vector<16xf32> to vector<1x16xf32>
        tpu.vector_store %arg12[%swap3A_1784, %swap3A_1785], %swap3A_1788 {strides = array<i32>} : memref<80x128xf32, #tpu.memory_space<vmem>>, vector<1x16xf32>,
        %get3A_1789 = arith.index_cast %add3A_1734 : i32 to index
        %get3A_1790 = arith.constant 32 : index
        %get3A_1791 = tpu.vector_load %arg11[%get3A_1789, %get3A_1790] {strides = array<i32>} : memref<80x64xi32, #tpu.memory_space<vmem>>, vector<1x16xi32>,
        %get3A_1792 = vector.shape_cast %get3A_1791 : vector<1x16xi32> to vector<16xi32>
        %shift_left3A_1793 = arith.constant 16 : i32
        %shift_left3A_1794 = vector.broadcast %shift_left3A_1793 : i32 to vector<16xi32>
        %shift_left3A_1795 = arith.shli %get3A_1792, %shift_left3A_1794 : vector<16xi32>
        %bitcast_convert_type3A_1796 = tpu.bitcast %shift_left3A_1795 : vector<16xi32> -> vector<16xf32>
        %and3A_1797 = arith.constant -65536 : i32
        %and3A_1798 = vector.broadcast %and3A_1797 : i32 to vector<16xi32>
        %and3A_1799 = arith.andi %get3A_1792, %and3A_1798 : vector<16xi32>
        %bitcast_convert_type3A_1800 = tpu.bitcast %and3A_1799 : vector<16xi32> -> vector<16xf32>
        %mul3A_1801 = vector.broadcast %squeeze3A_1736 : f32 to vector<16xf32>
        %mul3A_1802 = arith.mulf %bitcast_convert_type3A_1796, %mul3A_1801 : vector<16xf32>
        %swap3A_1803 = arith.index_cast %add3A_1734 : i32 to index
        %swap3A_1804 = arith.constant 64 : index
        %swap3A_1805 = tpu.vector_load %arg12[%swap3A_1803, %swap3A_1804] {strides = array<i32>} : memref<80x128xf32, #tpu.memory_space<vmem>>, vector<1x16xf32>,
        %swap3A_1806 = vector.shape_cast %swap3A_1805 : vector<1x16xf32> to vector<16xf32>
        %swap3A_1807 = vector.shape_cast %mul3A_1802 : vector<16xf32> to vector<1x16xf32>
        tpu.vector_store %arg12[%swap3A_1803, %swap3A_1804], %swap3A_1807 {strides = array<i32>} : memref<80x128xf32, #tpu.memory_space<vmem>>, vector<1x16xf32>,
        %mul3A_1808 = vector.broadcast %squeeze3A_1736 : f32 to vector<16xf32>
        %mul3A_1809 = arith.mulf %bitcast_convert_type3A_1800, %mul3A_1808 : vector<16xf32>
        %swap3A_1810 = arith.index_cast %add3A_1734 : i32 to index
        %swap3A_1811 = arith.constant 80 : index
        %swap3A_1812 = tpu.vector_load %arg12[%swap3A_1810, %swap3A_1811] {strides = array<i32>} : memref<80x128xf32, #tpu.memory_space<vmem>>, vector<1x16xf32>,
        %swap3A_1813 = vector.shape_cast %swap3A_1812 : vector<1x16xf32> to vector<16xf32>
        %swap3A_1814 = vector.shape_cast %mul3A_1809 : vector<16xf32> to vector<1x16xf32>
        tpu.vector_store %arg12[%swap3A_1810, %swap3A_1811], %swap3A_1814 {strides = array<i32>} : memref<80x128xf32, #tpu.memory_space<vmem>>, vector<1x16xf32>,
        %get3A_1815 = arith.index_cast %add3A_1734 : i32 to index
        %get3A_1816 = arith.constant 48 : index
        %get3A_1817 = tpu.vector_load %arg11[%get3A_1815, %get3A_1816] {strides = array<i32>} : memref<80x64xi32, #tpu.memory_space<vmem>>, vector<1x16xi32>,
        %get3A_1818 = vector.shape_cast %get3A_1817 : vector<1x16xi32> to vector<16xi32>
        %shift_left3A_1819 = arith.constant 16 : i32
        %shift_left3A_1820 = vector.broadcast %shift_left3A_1819 : i32 to vector<16xi32>
        %shift_left3A_1821 = arith.shli %get3A_1818, %shift_left3A_1820 : vector<16xi32>
        %bitcast_convert_type3A_1822 = tpu.bitcast %shift_left3A_1821 : vector<16xi32> -> vector<16xf32>
        %and3A_1823 = arith.constant -65536 : i32
        %and3A_1824 = vector.broadcast %and3A_1823 : i32 to vector<16xi32>
        %and3A_1825 = arith.andi %get3A_1818, %and3A_1824 : vector<16xi32>
        %bitcast_convert_type3A_1826 = tpu.bitcast %and3A_1825 : vector<16xi32> -> vector<16xf32>
        %mul3A_1827 = vector.broadcast %squeeze3A_1736 : f32 to vector<16xf32>
        %mul3A_1828 = arith.mulf %bitcast_convert_type3A_1822, %mul3A_1827 : vector<16xf32>
        %swap3A_1829 = arith.index_cast %add3A_1734 : i32 to index
        %swap3A_1830 = arith.constant 96 : index
        %swap3A_1831 = tpu.vector_load %arg12[%swap3A_1829, %swap3A_1830] {strides = array<i32>} : memref<80x128xf32, #tpu.memory_space<vmem>>, vector<1x16xf32>,
        %swap3A_1832 = vector.shape_cast %swap3A_1831 : vector<1x16xf32> to vector<16xf32>
        %swap3A_1833 = vector.shape_cast %mul3A_1828 : vector<16xf32> to vector<1x16xf32>
        tpu.vector_store %arg12[%swap3A_1829, %swap3A_1830], %swap3A_1833 {strides = array<i32>} : memref<80x128xf32, #tpu.memory_space<vmem>>, vector<1x16xf32>,
        %mul3A_1834 = vector.broadcast %squeeze3A_1736 : f32 to vector<16xf32>
        %mul3A_1835 = arith.mulf %bitcast_convert_type3A_1826, %mul3A_1834 : vector<16xf32>
        %swap3A_1836 = arith.index_cast %add3A_1734 : i32 to index
        %swap3A_1837 = arith.constant 112 : index
        %swap3A_1838 = tpu.vector_load %arg12[%swap3A_1836, %swap3A_1837] {strides = array<i32>} : memref<80x128xf32, #tpu.memory_space<vmem>>, vector<1x16xf32>,
        %swap3A_1839 = vector.shape_cast %swap3A_1838 : vector<1x16xf32> to vector<16xf32>
        %swap3A_1840 = vector.shape_cast %mul3A_1835 : vector<16xf32> to vector<1x16xf32>
        tpu.vector_store %arg12[%swap3A_1836, %swap3A_1837], %swap3A_1840 {strides = array<i32>} : memref<80x128xf32, #tpu.memory_space<vmem>>, vector<1x16xf32>,
      }
      %scan3A_48 = arith.constant 5 : i32
      %dma_wait3A_49 = arith.constant 0 : i32
      %dma_wait3A_50 = arith.constant 0 : i32
      %dma_wait3A_51 = tpu.memref_slice %arg10[%dma_wait3A_49, %dma_wait3A_50] : memref<1x80xi32, #tpu.memory_space<vmem>> -> memref<1x80xi32, #tpu.memory_space<vmem>>
      %dma_wait3A_52 = tpu.memref_squeeze %dma_wait3A_51 : memref<1x80xi32, #tpu.memory_space<vmem>> -> memref<80xi32, #tpu.memory_space<vmem>>
      %dma_wait3A_53 = arith.constant 0 : i32
      %dma_wait3A_54 = tpu.memref_slice %arg4[%dma_wait3A_53] : memref<320000xi32, #tpu.memory_space<hbm>> -> memref<80xi32, #tpu.memory_space<hbm>>
      %dma_wait3A_55 = arith.constant 0 : i32
      %dma_wait3A_56 = tpu.memref_slice %arg10[%dma_wait3A_49, %dma_wait3A_55] : memref<1x80xi32, #tpu.memory_space<vmem>> -> memref<1x80xi32, #tpu.memory_space<vmem>>
      %dma_wait3A_57 = tpu.memref_squeeze %dma_wait3A_56 : memref<1x80xi32, #tpu.memory_space<vmem>> -> memref<80xi32, #tpu.memory_space<vmem>>
      %dma_wait3A_58 = arith.constant 0 : i32
      %dma_wait3A_59 = tpu.memref_slice %arg4[%dma_wait3A_58] : memref<320000xi32, #tpu.memory_space<hbm>> -> memref<80xi32, #tpu.memory_space<hbm>>
      tpu.wait_dma2 semaphore(%arg16 : memref<!tpu.dma_semaphore, #tpu.memory_space<semaphore_mem>>) src(%dma_wait3A_59 : memref<80xi32, #tpu.memory_space<hbm>>) dst(%dma_wait3A_57 : memref<80xi32, #tpu.memory_space<vmem>>)
      %dma_start3A_60 = arith.constant 0 : i32
      %dma_start3A_61 = arith.constant 0 : i32
      %dma_start3A_62 = tpu.memref_slice %arg10[%dma_start3A_60, %dma_start3A_61] : memref<1x80xi32, #tpu.memory_space<vmem>> -> memref<1x80xi32, #tpu.memory_space<vmem>>
      %dma_start3A_63 = tpu.memref_squeeze %dma_start3A_62 : memref<1x80xi32, #tpu.memory_space<vmem>> -> memref<80xi32, #tpu.memory_space<vmem>>
      %dma_start3A_64 = arith.constant 0 : i32
      %dma_start3A_65 = arith.constant 0 : i32
      %dma_start3A_66 = tpu.memref_slice %arg13[%dma_start3A_64, %dma_start3A_65] : memref<10000x128xf32, #tpu.memory_space<vmem_shared>> -> memref<10000x128xf32, #tpu.memory_space<vmem_shared>>
      tpu.enqueue_indirect_dma source(%arg12 : memref<80x128xf32, #tpu.memory_space<vmem>>) target(%dma_start3A_66 : memref<10000x128xf32, #tpu.memory_space<vmem_shared>>) offsets(%dma_start3A_63 : memref<80xi32, #tpu.memory_space<vmem>>) semaphore(%arg15 : memref<!tpu.dma_semaphore, #tpu.memory_space<semaphore_mem>>) {add = true}
      %dma_wait3A_67 = arith.constant 0 : i32
      %dma_wait3A_68 = arith.constant 0 : i32
      %dma_wait3A_69 = tpu.memref_slice %arg10[%dma_wait3A_67, %dma_wait3A_68] : memref<1x80xi32, #tpu.memory_space<vmem>> -> memref<1x80xi32, #tpu.memory_space<vmem>>
      %dma_wait3A_70 = tpu.memref_squeeze %dma_wait3A_69 : memref<1x80xi32, #tpu.memory_space<vmem>> -> memref<80xi32, #tpu.memory_space<vmem>>
      %dma_wait3A_71 = arith.constant 0 : i32
      %dma_wait3A_72 = arith.constant 0 : i32
      %dma_wait3A_73 = tpu.memref_slice %arg13[%dma_wait3A_71, %dma_wait3A_72] : memref<10000x128xf32, #tpu.memory_space<vmem_shared>> -> memref<10000x128xf32, #tpu.memory_space<vmem_shared>>
      tpu.wait_indirect_dma semaphore(%arg15 : memref<!tpu.dma_semaphore, #tpu.memory_space<semaphore_mem>>) src(%arg12 : memref<80x128xf32, #tpu.memory_space<vmem>>) dst(%dma_wait3A_73 : memref<10000x128xf32, #tpu.memory_space<vmem_shared>>)
      %add3A_74 = arith.constant 1 : i32
      %add3A_75 = arith.addi %scan3A_33, %add3A_74 : i32
      %lt3A_76 = arith.constant 125 : i32
      %lt3A_77 = arith.cmpi slt, %add3A_75, %lt3A_76 : i32
      %convert_element_type3A_78 = arith.extui %lt3A_77 : i1 to i32
      %cond3A_79 = arith.constant 0 : i32
      %cond3A_80 = arith.cmpi ne, %convert_element_type3A_78, %cond3A_79 : i32
      scf.if %cond3A_80 {
        %add3A_81 = arith.constant 1 : i32
        %add3A_82 = arith.addi %scan3A_33, %add3A_81 : i32
        %mul3A_83 = arith.constant 80 : i32
        %mul3A_84 = arith.muli %add3A_82, %mul3A_83 : i32
        %add3A_85 = arith.addi %mul3A_8, %mul3A_84 : i32
        %dma_start3A_86 = arith.constant 0 : i32
        %dma_start3A_87 = arith.constant 0 : i32
        %dma_start3A_88 = tpu.memref_slice %arg10[%dma_start3A_86, %dma_start3A_87] : memref<1x80xi32, #tpu.memory_space<vmem>> -> memref<1x80xi32, #tpu.memory_space<vmem>>
        %dma_start3A_89 = tpu.memref_squeeze %dma_start3A_88 : memref<1x80xi32, #tpu.memory_space<vmem>> -> memref<80xi32, #tpu.memory_space<vmem>>
        %dma_start3A_90 = tpu.memref_slice %arg4[%add3A_85] : memref<320000xi32, #tpu.memory_space<hbm>> -> memref<80xi32, #tpu.memory_space<hbm>>
        %dma_start3A_91 = arith.constant 0 : i32
        %dma_start3A_92 = tpu.memref_slice %arg10[%dma_start3A_86, %dma_start3A_91] : memref<1x80xi32, #tpu.memory_space<vmem>> -> memref<1x80xi32, #tpu.memory_space<vmem>>
        %dma_start3A_93 = tpu.memref_squeeze %dma_start3A_92 : memref<1x80xi32, #tpu.memory_space<vmem>> -> memref<80xi32, #tpu.memory_space<vmem>>
        %dma_start3A_94 = tpu.memref_slice %arg4[%add3A_85] : memref<320000xi32, #tpu.memory_space<hbm>> -> memref<80xi32, #tpu.memory_space<hbm>>
        tpu.enqueue_dma source(%dma_start3A_94 : memref<80xi32, #tpu.memory_space<hbm>>) target(%dma_start3A_93 : memref<80xi32, #tpu.memory_space<vmem>>) target_semaphore(%arg16 : memref<!tpu.dma_semaphore, #tpu.memory_space<semaphore_mem>>)
      } else {
      }
    }
    %scan3A_21 = arith.constant 125 : i32
    %barrier3A_22 = arith.constant 0 : index
    tpu.barrier barrier_id(%barrier3A_22)
    %lt3A_23 = arith.constant 15 : i32
    %lt3A_24 = arith.cmpi slt, %arg1, %lt3A_23 : i32
    %convert_element_type3A_25 = arith.extui %lt3A_24 : i1 to i32
    %cond3A_26 = arith.constant 0 : i32
    %cond3A_27 = arith.cmpi ne, %convert_element_type3A_25, %cond3A_26 : i32
    scf.if %cond3A_27 {
      %mul3A_33 = arith.constant 624 : i32
      %mul3A_34 = arith.muli %arg1, %mul3A_33 : i32
      %mul3A_35 = arith.constant 624 : i32
      %mul3A_36 = arith.muli %arg1, %mul3A_35 : i32
      "tpu.region"() ({
        %run_scoped3A = tpu.sem_alloc : memref<!tpu.dma_semaphore, #tpu.memory_space<semaphore_mem>>
        %dma_start3A_37 = arith.constant 0 : i32
        %dma_start3A_38 = tpu.memref_slice %arg7[%arg0, %mul3A_36, %dma_start3A_37] : memref<2x10000x128xf32, #tpu.memory_space<hbm>> -> memref<1x624x128xf32, #tpu.memory_space<hbm>>
        %dma_start3A_39 = tpu.memref_squeeze %dma_start3A_38 : memref<1x624x128xf32, #tpu.memory_space<hbm>> -> memref<624x128xf32, #tpu.memory_space<hbm>>
        %dma_start3A_40 = arith.constant 0 : i32
        %dma_start3A_41 = tpu.memref_slice %arg13[%mul3A_34, %dma_start3A_40] : memref<10000x128xf32, #tpu.memory_space<vmem_shared>> -> memref<624x128xf32, #tpu.memory_space<vmem_shared>>
        tpu.enqueue_dma source(%dma_start3A_41 : memref<624x128xf32, #tpu.memory_space<vmem_shared>>) target(%dma_start3A_39 : memref<624x128xf32, #tpu.memory_space<hbm>>) target_semaphore(%run_scoped3A : memref<!tpu.dma_semaphore, #tpu.memory_space<semaphore_mem>>)
        %dma_wait3A = arith.constant 0 : i32
        %dma_wait3A_42 = tpu.memref_slice %arg7[%arg0, %mul3A_36, %dma_wait3A] : memref<2x10000x128xf32, #tpu.memory_space<hbm>> -> memref<1x624x128xf32, #tpu.memory_space<hbm>>
        %dma_wait3A_43 = tpu.memref_squeeze %dma_wait3A_42 : memref<1x624x128xf32, #tpu.memory_space<hbm>> -> memref<624x128xf32, #tpu.memory_space<hbm>>
        %dma_wait3A_44 = arith.constant 0 : i32
        %dma_wait3A_45 = tpu.memref_slice %arg13[%mul3A_34, %dma_wait3A_44] : memref<10000x128xf32, #tpu.memory_space<vmem_shared>> -> memref<624x128xf32, #tpu.memory_space<vmem_shared>>
        tpu.wait_dma2 semaphore(%run_scoped3A : memref<!tpu.dma_semaphore, #tpu.memory_space<semaphore_mem>>) src(%dma_wait3A_45 : memref<624x128xf32, #tpu.memory_space<vmem_shared>>) dst(%dma_wait3A_43 : memref<624x128xf32, #tpu.memory_space<hbm>>)
        tpu.yield
      }) : () -> ()
    } else {
    }
    %eq3A_28 = arith.constant 15 : i32
    %eq3A_29 = arith.cmpi eq, %arg1, %eq3A_28 : i32
    %convert_element_type3A_30 = arith.extui %eq3A_29 : i1 to i32
    %cond3A_31 = arith.constant 0 : i32
    %cond3A_32 = arith.cmpi ne, %convert_element_type3A_30, %cond3A_31 : i32
    scf.if %cond3A_32 {
      "tpu.region"() ({
        %run_scoped3A = tpu.sem_alloc : memref<!tpu.dma_semaphore, #tpu.memory_space<semaphore_mem>>
        %dma_start3A_33 = arith.constant 9360 : i32
        %dma_start3A_34 = arith.constant 0 : i32
        %dma_start3A_35 = tpu.memref_slice %arg7[%arg0, %dma_start3A_33, %dma_start3A_34] : memref<2x10000x128xf32, #tpu.memory_space<hbm>> -> memref<1x640x128xf32, #tpu.memory_space<hbm>>
        %dma_start3A_36 = tpu.memref_squeeze %dma_start3A_35 : memref<1x640x128xf32, #tpu.memory_space<hbm>> -> memref<640x128xf32, #tpu.memory_space<hbm>>
        %dma_start3A_37 = arith.constant 9360 : i32
        %dma_start3A_38 = arith.constant 0 : i32
        %dma_start3A_39 = tpu.memref_slice %arg13[%dma_start3A_37, %dma_start3A_38] : memref<10000x128xf32, #tpu.memory_space<vmem_shared>> -> memref<640x128xf32, #tpu.memory_space<vmem_shared>>
        tpu.enqueue_dma source(%dma_start3A_39 : memref<640x128xf32, #tpu.memory_space<vmem_shared>>) target(%dma_start3A_36 : memref<640x128xf32, #tpu.memory_space<hbm>>) target_semaphore(%run_scoped3A : memref<!tpu.dma_semaphore, #tpu.memory_space<semaphore_mem>>)
        %dma_wait3A = arith.constant 9360 : i32
        %dma_wait3A_40 = arith.constant 0 : i32
        %dma_wait3A_41 = tpu.memref_slice %arg7[%arg0, %dma_wait3A, %dma_wait3A_40] : memref<2x10000x128xf32, #tpu.memory_space<hbm>> -> memref<1x640x128xf32, #tpu.memory_space<hbm>>
        %dma_wait3A_42 = tpu.memref_squeeze %dma_wait3A_41 : memref<1x640x128xf32, #tpu.memory_space<hbm>> -> memref<640x128xf32, #tpu.memory_space<hbm>>
        %dma_wait3A_43 = arith.constant 9360 : i32
        %dma_wait3A_44 = arith.constant 0 : i32
        %dma_wait3A_45 = tpu.memref_slice %arg13[%dma_wait3A_43, %dma_wait3A_44] : memref<10000x128xf32, #tpu.memory_space<vmem_shared>> -> memref<640x128xf32, #tpu.memory_space<vmem_shared>>
        tpu.wait_dma2 semaphore(%run_scoped3A : memref<!tpu.dma_semaphore, #tpu.memory_space<semaphore_mem>>) src(%dma_wait3A_45 : memref<640x128xf32, #tpu.memory_space<vmem_shared>>) dst(%dma_wait3A_42 : memref<640x128xf32, #tpu.memory_space<hbm>>)
        tpu.yield
      }) : () -> ()
    } else {
    }
    return
  }
}

module attributes {stable_mosaic.version = 14 : i64} {
  func.func @_dense_body(%arg0: i32, %arg1: i32, %arg2: memref<2000x128xf32, #tpu.memory_space<vmem>>, %arg3: memref<2000x128xf32, #tpu.memory_space<vmem>>, %arg4: memref<2500x128xi32, #tpu.memory_space<vmem>>, %arg5: memref<2500x128xi32, #tpu.memory_space<vmem>>, %arg6: memref<1x128x128xf32, #tpu.memory_space<vmem>>, %arg7: memref<128x128xf32, #tpu.memory_space<vmem>>, %arg8: memref<128x128xf32, #tpu.memory_space<vmem>>, %arg9: memref<1x128xf32, #tpu.memory_space<vmem>>, %arg10: memref<1x128xf32, #tpu.memory_space<vmem>>, %arg11: memref<2000x64xi32, #tpu.memory_space<vmem>>, %arg12: memref<2000x128xf32, #tpu.memory_space<vmem>>, %arg13: memref<2500x128xi32, #tpu.memory_space<vmem>>) attributes {dimension_semantics = [#tpu.dimension_semantics<arbitrary>, #tpu.dimension_semantics<arbitrary>], iteration_bounds = array<i64: 5, 8>, scalar_prefetch = 0 : i64, scratch_operands = 0 : i64, tpu.core_type = #tpu.core_type<tc>, window_params = [{transform_indices = @transform_0, window_bounds = array<i64: 2000, 128>}, {transform_indices = @transform_1, window_bounds = array<i64: 2000, 128>}, {pipeline_mode = #tpu.pipeline_mode<synchronous>, transform_indices = @transform_2, window_bounds = array<i64: 2500, 128>}, {pipeline_mode = #tpu.pipeline_mode<synchronous>, transform_indices = @transform_3, window_bounds = array<i64: 2500, 128>}, {transform_indices = @transform_4, window_bounds = array<i64: 1, 128, 128>}, {pipeline_mode = #tpu.pipeline_mode<synchronous>, transform_indices = @transform_5, window_bounds = array<i64: 128, 128>}, {pipeline_mode = #tpu.pipeline_mode<synchronous>, transform_indices = @transform_6, window_bounds = array<i64: 128, 128>}, {pipeline_mode = #tpu.pipeline_mode<synchronous>, transform_indices = @transform_7, window_bounds = array<i64: 1, 128>}, {pipeline_mode = #tpu.pipeline_mode<synchronous>, transform_indices = @transform_8, window_bounds = array<i64: 1, 128>}, {transform_indices = @transform_9, window_bounds = array<i64: 2000, 64>}, {transform_indices = @transform_10, window_bounds = array<i64: 2000, 128>}, {pipeline_mode = #tpu.pipeline_mode<synchronous>, transform_indices = @transform_11, window_bounds = array<i64: 2500, 128>}]} {
    %get3A = arith.constant 0 : index
    %get3A_0 = arith.constant 0 : index
    %get3A_1 = vector.load %arg2[%get3A, %get3A_0] : memref<2000x128xf32, #tpu.memory_space<vmem>>, vector<2000x128xf32>
    %get3A_2 = arith.constant 0 : index
    %get3A_3 = arith.constant 0 : index
    %get3A_4 = arith.constant 0 : index
    %get3A_5 = vector.load %arg6[%get3A_2, %get3A_3, %get3A_4] : memref<1x128x128xf32, #tpu.memory_space<vmem>>, vector<1x128x128xf32>
    %get3A_6 = vector.shape_cast %get3A_5 : vector<1x128x128xf32> to vector<128x128xf32>
    %dot_general3A = arith.constant dense<0.000000e+00> : vector<2000x128xf32>
    %dot_general3A_7 = tpu.matmul %get3A_1, %get3A_6, %dot_general3A {dimension_numbers = #tpu.dot_dimension_numbers<[1], [0], [0], [1], [0, 0, 1, 1], [], []>, transpose_lhs_hint = false} : vector<2000x128xf32>, vector<128x128xf32>, vector<2000x128xf32> -> vector<2000x128xf32>
    %slice3A = vector.extract_strided_slice %dot_general3A_7 {offsets = [0, 0], sizes = [2000, 64], strides = [1, 1]} : vector<2000x128xf32> to vector<2000x64xf32>
    %convert_element_type3A = arith.truncf %slice3A : vector<2000x64xf32> to vector<2000x64xbf16>
    %bitcast_convert_type3A = tpu.bitcast %convert_element_type3A : vector<2000x64xbf16> -> vector<2000x64xi16>
    %convert_element_type3A_8 = arith.extui %bitcast_convert_type3A : vector<2000x64xi16> to vector<2000x64xi32>
    %slice3A_9 = vector.extract_strided_slice %dot_general3A_7 {offsets = [0, 64], sizes = [2000, 64], strides = [1, 1]} : vector<2000x128xf32> to vector<2000x64xf32>
    %convert_element_type3A_10 = arith.truncf %slice3A_9 : vector<2000x64xf32> to vector<2000x64xbf16>
    %bitcast_convert_type3A_11 = tpu.bitcast %convert_element_type3A_10 : vector<2000x64xbf16> -> vector<2000x64xi16>
    %convert_element_type3A_12 = arith.extui %bitcast_convert_type3A_11 : vector<2000x64xi16> to vector<2000x64xi32>
    %shift_left3A = arith.constant 16 : i32
    %shift_left3A_13 = vector.broadcast %shift_left3A : i32 to vector<2000x64xi32>
    %shift_left3A_14 = arith.shli %convert_element_type3A_12, %shift_left3A_13 : vector<2000x64xi32>
    %or3A = arith.ori %convert_element_type3A_8, %shift_left3A_14 : vector<2000x64xi32>
    %swap3A = arith.constant 0 : index
    %swap3A_15 = arith.constant 0 : index
    %swap3A_16 = vector.load %arg11[%swap3A, %swap3A_15] : memref<2000x64xi32, #tpu.memory_space<vmem>>, vector<2000x64xi32>
    tpu.vector_store %arg11[%swap3A, %swap3A_15], %or3A {strides = array<i32>} : memref<2000x64xi32, #tpu.memory_space<vmem>>, vector<2000x64xi32>,
    %eq3A = arith.constant 0 : i32
    %eq3A_17 = arith.cmpi eq, %arg1, %eq3A : i32
    %convert_element_type3A_18 = arith.extui %eq3A_17 : i1 to i32
    %cond3A = arith.constant 0 : i32
    %cond3A_19 = arith.cmpi ne, %convert_element_type3A_18, %cond3A : i32
    scf.if %cond3A_19 {
      %get3A_27 = arith.constant 0 : index
      %get3A_28 = arith.constant 0 : index
      %get3A_29 = vector.load %arg3[%get3A_27, %get3A_28] : memref<2000x128xf32, #tpu.memory_space<vmem>>, vector<2000x128xf32>
      %get3A_30 = arith.constant 0 : index
      %get3A_31 = arith.constant 0 : index
      %get3A_32 = vector.load %arg8[%get3A_30, %get3A_31] : memref<128x128xf32, #tpu.memory_space<vmem>>, vector<128x128xf32>
      %dot_general3A_33 = arith.constant dense<0.000000e+00> : vector<2000x128xf32>
      %dot_general3A_34 = tpu.matmul %get3A_29, %get3A_32, %dot_general3A_33 {dimension_numbers = #tpu.dot_dimension_numbers<[1], [1], [0], [0], [0, 0, 1, 0], [], []>, transpose_lhs_hint = false} : vector<2000x128xf32>, vector<128x128xf32>, vector<2000x128xf32> -> vector<2000x128xf32>
      %get3A_35 = arith.constant 0 : index
      %get3A_36 = arith.constant 0 : index
      %get3A_37 = vector.load %arg7[%get3A_35, %get3A_36] : memref<128x128xf32, #tpu.memory_space<vmem>>, vector<128x128xf32>
      %dot_general3A_38 = arith.constant dense<0.000000e+00> : vector<2000x128xf32>
      %dot_general3A_39 = tpu.matmul %get3A_1, %get3A_37, %dot_general3A_38 {dimension_numbers = #tpu.dot_dimension_numbers<[1], [0], [0], [1], [0, 0, 1, 1], [], []>, transpose_lhs_hint = false} : vector<2000x128xf32>, vector<128x128xf32>, vector<2000x128xf32> -> vector<2000x128xf32>
      %add3A = arith.addf %dot_general3A_34, %dot_general3A_39 : vector<2000x128xf32>
      %get3A_40 = arith.constant 0 : index
      %get3A_41 = arith.constant 0 : index
      %get3A_42 = vector.load %arg9[%get3A_40, %get3A_41] : memref<1x128xf32, #tpu.memory_space<vmem>>, vector<1x128xf32>
      %add3A_43 = vector.broadcast %get3A_42 : vector<1x128xf32> to vector<2000x128xf32>
      %add3A_44 = arith.addf %add3A, %add3A_43 : vector<2000x128xf32>
      %get3A_45 = arith.constant 0 : index
      %get3A_46 = arith.constant 0 : index
      %get3A_47 = vector.load %arg10[%get3A_45, %get3A_46] : memref<1x128xf32, #tpu.memory_space<vmem>>, vector<1x128xf32>
      %add3A_48 = vector.broadcast %get3A_47 : vector<1x128xf32> to vector<2000x128xf32>
      %add3A_49 = arith.addf %add3A_44, %add3A_48 : vector<2000x128xf32>
      %swap3A_50 = arith.constant 0 : index
      %swap3A_51 = arith.constant 0 : index
      %swap3A_52 = vector.load %arg12[%swap3A_50, %swap3A_51] : memref<2000x128xf32, #tpu.memory_space<vmem>>, vector<2000x128xf32>
      tpu.vector_store %arg12[%swap3A_50, %swap3A_51], %add3A_49 {strides = array<i32>} : memref<2000x128xf32, #tpu.memory_space<vmem>>, vector<2000x128xf32>,
    } else {
    }
    %eq3A_20 = arith.constant 0 : i32
    %eq3A_21 = arith.cmpi eq, %arg1, %eq3A_20 : i32
    %eq3A_22 = arith.constant 0 : i32
    %eq3A_23 = arith.cmpi eq, %arg0, %eq3A_22 : i32
    %and3A = arith.andi %eq3A_21, %eq3A_23 : i1
    %convert_element_type3A_24 = arith.extui %and3A : i1 to i32
    %cond3A_25 = arith.constant 0 : i32
    %cond3A_26 = arith.cmpi ne, %convert_element_type3A_24, %cond3A_25 : i32
    scf.if %cond3A_26 {
      %get3A_27 = arith.constant 0 : index
      %get3A_28 = arith.constant 0 : index
      %get3A_29 = vector.load %arg4[%get3A_27, %get3A_28] : memref<2500x128xi32, #tpu.memory_space<vmem>>, vector<2500x128xi32>
      %mul3A = arith.constant 10000 : i32
      %mul3A_30 = vector.broadcast %mul3A : i32 to vector<2500x128xi32>
      %mul3A_31 = arith.muli %get3A_29, %mul3A_30 : vector<2500x128xi32>
      %get3A_32 = arith.constant 0 : index
      %get3A_33 = arith.constant 0 : index
      %get3A_34 = vector.load %arg5[%get3A_32, %get3A_33] : memref<2500x128xi32, #tpu.memory_space<vmem>>, vector<2500x128xi32>
      %add3A = arith.addi %mul3A_31, %get3A_34 : vector<2500x128xi32>
      %swap3A_35 = arith.constant 0 : index
      %swap3A_36 = arith.constant 0 : index
      %swap3A_37 = vector.load %arg13[%swap3A_35, %swap3A_36] : memref<2500x128xi32, #tpu.memory_space<vmem>>, vector<2500x128xi32>
      tpu.vector_store %arg13[%swap3A_35, %swap3A_36], %add3A {strides = array<i32>} : memref<2500x128xi32, #tpu.memory_space<vmem>>, vector<2500x128xi32>,
    } else {
    }
    return
  }
  func.func @transform_0(%arg0: i32, %arg1: i32) -> (i32, i32) {
    %c0_i32 = arith.constant 0 : i32
    %c0_i32_0 = arith.constant 0 : i32
    return %arg0, %c0_i32 : i32, i32
  }
  func.func @transform_1(%arg0: i32, %arg1: i32) -> (i32, i32) {
    %c0_i32 = arith.constant 0 : i32
    %c0_i32_0 = arith.constant 0 : i32
    return %arg0, %c0_i32 : i32, i32
  }
  func.func @transform_2(%arg0: i32, %arg1: i32) -> (i32, i32) {
    %c0_i32 = arith.constant 0 : i32
    %c0_i32_0 = arith.constant 0 : i32
    %c0_i32_1 = arith.constant 0 : i32
    return %c0_i32, %c0_i32_0 : i32, i32
  }
  func.func @transform_3(%arg0: i32, %arg1: i32) -> (i32, i32) {
    %c0_i32 = arith.constant 0 : i32
    %c0_i32_0 = arith.constant 0 : i32
    %c0_i32_1 = arith.constant 0 : i32
    return %c0_i32, %c0_i32_0 : i32, i32
  }
  func.func @transform_4(%arg0: i32, %arg1: i32) -> (i32, i32, i32) {
    %c0_i32 = arith.constant 0 : i32
    %c0_i32_0 = arith.constant 0 : i32
    %c0_i32_1 = arith.constant 0 : i32
    return %arg1, %c0_i32, %c0_i32_0 : i32, i32, i32
  }
  func.func @transform_5(%arg0: i32, %arg1: i32) -> (i32, i32) {
    %c0_i32 = arith.constant 0 : i32
    %c0_i32_0 = arith.constant 0 : i32
    %c0_i32_1 = arith.constant 0 : i32
    return %c0_i32, %c0_i32_0 : i32, i32
  }
  func.func @transform_6(%arg0: i32, %arg1: i32) -> (i32, i32) {
    %c0_i32 = arith.constant 0 : i32
    %c0_i32_0 = arith.constant 0 : i32
    %c0_i32_1 = arith.constant 0 : i32
    return %c0_i32, %c0_i32_0 : i32, i32
  }
  func.func @transform_7(%arg0: i32, %arg1: i32) -> (i32, i32) {
    %c0_i32 = arith.constant 0 : i32
    %c0_i32_0 = arith.constant 0 : i32
    %c0_i32_1 = arith.constant 0 : i32
    return %c0_i32, %c0_i32_0 : i32, i32
  }
  func.func @transform_8(%arg0: i32, %arg1: i32) -> (i32, i32) {
    %c0_i32 = arith.constant 0 : i32
    %c0_i32_0 = arith.constant 0 : i32
    %c0_i32_1 = arith.constant 0 : i32
    return %c0_i32, %c0_i32_0 : i32, i32
  }
  func.func @transform_9(%arg0: i32, %arg1: i32) -> (i32, i32) {
    %mul3A = arith.constant 5 : i32
    %mul3A_0 = arith.muli %arg1, %mul3A : i32
    %add3A = arith.addi %mul3A_0, %arg0 : i32
    %c0_i32 = arith.constant 0 : i32
    %c0_i32_1 = arith.constant 0 : i32
    return %add3A, %c0_i32 : i32, i32
  }
  func.func @transform_10(%arg0: i32, %arg1: i32) -> (i32, i32) {
    %c0_i32 = arith.constant 0 : i32
    %c0_i32_0 = arith.constant 0 : i32
    return %arg0, %c0_i32 : i32, i32
  }
  func.func @transform_11(%arg0: i32, %arg1: i32) -> (i32, i32) {
    %c0_i32 = arith.constant 0 : i32
    %c0_i32_0 = arith.constant 0 : i32
    %c0_i32_1 = arith.constant 0 : i32
    return %c0_i32, %c0_i32_0 : i32, i32
  }
}

module attributes {stable_mosaic.version = 14 : i64} {
  func.func @_combine_body(%arg0: i32, %arg1: memref<2000x128xf32, #tpu.memory_space<vmem>>, %arg2: memref<2000x128xf32, #tpu.memory_space<vmem>>, %arg3: memref<2000x128xf32, #tpu.memory_space<vmem>>, %arg4: memref<2000x128xf32, #tpu.memory_space<vmem>>) attributes {dimension_semantics = [#tpu.dimension_semantics<arbitrary>], iteration_bounds = array<i64: 5>, scalar_prefetch = 0 : i64, scratch_operands = 0 : i64, tpu.core_type = #tpu.core_type<tc>, window_params = [{transform_indices = @transform_0, window_bounds = array<i64: 2000, 128>}, {transform_indices = @transform_1, window_bounds = array<i64: 2000, 128>}, {transform_indices = @transform_2, window_bounds = array<i64: 2000, 128>}, {transform_indices = @transform_3, window_bounds = array<i64: 2000, 128>}]} {
    %get3A = arith.constant 0 : index
    %get3A_0 = arith.constant 0 : index
    %get3A_1 = vector.load %arg1[%get3A, %get3A_0] : memref<2000x128xf32, #tpu.memory_space<vmem>>, vector<2000x128xf32>
    %get3A_2 = arith.constant 0 : index
    %get3A_3 = arith.constant 0 : index
    %get3A_4 = vector.load %arg2[%get3A_2, %get3A_3] : memref<2000x128xf32, #tpu.memory_space<vmem>>, vector<2000x128xf32>
    %add3A = arith.addf %get3A_1, %get3A_4 : vector<2000x128xf32>
    %get3A_5 = arith.constant 0 : index
    %get3A_6 = arith.constant 0 : index
    %get3A_7 = vector.load %arg3[%get3A_5, %get3A_6] : memref<2000x128xf32, #tpu.memory_space<vmem>>, vector<2000x128xf32>
    %add3A_8 = arith.addf %add3A, %get3A_7 : vector<2000x128xf32>
    %swap3A = arith.constant 0 : index
    %swap3A_9 = arith.constant 0 : index
    %swap3A_10 = vector.load %arg4[%swap3A, %swap3A_9] : memref<2000x128xf32, #tpu.memory_space<vmem>>, vector<2000x128xf32>
    tpu.vector_store %arg4[%swap3A, %swap3A_9], %add3A_8 {strides = array<i32>} : memref<2000x128xf32, #tpu.memory_space<vmem>>, vector<2000x128xf32>,
    return
  }
  func.func @transform_0(%arg0: i32) -> (i32, i32) {
    %c0_i32 = arith.constant 0 : i32
    %c0_i32_0 = arith.constant 0 : i32
    return %arg0, %c0_i32 : i32, i32
  }
  func.func @transform_1(%arg0: i32) -> (i32, i32) {
    %c0_i32 = arith.constant 0 : i32
    %c0_i32_0 = arith.constant 0 : i32
    return %arg0, %c0_i32 : i32, i32
  }
  func.func @transform_2(%arg0: i32) -> (i32, i32) {
    %c0_i32 = arith.constant 0 : i32
    %c0_i32_0 = arith.constant 0 : i32
    return %arg0, %c0_i32 : i32, i32
  }
  func.func @transform_3(%arg0: i32) -> (i32, i32) {
    %c0_i32 = arith.constant 0 : i32
    %c0_i32_0 = arith.constant 0 : i32
    return %arg0, %c0_i32 : i32, i32
  }
}

</mosaic_0001>

<sc_bundles>
// kernel: kernel.5.cloned.1.call-start
scs
__scs_entry_jumppad:
0x0: {  	(pc) =	sbr.rel $0x88, $3  }
0x1: {  	(tag) =	ssettag $0x0;
	lr =	simm.s32 $0x1  }
0x2: {  	[smem:$0x3F97] =	sst lr;
	_ =	strace $0xD0000000  }
0x3: {  	_ = 	snop  }
0x4: {  	_ = 	snop  }
0x5: {  	_ = 	snop  }
0x6: {  	_ = 	snop  }
0x7: {  	_ = 	snop  }
__scs_overlays_trampoline_lowered:
0x8: {  	[smem:$0x3FA6] =	sst s0  }
0x9: {  	[smem:$0x3FA7] =	sst s1  }
0xa: {  	[smem:$0x3FA8] =	sst s2  }
0xb: {  	[smem:$0x3FA9] =	sst s3  }
0xc: {  	[smem:$0x3FAA] =	sst s4  }
0xd: {  	[smem:$0x3FAB] =	sst s5  }
0xe: {  	[smem:$0x3FAC] =	sst s6  }
0xf: {  	[smem:$0x3FAD] =	sst s7  }
0x10: {  	[smem:$0x3FAE] =	sst s8  }
0x11: {  	[smem:$0x3FAF] =	sst s9;
	s0 =	simm.s32 @!p0 $0x0  }
0x12: {  	s1 =	sld [smem:$0x3F95];
	s0 =	simm.s32 @p0 $0x1  }
0x13: {  	[smem:$0x3FB0] =	sst s0;
	s0 =	simm.s32 @!p1 $0x0  }
0x14: {  	s2 =	sld [smem:$0x3F94];
	s0 =	simm.s32 @p1 $0x1  }
0x15: {  	[smem:$0x3FB1] =	sst s0;
	s0 =	simm.s32 @!p2 $0x0  }
0x16: {  	s3 =	sld [smem:$0x3FDB];
	s0 =	simm.s32 @p2 $0x1  }
0x17: {  	s4 =	simm.s32 $0x1BF5;
	[smem:$0x3FB3] =	sst s0  }
0x18: {  	s0 =	sld [smem:$0x3F96];
	_ =	swait.ge [sflag:s4], $0x0  }
0x19: {  	s7 =	sld [smem:$0x3F97]  }
0x1a: {  	s8 =	sadd.s32 $0xFFFFE003, lr  }
0x1b: {  	s9 =	sadd.s32 $0xFFFFFEF7, lr;
	s5 =	simm.s32 $0xFFFFFFFF;
	p2 =	slt.u32 s8, $0xFFFFF086  }
0x1c: {  	p1 =	slt.u32 s9, $0xF7A;
	s5 =	simm.s32 @!p2 $0x0  }
0x1d: {  	s5 =	simm.s32 @p1 $0x1;
	p0 =	seq.s32 s7, s2  }
0x1e: {  	s7 =	smul.u32 @!p0 $0xF7A, s2;
	p2 =	seq.s32 @!p0 s5, $0x0  }
0x1f: {  	s9 =	smul.u32 $0xF7A, s1;
	s8 =	simm.s32 @!p0 $0x1BF5;
	p2 =	por !p2, p0  }
0x20: {  	[sflag:s8] =	ssyncset.s32 @!p0 $0xFFFFF086;
	s6 =	sadd.s32 @!p0 s3, s7;
	s7 =	simm.s32 @!p0 $0x108  }
0x21: {  	s3 =	sadd.s32 s3, s9;
	s6 =	sadd.s32 @!p0 $0x88, s6;
	s7 =	simm.s32 @p2 $0x1082  }
0x22: {  	[simem:s7], [sflag:s8] =	dma.local @!p0 [hbm:s6], $0xF7A  }
0x23: {  	s9 =	sor.u32 $0xD0000000, s2;
	s6 =	simm.s32 $0x108;
	_ =	swait.ge @!p0 [sflag:s8], $0x0  }
0x24: {  	s3 =	sadd.s32 $0x88, s3;
	s6 =	simm.s32 @!p1 $0x1082;
	[sflag:s4] =	ssyncset.s32 $0xFFFFF086  }
0x25: {  	[simem:s6], [sflag:s4] =	dma.local [hbm:s3], $0xF7A  }
0x26: {  	[smem:$0x3F97] =	sst s1;
	(tag) =	ssettag s2;
	_ =	strace s9  }
0x27: {  	s1 =	sld [smem:$0x3FA7]  }
0x28: {  	s2 =	sld [smem:$0x3FA8]  }
0x29: {  	s4 =	sld [smem:$0x3FAA]  }
0x2a: {  	p0 =	seq.s32 s5, $0x0;
	s5 =	sld [smem:$0x3FAB]  }
0x2b: {  	s6 =	sld [smem:$0x3FAC]  }
0x2c: {  	s7 =	sld [smem:$0x3FAD]  }
0x2d: {  	s3 =	simm.s32 $0x108;
	s8 =	sld [smem:$0x3FAE]  }
0x2e: {  	s3 =	simm.s32 @!p0 $0x1082;
	s9 =	sld [smem:$0x3FAF]  }
0x2f: {  	lr =	sadd.s32 s0, s3;
	s0 =	sld [smem:$0x3FA6]  }
0x30: {  	s3 =	sld [smem:$0x3FA9]  }
0x31: {  	[smem:$0x3FB2] =	sst s10  }
0x32: {  	s10 =	sld [smem:$0x3FB0];
	_ =	sdelay $0x3  }
0x33: {  	p0 =	seq.s32 s10, $0x1;
	s10 =	sld [smem:$0x3FB2];
	_ =	sdelay $0x3  }
0x34: {  	[smem:$0x3FB2] =	sst s10  }
0x35: {  	s10 =	sld [smem:$0x3FB1];
	_ =	sdelay $0x3  }
0x36: {  	p1 =	seq.s32 s10, $0x1;
	s10 =	sld [smem:$0x3FB2];
	_ =	sdelay $0x3  }
0x37: {  	[smem:$0x3FB2] =	sst s10  }
0x38: {  	s10 =	sld [smem:$0x3FB3]  }
0x39: {  	_ = 	snop;
	(pc) =	sbr.ind lr, $3  }
0x3a: {  	_ = 	snop  }
0x3b: {  	_ = 	snop  }
0x3c: {  	p2 =	seq.s32 s10, $0x1;
	s10 =	sld [smem:$0x3FB2]  }
0x3d: {  	_ =	shalt  }
0x3e: {  	_ =	shalt  }
0x3f: {  	_ =	shalt  }
0x40: {  	_ =	shalt  }
0x41: {  	_ =	shalt  }
0x42: {  	_ =	shalt  }
0x43: {  	_ =	shalt  }
0x44: {  	_ =	shalt  }
0x45: {  	_ =	shalt  }
0x46: {  	_ =	shalt  }
0x47: {  	_ =	shalt  }
0x48: {  	_ =	shalt  }
0x49: {  	_ =	shalt  }
0x4a: {  	_ =	shalt  }
0x4b: {  	_ =	shalt  }
0x4c: {  	_ =	shalt  }
0x4d: {  	_ =	shalt  }
0x4e: {  	_ =	shalt  }
0x4f: {  	_ =	shalt  }
0x50: {  	_ =	shalt  }
0x51: {  	_ =	shalt  }
0x52: {  	_ =	shalt  }
0x53: {  	_ =	shalt  }
0x54: {  	_ =	shalt  }
0x55: {  	_ =	shalt  }
0x56: {  	_ =	shalt  }
0x57: {  	_ =	shalt  }
0x58: {  	_ =	shalt  }
0x59: {  	_ =	shalt  }
0x5a: {  	_ =	shalt  }
0x5b: {  	_ =	shalt  }
0x5c: {  	_ =	shalt  }
0x5d: {  	_ =	shalt  }
0x5e: {  	_ =	shalt  }
0x5f: {  	_ =	shalt  }
0x60: {  	_ =	shalt  }
0x61: {  	_ =	shalt  }
0x62: {  	_ =	shalt  }
0x63: {  	_ =	shalt  }
0x64: {  	_ =	shalt  }
0x65: {  	_ =	shalt  }
0x66: {  	_ =	shalt  }
0x67: {  	_ =	shalt  }
0x68: {  	_ =	shalt  }
0x69: {  	_ =	shalt  }
0x6a: {  	_ =	shalt  }
0x6b: {  	_ =	shalt  }
0x6c: {  	_ =	shalt  }
0x6d: {  	_ =	shalt  }
0x6e: {  	_ =	shalt  }
0x6f: {  	_ =	shalt  }
0x70: {  	_ =	shalt  }
0x71: {  	_ =	shalt  }
0x72: {  	_ =	shalt  }
0x73: {  	_ =	shalt  }
0x74: {  	_ =	shalt  }
0x75: {  	_ =	shalt  }
0x76: {  	_ =	shalt  }
0x77: {  	_ =	shalt  }
0x78: {  	_ =	shalt  }
0x79: {  	_ =	shalt  }
0x7a: {  	_ =	shalt  }
0x7b: {  	_ =	shalt  }
0x7c: {  	_ =	shalt  }
0x7d: {  	_ =	shalt  }
0x7e: {  	_ =	shalt  }
0x7f: {  	_ =	shalt  }
0x80: {  	_ =	shalt  }
0x81: {  	_ =	shalt  }
0x82: {  	_ =	shalt  }
0x83: {  	_ =	shalt  }
0x84: {  	_ =	shalt  }
0x85: {  	_ =	shalt  }
0x86: {  	_ =	shalt  }
0x87: {  	_ =	shalt  }
.Lfunc_end0:
.L_simem_size_0:
called_computation_lowered:
.L_overlay_start_0:
0x88: {  	s2 =	sld [smem:$0x3FD9]  }
0x89: {  	s3 =	sld [smem:$0x3FFE];
	_ =	sdelay $0x1  }
0x8a: {  	s1 =	srdreg.scid  }
0x8b: {  	s0 =	sand.u32 $0x1, s1  }
0x8c: {  	s17 =	sshll.u32 s0, $0xA;
	s2 =	sadd.s32 s3, s2  }
0x8d: {  	s2 =	sadd.s32 s2, s17  }
0x8e: {  	[smem:$0x3FBE] =	sst s2  }
0x8f: {  	_ = 	snop  }
0x90: {  	s2 =	sld [smem:$0x3FC5]  }
0x91: {  	s18 =	sld [smem:$0x3FD0];
	(tm) =	ssettm $0x1  }
0x92: {  	s4 =	sld [smem:$0x3FFB];
	_ =	sdelay $0x3  }
0x93: {  	_ =	strace s4  }
0x94: {  	s4 =	sld [smem:$0x3FFC];
	_ =	sdelay $0x3  }
0x95: {  	_ =	strace s4  }
0x96: {  	s4 =	sld [smem:$0x3FFD];
	_ =	sdelay $0x3  }
0x97: {  	_ =	strace s4  }
0x98: {  	_ =	strace $0x8FFFFFFF  }
0x99: {  	s19 =	sld [smem:$0x3FDB];
	_ =	sdelay $0x1  }
0x9a: {  	s5 =	simm.s32 $_scs_section_size  }
0x9b: {  	s6 =	simm.s32 $_size__tile_overlayer_lowered;
	s7 =	simm.s32 $_tile_overlayer_lowered  }
0x9c: {  	s22 =	simm.s32 $0x1BFF;
	s21 =	sshll.u32 s7, $0x1;
	s4 =	sadd.s32 s5, s19  }
0x9d: {  	s8 =	simm.s32 $0x0;
	s20 =	sshll.u32 s6, $0x1;
	s6 =	sadd.s32 s21, s4  }
0x9e: {  	[timem:s8], [sflag:s22] =	dma.local [hbm:s6], s20  }
0x9f: {  	_ =	swait.ge [sflag:s22], s20  }
0xa0: {  	s5 =	ssub.s32 $0x0, s20;
	[sflag:s22] =	ssyncset.done $0x0  }
0xa1: {  	[sflag:s22] =	ssyncadd.s32 s5;
	_ =	sdelay $0x1  }
0xa2: {  	s23 =	simm.s32 $0x1B8B  }
0xa3: {  	_ =	swait.ge [sflag:s23], $0x1  }
0xa4: {  	[sflag:s23] =	ssyncset.done $0x0  }
0xa5: {  	s25 =	simm.s32 $0x1B8E;
	s24 =	sld [smem:$0x3FFE];
	[sflag:s23] =	ssyncadd.s32 $0xFFFFFFFF  }
0xa6: {  	s26 =	simm.s32 $execute0_lowered;
	[smem:$0x3FD2] =	sst s25  }
0xa7: {  	s6 =	sshll.u32 s26, $0x1;
	_ =	strace $0x80000046;
	[dreg:$0x1] =	wrdreg $0xFFFFFFFF  }
0xa8: {  	s28 =	simm.s32 $_size_execute0_lowered;
	s4 =	sadd.s32 s4, s6;
	[dreg:$0x0] =	wrdreg $0x0  }
0xa9: {  	s6 =	sshll.u32 s28, $0x1;
	[dreg:$0x2] =	wrdreg s4  }
0xaa: {  	[dreg:$0x3] =	wrdreg s6  }
0xab: {  	[dreg:$0x4] =	wrdreg $0xC0  }
0xac: {  	_ =	task [dreg:s8], $0x5FFFF  }
0xad: {  	[dreg:$0x1] =	wrdreg $0xFFFFFFFF  }
0xae: {  	[dreg:$0x0] =	wrdreg $0x60  }
0xaf: {  	[dreg:$0x2] =	wrdreg s24  }
0xb0: {  	[dreg:$0x3] =	wrdreg s2  }
0xb1: {  	[dreg:$0x4] =	wrdreg s18  }
0xb2: {  	[dreg:$0x5] =	wrdreg $0x8A700  }
0xb3: {  	[dreg:$0x6] =	wrdreg $0x9  }
0xb4: {  	_ =	task.clear_ibuf [dreg:s8], $0x7FFFF;
	_ =	strace $0x90000046  }
0xb5: {  	s29 =	simm.s32 $0x9;
	_ =	strace $0x80000048  }
0xb6: {  	_ =	swait.ge [sflag:s29], $0x1  }
0xb7: {  	[sflag:s29] =	ssyncadd.s32 $0xFFFFFFFF  }
0xb8: {  	_ =	strace $0x90000048  }
0xb9: {  	_ =	sfence  }
0xba: {  	s30 =	sld [smem:$0x0];
	_ =	sdelay $0x2  }
0xbb: {  	s31 =	sshll.u32 s1, $0xD;
	s1 =	sshrl.u32 s1, $0x2  }
0xbc: {  	s3 =	sand.u32 $0x4000, s31;
	s1 =	sadd.s32 s1, s30  }
0xbd: {  	s0 =	sor.u32 s3, s0;
	s1 =	sshll.u32 s1, $0x11  }
0xbe: {  	s0 =	sor.u32 s1, s0  }
0xbf: {  	s0 =	sadd.s32 $0x8F2B, s0  }
0xc0: {  	[sflag:s0] =	ssyncadd.remote.s32 $0x1  }
0xc1: {  	_ =	sfence.sel $0xFFFF  }
0xc2: {  	[dreg:$0x0] =	wrdreg $0xFFFFFFFF;
	(pc) =	sbr.abs _section_cstart, $3  }
0xc3: {  	[dreg:$0x1] =	wrdreg $0xFFFFFFFF  }
0xc4: {  	_ =	task.clear_ibuf [dreg:s8], $0x2FFFF;
	_ =	strace $0x9FFFFFFF  }
0xc5: {  	(tm) =	ssettm $0x7FFFFFFF  }
tec
execute0_lowered:
.L_overlay_start_1:
0x0: {  	(tag) =	ssettag $0x1  }
0x1: {  	s1 =	rddreg [dreg:$0x0]  }
0x2: {  	s10 =	rddreg [dreg:$0x1]  }
0x3: {  	s0 =	srdreg.scid;
	s8 =	rddreg [dreg:$0x2]  }
0x4: {  	s4 =	simm.s32 $0x0;
	s18 =	simm.s32 $0x4;
	s19 =	simm.s32 $0x4E20  }
0x5: {  	s20 =	simm.s32 $0x50;
	s21 =	simm.s32 $0x4E70;
	s22 =	simm.s32 $0x1  }
0x6: {  	s23 =	simm.s32 $0x3;
	s24 =	simm.s32 $0x6270;
	s25 =	simm.s32 $0x2  }
0x7: {  	s26 =	simm.s32 $0x0;
	s7 =	sand.u32 $0x1, s0;
	s0 =	stileid.u32  }
0x8: {  	[smem:$0x7FF] =	sst s4;
	s5 =	sadd.s32 $0x1400, s1;
	s6 =	sadd.s32 $0x14D800, s1  }
0x9: {  	s2 =	sshll.u32 s7, $0x4;
	s12 =	ssub.s32 $0x2, s7;
	s14 =	smul.u32 $0x13800, s0  }
0xa: {  	s30 =	smul.u32 $0x138800, s7;
	p0 =	seq.s32 s0, $0xF;
	s3 =	sor.u32 s0, s2  }
0xb: {  	s2 =	rddreg [dreg:$0x3];
	_ =	strace $0x80000047;
	s13 =	sshrl.u32 s12, $0x1  }
0xc: {  	s3 =	smul.u32 $0x2710, s3;
	s15 =	ssub.s32 s12, s13;
	s17 =	sadd.s32 s14, s2  }
0xd: {  	s29 =	sshrl.u32 s14, $0x3;
	s16 =	sadd.s32 $0x124800, s2;
	s31 =	sadd.s32 s14, s30  }
0xe: {  	s13 =	sshrl.u32 s30, $0x3;
	s7 =	sadd.s32 s8, s29;
	s8 =	sadd.s32 $0x24900, s8  }
0xf: {  	s12 =	sshrl.u32 s31, $0x3;
	s14 =	smax.u32 s15, $0x1;
	s11 =	sshrl.u32 s3, $0x3  }
0x10: {  	s15 =	sshrl.u32 @p0 s16, $0x3;
	s9 =	sadd.s32 s11, s1;
	s1 =	sadd.s32 $0xB200, s1  }
0x11: {  	s17 =	sshrl.u32 @!p0 s17, $0x3;
	s12 =	sadd.s32 s1, s12;
	s1 =	sadd.s32 s1, s13  }
0x12: {  	s10 =	sadd.s32 s10, s11;
	s13 =	sadd.s32 $0x24900, s1;
	s1 =	sshll.u32 @!p0 s0, $0x6  }
0x13: {  	s11 =	sadd.s32 s5, s11;
	s9 =	sadd.s32 $0x143A00, s9;
	s16 =	sor.u32 @!p0 $0x1C04, s1  }
.LBB2_1:
0x14: {  	s1 =	simm.s32 @p0 $0x1FC4  }
0x15: {  	[spmem:s15], [sflag:s1] =	dma.local @p0 [hbm:s8], $0x2800  }
0x16: {  	s1 =	simm.s32 @p0 $0x4  }
0x17: {  	_ =	swait.ge @p0 [sflag:s1], $0x2800  }
0x18: {  	[sflag:s1] =	ssyncset.done @p0 $0x0  }
0x19: {  	[sflag:s1] =	ssyncadd.s32 @p0 $0xFFFFD800;
	s1 =	simm.s32 @!p0 $0x4  }
0x1a: {  	[spmem:s17], [sflag:s16] =	dma.local @!p0 [hbm:s7], $0x2700  }
0x1b: {  	_ =	swait.ge @!p0 [sflag:s1], $0x2700  }
0x1c: {  	[sflag:s1] =	ssyncset.done @!p0 $0x0  }
0x1d: {  	[sflag:s1] =	ssyncadd.s32 @!p0 $0xFFFFD900  }
0x1e: {  	[tilespmem:s4], [sflag:$0x4] =	stream.linear.gather [hbm4b:s9+s4], $0x2710, $0x38;
	[tilespmem:$0x1C2F0] =	vst v63  }
0x1f: {  	_ =	swait.ge [sflag:s18], $0x2710  }
0x20: {  	[sflag:s18] =	ssyncset.done $0x0  }
0x21: {  	s28 =	simm.s32 $0x2710;
	[sflag:s18] =	ssyncadd.s32 $0xFFFFD8F0  }
0x22: {  	[tilespmem:s28], [sflag:$0x4] =	stream.linear.gather [hbm4b:s10+s4], $0x2710, $0x38;
	[tilespmem:$0x1C2F0] =	vst v63  }
0x23: {  	_ =	swait.ge [sflag:s18], $0x2710  }
0x24: {  	[sflag:s18] =	ssyncset.done $0x0  }
0x25: {  	[sflag:s18] =	ssyncadd.s32 $0xFFFFD8F0  }
0x26: {  	s29 =	simm.s32 $0x0;
	[bflag:$0x0] =	sbarrier.arrive $0xFFFF  }
0x27: {  	[tilespmem:s19], [sflag:$0x3] =	stream.linear.gather [hbm4b:s11+s4], $0x50, $0x38;
	[tilespmem:$0x1C2F0] =	vst v63  }
.LBB2_2:
0x28: {  	s1 =	smul.u32 $0x50, s29;
	_ =	sdelay $0x1  }
0x29: {  	v0 =	vmov s28;
	[tilespmem:s21], [sflag:$0x1] =	stream.indirect.gather [hbm4b:s6+s20], $0x40, s1, s20, $0xb8;
	[tilespmem:$0x1C2F0] =	vst v63  }
0x2a: {  	_ =	swait.ge [sflag:s22], $0x1400  }
0x2b: {  	s30 =	simm.s32 $0x0;
	[sflag:s22] =	ssyncset.done $0x0  }
0x2c: {  	s31 =	simm.s32 $0x5070;
	s1 =	simm.s32 $0x6670;
	[sflag:s22] =	ssyncadd.s32 $0xFFFFEC00  }
.LBB2_3:
0x2d: {  	s0 =	sshra.s32 s30, $0x2  }
0x2e: {  	v1 =	vld.idx.msk [tilespmem:v0+s0+$0x0 ss:$0x1], $0xffff  }
0x2f: {  	v2 =	vld [tilespmem:s31+$0xFFFFFE00];
	_ =	sdelay $0x3  }
0x30: {  	v3 =	vbroadcast v1, $0x0  }
0x31: {  	v4 =	vshll.u32 v2, $0x10  }
0x32: {  	v2 =	vand.u32 $0xFFFF0000, v2;
	v4 =	vmul.f32 v4, v3  }
0x33: {  	v2 =	vmul.f32 v2, v3  }
0x34: {  	[tilespmem:s1+$0xFFFFFC00] =	vst v4  }
0x35: {  	[tilespmem:s1+$0xFFFFFC10] =	vst v2  }
0x36: {  	v2 =	vld [tilespmem:s31+$0xFFFFFE10];
	_ =	sdelay $0x4  }
0x37: {  	v61 =	vshll.u32 v2, $0x10  }
0x38: {  	v2 =	vand.u32 $0xFFFF0000, v2;
	v4 =	vmul.f32 v61, v3  }
0x39: {  	v2 =	vmul.f32 v2, v3  }
0x3a: {  	[tilespmem:s1+$0xFFFFFC20] =	vst v4  }
0x3b: {  	[tilespmem:s1+$0xFFFFFC30] =	vst v2  }
0x3c: {  	v2 =	vld [tilespmem:s31+$0xFFFFFE20];
	_ =	sdelay $0x4  }
0x3d: {  	v62 =	vshll.u32 v2, $0x10  }
0x3e: {  	v2 =	vand.u32 $0xFFFF0000, v2;
	v4 =	vmul.f32 v62, v3  }
0x3f: {  	v2 =	vmul.f32 v2, v3  }
0x40: {  	[tilespmem:s1+$0xFFFFFC40] =	vst v4  }
0x41: {  	[tilespmem:s1+$0xFFFFFC50] =	vst v2  }
0x42: {  	v2 =	vld [tilespmem:s31+$0xFFFFFE30];
	_ =	sdelay $0x4  }
0x43: {  	v63 =	vshll.u32 v2, $0x10  }
0x44: {  	v2 =	vand.u32 $0xFFFF0000, v2;
	v4 =	vmul.f32 v63, v3  }
0x45: {  	v2 =	vmul.f32 v2, v3  }
0x46: {  	[tilespmem:s1+$0xFFFFFC60] =	vst v4  }
0x47: {  	[tilespmem:s1+$0xFFFFFC70] =	vst v2  }
0x48: {  	v2 =	vld [tilespmem:s31+$0xFFFFFE40];
	_ =	sdelay $0x3  }
0x49: {  	v3 =	vbroadcast v1, $0x1  }
0x4a: {  	v8 =	vshll.u32 v2, $0x10  }
0x4b: {  	v2 =	vand.u32 $0xFFFF0000, v2;
	v4 =	vmul.f32 v8, v3  }
0x4c: {  	v2 =	vmul.f32 v2, v3  }
0x4d: {  	[tilespmem:s1+$0xFFFFFC80] =	vst v4  }
0x4e: {  	[tilespmem:s1+$0xFFFFFC90] =	vst v2  }
0x4f: {  	v2 =	vld [tilespmem:s31+$0xFFFFFE50];
	_ =	sdelay $0x4  }
0x50: {  	v9 =	vshll.u32 v2, $0x10  }
0x51: {  	v2 =	vand.u32 $0xFFFF0000, v2;
	v4 =	vmul.f32 v9, v3  }
0x52: {  	v2 =	vmul.f32 v2, v3  }
0x53: {  	[tilespmem:s1+$0xFFFFFCA0] =	vst v4  }
0x54: {  	[tilespmem:s1+$0xFFFFFCB0] =	vst v2  }
0x55: {  	v2 =	vld [tilespmem:s31+$0xFFFFFE60];
	_ =	sdelay $0x4  }
0x56: {  	v10 =	vshll.u32 v2, $0x10  }
0x57: {  	v2 =	vand.u32 $0xFFFF0000, v2;
	v4 =	vmul.f32 v10, v3  }
0x58: {  	v2 =	vmul.f32 v2, v3  }
0x59: {  	[tilespmem:s1+$0xFFFFFCC0] =	vst v4  }
0x5a: {  	[tilespmem:s1+$0xFFFFFCD0] =	vst v2  }
0x5b: {  	v2 =	vld [tilespmem:s31+$0xFFFFFE70];
	_ =	sdelay $0x4  }
0x5c: {  	v11 =	vshll.u32 v2, $0x10  }
0x5d: {  	v2 =	vand.u32 $0xFFFF0000, v2;
	v4 =	vmul.f32 v11, v3  }
0x5e: {  	v2 =	vmul.f32 v2, v3  }
0x5f: {  	[tilespmem:s1+$0xFFFFFCE0] =	vst v4  }
0x60: {  	[tilespmem:s1+$0xFFFFFCF0] =	vst v2  }
0x61: {  	v2 =	vld [tilespmem:s31+$0xFFFFFE80];
	_ =	sdelay $0x3  }
0x62: {  	v3 =	vbroadcast v1, $0x2  }
0x63: {  	v12 =	vshll.u32 v2, $0x10  }
0x64: {  	v2 =	vand.u32 $0xFFFF0000, v2;
	v4 =	vmul.f32 v12, v3  }
0x65: {  	v2 =	vmul.f32 v2, v3  }
0x66: {  	[tilespmem:s1+$0xFFFFFD00] =	vst v4  }
0x67: {  	[tilespmem:s1+$0xFFFFFD10] =	vst v2  }
0x68: {  	v2 =	vld [tilespmem:s31+$0xFFFFFE90];
	_ =	sdelay $0x4  }
0x69: {  	v13 =	vshll.u32 v2, $0x10  }
0x6a: {  	v2 =	vand.u32 $0xFFFF0000, v2;
	v4 =	vmul.f32 v13, v3  }
0x6b: {  	v2 =	vmul.f32 v2, v3  }
0x6c: {  	[tilespmem:s1+$0xFFFFFD20] =	vst v4  }
0x6d: {  	[tilespmem:s1+$0xFFFFFD30] =	vst v2  }
0x6e: {  	v2 =	vld [tilespmem:s31+$0xFFFFFEA0];
	_ =	sdelay $0x4  }
0x6f: {  	v14 =	vshll.u32 v2, $0x10  }
0x70: {  	v2 =	vand.u32 $0xFFFF0000, v2;
	v4 =	vmul.f32 v14, v3  }
0x71: {  	v2 =	vmul.f32 v2, v3  }
0x72: {  	[tilespmem:s1+$0xFFFFFD40] =	vst v4  }
0x73: {  	[tilespmem:s1+$0xFFFFFD50] =	vst v2  }
0x74: {  	v2 =	vld [tilespmem:s31+$0xFFFFFEB0];
	_ =	sdelay $0x4  }
0x75: {  	v15 =	vshll.u32 v2, $0x10  }
0x76: {  	v2 =	vand.u32 $0xFFFF0000, v2;
	v4 =	vmul.f32 v15, v3  }
0x77: {  	v2 =	vmul.f32 v2, v3  }
0x78: {  	[tilespmem:s1+$0xFFFFFD60] =	vst v4  }
0x79: {  	[tilespmem:s1+$0xFFFFFD70] =	vst v2  }
0x7a: {  	v2 =	vld [tilespmem:s31+$0xFFFFFEC0];
	_ =	sdelay $0x3  }
0x7b: {  	v3 =	vbroadcast v1, $0x3  }
0x7c: {  	v16 =	vshll.u32 v2, $0x10  }
0x7d: {  	v2 =	vand.u32 $0xFFFF0000, v2;
	v4 =	vmul.f32 v16, v3  }
0x7e: {  	v2 =	vmul.f32 v2, v3  }
0x7f: {  	[tilespmem:s1+$0xFFFFFD80] =	vst v4  }
0x80: {  	[tilespmem:s1+$0xFFFFFD90] =	vst v2  }
0x81: {  	v2 =	vld [tilespmem:s31+$0xFFFFFED0];
	_ =	sdelay $0x4  }
0x82: {  	v17 =	vshll.u32 v2, $0x10  }
0x83: {  	v2 =	vand.u32 $0xFFFF0000, v2;
	v4 =	vmul.f32 v17, v3  }
0x84: {  	v2 =	vmul.f32 v2, v3  }
0x85: {  	[tilespmem:s1+$0xFFFFFDA0] =	vst v4  }
0x86: {  	[tilespmem:s1+$0xFFFFFDB0] =	vst v2  }
0x87: {  	v2 =	vld [tilespmem:s31+$0xFFFFFEE0];
	_ =	sdelay $0x4  }
0x88: {  	v18 =	vshll.u32 v2, $0x10  }
0x89: {  	v2 =	vand.u32 $0xFFFF0000, v2;
	v4 =	vmul.f32 v18, v3  }
0x8a: {  	v2 =	vmul.f32 v2, v3  }
0x8b: {  	[tilespmem:s1+$0xFFFFFDC0] =	vst v4  }
0x8c: {  	[tilespmem:s1+$0xFFFFFDD0] =	vst v2  }
0x8d: {  	v2 =	vld [tilespmem:s31+$0xFFFFFEF0];
	_ =	sdelay $0x4  }
0x8e: {  	v19 =	vshll.u32 v2, $0x10  }
0x8f: {  	v2 =	vand.u32 $0xFFFF0000, v2;
	v4 =	vmul.f32 v19, v3  }
0x90: {  	v2 =	vmul.f32 v2, v3  }
0x91: {  	[tilespmem:s1+$0xFFFFFDE0] =	vst v4  }
0x92: {  	[tilespmem:s1+$0xFFFFFDF0] =	vst v2  }
0x93: {  	v2 =	vld [tilespmem:s31+$0xFFFFFF00];
	_ =	sdelay $0x3  }
0x94: {  	v3 =	vbroadcast v1, $0x4  }
0x95: {  	v20 =	vshll.u32 v2, $0x10  }
0x96: {  	v2 =	vand.u32 $0xFFFF0000, v2;
	v4 =	vmul.f32 v20, v3  }
0x97: {  	v2 =	vmul.f32 v2, v3  }
0x98: {  	[tilespmem:s1+$0xFFFFFE00] =	vst v4  }
0x99: {  	[tilespmem:s1+$0xFFFFFE10] =	vst v2  }
0x9a: {  	v2 =	vld [tilespmem:s31+$0xFFFFFF10];
	_ =	sdelay $0x4  }
0x9b: {  	v21 =	vshll.u32 v2, $0x10  }
0x9c: {  	v2 =	vand.u32 $0xFFFF0000, v2;
	v4 =	vmul.f32 v21, v3  }
0x9d: {  	v2 =	vmul.f32 v2, v3  }
0x9e: {  	[tilespmem:s1+$0xFFFFFE20] =	vst v4  }
0x9f: {  	[tilespmem:s1+$0xFFFFFE30] =	vst v2  }
0xa0: {  	v2 =	vld [tilespmem:s31+$0xFFFFFF20];
	_ =	sdelay $0x4  }
0xa1: {  	v22 =	vshll.u32 v2, $0x10  }
0xa2: {  	v2 =	vand.u32 $0xFFFF0000, v2;
	v4 =	vmul.f32 v22, v3  }
0xa3: {  	v2 =	vmul.f32 v2, v3  }
0xa4: {  	[tilespmem:s1+$0xFFFFFE40] =	vst v4  }
0xa5: {  	[tilespmem:s1+$0xFFFFFE50] =	vst v2  }
0xa6: {  	v2 =	vld [tilespmem:s31+$0xFFFFFF30];
	_ =	sdelay $0x4  }
0xa7: {  	v23 =	vshll.u32 v2, $0x10  }
0xa8: {  	v2 =	vand.u32 $0xFFFF0000, v2;
	v4 =	vmul.f32 v23, v3  }
0xa9: {  	v2 =	vmul.f32 v2, v3  }
0xaa: {  	[tilespmem:s1+$0xFFFFFE60] =	vst v4  }
0xab: {  	[tilespmem:s1+$0xFFFFFE70] =	vst v2  }
0xac: {  	v2 =	vld [tilespmem:s31+$0xFFFFFF40];
	_ =	sdelay $0x3  }
0xad: {  	v3 =	vbroadcast v1, $0x5  }
0xae: {  	v24 =	vshll.u32 v2, $0x10  }
0xaf: {  	v2 =	vand.u32 $0xFFFF0000, v2;
	v4 =	vmul.f32 v24, v3  }
0xb0: {  	v2 =	vmul.f32 v2, v3  }
0xb1: {  	[tilespmem:s1+$0xFFFFFE80] =	vst v4  }
0xb2: {  	[tilespmem:s1+$0xFFFFFE90] =	vst v2  }
0xb3: {  	v2 =	vld [tilespmem:s31+$0xFFFFFF50];
	_ =	sdelay $0x4  }
0xb4: {  	v25 =	vshll.u32 v2, $0x10  }
0xb5: {  	v2 =	vand.u32 $0xFFFF0000, v2;
	v4 =	vmul.f32 v25, v3  }
0xb6: {  	v2 =	vmul.f32 v2, v3  }
0xb7: {  	[tilespmem:s1+$0xFFFFFEA0] =	vst v4  }
0xb8: {  	[tilespmem:s1+$0xFFFFFEB0] =	vst v2  }
0xb9: {  	v2 =	vld [tilespmem:s31+$0xFFFFFF60];
	_ =	sdelay $0x4  }
0xba: {  	v26 =	vshll.u32 v2, $0x10  }
0xbb: {  	v2 =	vand.u32 $0xFFFF0000, v2;
	v4 =	vmul.f32 v26, v3  }
0xbc: {  	v2 =	vmul.f32 v2, v3  }
0xbd: {  	[tilespmem:s1+$0xFFFFFEC0] =	vst v4  }
0xbe: {  	[tilespmem:s1+$0xFFFFFED0] =	vst v2  }
0xbf: {  	v2 =	vld [tilespmem:s31+$0xFFFFFF70];
	_ =	sdelay $0x4  }
0xc0: {  	v27 =	vshll.u32 v2, $0x10  }
0xc1: {  	v2 =	vand.u32 $0xFFFF0000, v2;
	v4 =	vmul.f32 v27, v3  }
0xc2: {  	v2 =	vmul.f32 v2, v3  }
0xc3: {  	[tilespmem:s1+$0xFFFFFEE0] =	vst v4  }
0xc4: {  	[tilespmem:s1+$0xFFFFFEF0] =	vst v2  }
0xc5: {  	v2 =	vld [tilespmem:s31+$0xFFFFFF80];
	_ =	sdelay $0x3  }
0xc6: {  	v3 =	vbroadcast v1, $0x6  }
0xc7: {  	v28 =	vshll.u32 v2, $0x10  }
0xc8: {  	v2 =	vand.u32 $0xFFFF0000, v2;
	v4 =	vmul.f32 v28, v3  }
0xc9: {  	v2 =	vmul.f32 v2, v3  }
0xca: {  	[tilespmem:s1+$0xFFFFFF00] =	vst v4  }
0xcb: {  	[tilespmem:s1+$0xFFFFFF10] =	vst v2  }
0xcc: {  	v2 =	vld [tilespmem:s31+$0xFFFFFF90];
	_ =	sdelay $0x4  }
0xcd: {  	v29 =	vshll.u32 v2, $0x10  }
0xce: {  	v2 =	vand.u32 $0xFFFF0000, v2;
	v4 =	vmul.f32 v29, v3  }
0xcf: {  	v2 =	vmul.f32 v2, v3  }
0xd0: {  	[tilespmem:s1+$0xFFFFFF20] =	vst v4  }
0xd1: {  	[tilespmem:s1+$0xFFFFFF30] =	vst v2  }
0xd2: {  	v2 =	vld [tilespmem:s31+$0xFFFFFFA0];
	_ =	sdelay $0x4  }
0xd3: {  	v30 =	vshll.u32 v2, $0x10  }
0xd4: {  	v2 =	vand.u32 $0xFFFF0000, v2;
	v4 =	vmul.f32 v30, v3  }
0xd5: {  	v2 =	vmul.f32 v2, v3  }
0xd6: {  	[tilespmem:s1+$0xFFFFFF40] =	vst v4  }
0xd7: {  	[tilespmem:s1+$0xFFFFFF50] =	vst v2  }
0xd8: {  	v2 =	vld [tilespmem:s31+$0xFFFFFFB0];
	_ =	sdelay $0x4  }
0xd9: {  	v31 =	vshll.u32 v2, $0x10  }
0xda: {  	v2 =	vand.u32 $0xFFFF0000, v2;
	v4 =	vmul.f32 v31, v3  }
0xdb: {  	v2 =	vmul.f32 v2, v3  }
0xdc: {  	[tilespmem:s1+$0xFFFFFF60] =	vst v4  }
0xdd: {  	[tilespmem:s1+$0xFFFFFF70] =	vst v2  }
0xde: {  	v2 =	vld [tilespmem:s31+$0xFFFFFFC0];
	_ =	sdelay $0x3  }
0xdf: {  	v3 =	vbroadcast v1, $0x7  }
0xe0: {  	v32 =	vshll.u32 v2, $0x10  }
0xe1: {  	v2 =	vand.u32 $0xFFFF0000, v2;
	v4 =	vmul.f32 v32, v3  }
0xe2: {  	v2 =	vmul.f32 v2, v3  }
0xe3: {  	[tilespmem:s1+$0xFFFFFF80] =	vst v4  }
0xe4: {  	[tilespmem:s1+$0xFFFFFF90] =	vst v2  }
0xe5: {  	v2 =	vld [tilespmem:s31+$0xFFFFFFD0];
	_ =	sdelay $0x4  }
0xe6: {  	v33 =	vshll.u32 v2, $0x10  }
0xe7: {  	v2 =	vand.u32 $0xFFFF0000, v2;
	v4 =	vmul.f32 v33, v3  }
0xe8: {  	v2 =	vmul.f32 v2, v3  }
0xe9: {  	[tilespmem:s1+$0xFFFFFFA0] =	vst v4  }
0xea: {  	[tilespmem:s1+$0xFFFFFFB0] =	vst v2  }
0xeb: {  	v2 =	vld [tilespmem:s31+$0xFFFFFFE0];
	_ =	sdelay $0x4  }
0xec: {  	v34 =	vshll.u32 v2, $0x10  }
0xed: {  	v2 =	vand.u32 $0xFFFF0000, v2;
	v4 =	vmul.f32 v34, v3  }
0xee: {  	v2 =	vmul.f32 v2, v3  }
0xef: {  	[tilespmem:s1+$0xFFFFFFC0] =	vst v4  }
0xf0: {  	[tilespmem:s1+$0xFFFFFFD0] =	vst v2  }
0xf1: {  	v2 =	vld [tilespmem:s31+$0xFFFFFFF0];
	_ =	sdelay $0x4  }
0xf2: {  	v35 =	vshll.u32 v2, $0x10  }
0xf3: {  	v2 =	vand.u32 $0xFFFF0000, v2;
	v4 =	vmul.f32 v35, v3  }
0xf4: {  	v2 =	vmul.f32 v2, v3  }
0xf5: {  	[tilespmem:s1+$0xFFFFFFE0] =	vst v4  }
0xf6: {  	[tilespmem:s1+$0xFFFFFFF0] =	vst v2  }
0xf7: {  	v2 =	vld [tilespmem:s31+$0x0];
	_ =	sdelay $0x3  }
0xf8: {  	v3 =	vbroadcast v1, $0x8  }
0xf9: {  	v36 =	vshll.u32 v2, $0x10  }
0xfa: {  	v2 =	vand.u32 $0xFFFF0000, v2;
	v4 =	vmul.f32 v36, v3  }
0xfb: {  	v2 =	vmul.f32 v2, v3  }
0xfc: {  	[tilespmem:s1+$0x0] =	vst v4  }
0xfd: {  	[tilespmem:s1+$0x10] =	vst v2  }
0xfe: {  	v2 =	vld [tilespmem:s31+$0x10];
	_ =	sdelay $0x4  }
0xff: {  	v37 =	vshll.u32 v2, $0x10  }
0x100: {  	v2 =	vand.u32 $0xFFFF0000, v2;
	v4 =	vmul.f32 v37, v3  }
0x101: {  	v2 =	vmul.f32 v2, v3  }
0x102: {  	[tilespmem:s1+$0x20] =	vst v4  }
0x103: {  	[tilespmem:s1+$0x30] =	vst v2  }
0x104: {  	v2 =	vld [tilespmem:s31+$0x20];
	_ =	sdelay $0x4  }
0x105: {  	v38 =	vshll.u32 v2, $0x10  }
0x106: {  	v2 =	vand.u32 $0xFFFF0000, v2;
	v4 =	vmul.f32 v38, v3  }
0x107: {  	v2 =	vmul.f32 v2, v3  }
0x108: {  	[tilespmem:s1+$0x40] =	vst v4  }
0x109: {  	[tilespmem:s1+$0x50] =	vst v2  }
0x10a: {  	v2 =	vld [tilespmem:s31+$0x30];
	_ =	sdelay $0x4  }
0x10b: {  	v39 =	vshll.u32 v2, $0x10  }
0x10c: {  	v2 =	vand.u32 $0xFFFF0000, v2;
	v4 =	vmul.f32 v39, v3  }
0x10d: {  	v2 =	vmul.f32 v2, v3  }
0x10e: {  	[tilespmem:s1+$0x60] =	vst v4  }
0x10f: {  	[tilespmem:s1+$0x70] =	vst v2  }
0x110: {  	v2 =	vld [tilespmem:s31+$0x40];
	_ =	sdelay $0x3  }
0x111: {  	v3 =	vbroadcast v1, $0x9  }
0x112: {  	v40 =	vshll.u32 v2, $0x10  }
0x113: {  	v2 =	vand.u32 $0xFFFF0000, v2;
	v4 =	vmul.f32 v40, v3  }
0x114: {  	v2 =	vmul.f32 v2, v3  }
0x115: {  	[tilespmem:s1+$0x80] =	vst v4  }
0x116: {  	[tilespmem:s1+$0x90] =	vst v2  }
0x117: {  	v2 =	vld [tilespmem:s31+$0x50];
	_ =	sdelay $0x4  }
0x118: {  	v41 =	vshll.u32 v2, $0x10  }
0x119: {  	v2 =	vand.u32 $0xFFFF0000, v2;
	v4 =	vmul.f32 v41, v3  }
0x11a: {  	v2 =	vmul.f32 v2, v3  }
0x11b: {  	[tilespmem:s1+$0xA0] =	vst v4  }
0x11c: {  	[tilespmem:s1+$0xB0] =	vst v2  }
0x11d: {  	v2 =	vld [tilespmem:s31+$0x60];
	_ =	sdelay $0x4  }
0x11e: {  	v42 =	vshll.u32 v2, $0x10  }
0x11f: {  	v2 =	vand.u32 $0xFFFF0000, v2;
	v4 =	vmul.f32 v42, v3  }
0x120: {  	v2 =	vmul.f32 v2, v3  }
0x121: {  	[tilespmem:s1+$0xC0] =	vst v4  }
0x122: {  	[tilespmem:s1+$0xD0] =	vst v2  }
0x123: {  	v2 =	vld [tilespmem:s31+$0x70];
	_ =	sdelay $0x4  }
0x124: {  	v43 =	vshll.u32 v2, $0x10  }
0x125: {  	v2 =	vand.u32 $0xFFFF0000, v2;
	v4 =	vmul.f32 v43, v3  }
0x126: {  	v2 =	vmul.f32 v2, v3  }
0x127: {  	[tilespmem:s1+$0xE0] =	vst v4  }
0x128: {  	[tilespmem:s1+$0xF0] =	vst v2  }
0x129: {  	v2 =	vld [tilespmem:s31+$0x80];
	_ =	sdelay $0x3  }
0x12a: {  	v3 =	vbroadcast v1, $0xA  }
0x12b: {  	v44 =	vshll.u32 v2, $0x10  }
0x12c: {  	v2 =	vand.u32 $0xFFFF0000, v2;
	v4 =	vmul.f32 v44, v3  }
0x12d: {  	v2 =	vmul.f32 v2, v3  }
0x12e: {  	[tilespmem:s1+$0x100] =	vst v4  }
0x12f: {  	[tilespmem:s1+$0x110] =	vst v2  }
0x130: {  	v2 =	vld [tilespmem:s31+$0x90];
	_ =	sdelay $0x4  }
0x131: {  	v45 =	vshll.u32 v2, $0x10  }
0x132: {  	v2 =	vand.u32 $0xFFFF0000, v2;
	v4 =	vmul.f32 v45, v3  }
0x133: {  	v2 =	vmul.f32 v2, v3  }
0x134: {  	[tilespmem:s1+$0x120] =	vst v4  }
0x135: {  	[tilespmem:s1+$0x130] =	vst v2  }
0x136: {  	v2 =	vld [tilespmem:s31+$0xA0];
	_ =	sdelay $0x4  }
0x137: {  	v46 =	vshll.u32 v2, $0x10  }
0x138: {  	v2 =	vand.u32 $0xFFFF0000, v2;
	v4 =	vmul.f32 v46, v3  }
0x139: {  	v2 =	vmul.f32 v2, v3  }
0x13a: {  	[tilespmem:s1+$0x140] =	vst v4  }
0x13b: {  	[tilespmem:s1+$0x150] =	vst v2  }
0x13c: {  	v2 =	vld [tilespmem:s31+$0xB0];
	_ =	sdelay $0x4  }
0x13d: {  	v47 =	vshll.u32 v2, $0x10  }
0x13e: {  	v2 =	vand.u32 $0xFFFF0000, v2;
	v4 =	vmul.f32 v47, v3  }
0x13f: {  	v2 =	vmul.f32 v2, v3  }
0x140: {  	[tilespmem:s1+$0x160] =	vst v4  }
0x141: {  	[tilespmem:s1+$0x170] =	vst v2  }
0x142: {  	v2 =	vld [tilespmem:s31+$0xC0];
	_ =	sdelay $0x3  }
0x143: {  	v3 =	vbroadcast v1, $0xB  }
0x144: {  	v48 =	vshll.u32 v2, $0x10  }
0x145: {  	v2 =	vand.u32 $0xFFFF0000, v2;
	v4 =	vmul.f32 v48, v3  }
0x146: {  	v2 =	vmul.f32 v2, v3  }
0x147: {  	[tilespmem:s1+$0x180] =	vst v4  }
0x148: {  	[tilespmem:s1+$0x190] =	vst v2  }
0x149: {  	v2 =	vld [tilespmem:s31+$0xD0];
	_ =	sdelay $0x4  }
0x14a: {  	v49 =	vshll.u32 v2, $0x10  }
0x14b: {  	v2 =	vand.u32 $0xFFFF0000, v2;
	v4 =	vmul.f32 v49, v3  }
0x14c: {  	v2 =	vmul.f32 v2, v3  }
0x14d: {  	[tilespmem:s1+$0x1A0] =	vst v4  }
0x14e: {  	[tilespmem:s1+$0x1B0] =	vst v2  }
0x14f: {  	v2 =	vld [tilespmem:s31+$0xE0];
	_ =	sdelay $0x4  }
0x150: {  	v50 =	vshll.u32 v2, $0x10  }
0x151: {  	v2 =	vand.u32 $0xFFFF0000, v2;
	v4 =	vmul.f32 v50, v3  }
0x152: {  	v2 =	vmul.f32 v2, v3  }
0x153: {  	[tilespmem:s1+$0x1C0] =	vst v4  }
0x154: {  	[tilespmem:s1+$0x1D0] =	vst v2  }
0x155: {  	v2 =	vld [tilespmem:s31+$0xF0];
	_ =	sdelay $0x4  }
0x156: {  	v51 =	vshll.u32 v2, $0x10  }
0x157: {  	v2 =	vand.u32 $0xFFFF0000, v2;
	v4 =	vmul.f32 v51, v3  }
0x158: {  	v2 =	vmul.f32 v2, v3  }
0x159: {  	[tilespmem:s1+$0x1E0] =	vst v4  }
0x15a: {  	[tilespmem:s1+$0x1F0] =	vst v2  }
0x15b: {  	v2 =	vld [tilespmem:s31+$0x100];
	_ =	sdelay $0x3  }
0x15c: {  	v3 =	vbroadcast v1, $0xC  }
0x15d: {  	v52 =	vshll.u32 v2, $0x10  }
0x15e: {  	v2 =	vand.u32 $0xFFFF0000, v2;
	v4 =	vmul.f32 v52, v3  }
0x15f: {  	v2 =	vmul.f32 v2, v3  }
0x160: {  	[tilespmem:s1+$0x200] =	vst v4  }
0x161: {  	[tilespmem:s1+$0x210] =	vst v2  }
0x162: {  	v2 =	vld [tilespmem:s31+$0x110];
	_ =	sdelay $0x4  }
0x163: {  	v53 =	vshll.u32 v2, $0x10  }
0x164: {  	v2 =	vand.u32 $0xFFFF0000, v2;
	v4 =	vmul.f32 v53, v3  }
0x165: {  	v2 =	vmul.f32 v2, v3  }
0x166: {  	[tilespmem:s1+$0x220] =	vst v4  }
0x167: {  	[tilespmem:s1+$0x230] =	vst v2  }
0x168: {  	v2 =	vld [tilespmem:s31+$0x120];
	_ =	sdelay $0x4  }
0x169: {  	v54 =	vshll.u32 v2, $0x10  }
0x16a: {  	v2 =	vand.u32 $0xFFFF0000, v2;
	v4 =	vmul.f32 v54, v3  }
0x16b: {  	v2 =	vmul.f32 v2, v3  }
0x16c: {  	[tilespmem:s1+$0x240] =	vst v4  }
0x16d: {  	[tilespmem:s1+$0x250] =	vst v2  }
0x16e: {  	v2 =	vld [tilespmem:s31+$0x130];
	_ =	sdelay $0x4  }
0x16f: {  	v55 =	vshll.u32 v2, $0x10  }
0x170: {  	v2 =	vand.u32 $0xFFFF0000, v2;
	v4 =	vmul.f32 v55, v3  }
0x171: {  	v2 =	vmul.f32 v2, v3  }
0x172: {  	[tilespmem:s1+$0x260] =	vst v4  }
0x173: {  	[tilespmem:s1+$0x270] =	vst v2  }
0x174: {  	v2 =	vld [tilespmem:s31+$0x140];
	_ =	sdelay $0x3  }
0x175: {  	v3 =	vbroadcast v1, $0xD  }
0x176: {  	v56 =	vshll.u32 v2, $0x10  }
0x177: {  	v2 =	vand.u32 $0xFFFF0000, v2;
	v4 =	vmul.f32 v56, v3  }
0x178: {  	v2 =	vmul.f32 v2, v3  }
0x179: {  	[tilespmem:s1+$0x280] =	vst v4  }
0x17a: {  	[tilespmem:s1+$0x290] =	vst v2  }
0x17b: {  	v2 =	vld [tilespmem:s31+$0x150];
	_ =	sdelay $0x4  }
0x17c: {  	v57 =	vshll.u32 v2, $0x10  }
0x17d: {  	v2 =	vand.u32 $0xFFFF0000, v2;
	v4 =	vmul.f32 v57, v3  }
0x17e: {  	v2 =	vmul.f32 v2, v3  }
0x17f: {  	[tilespmem:s1+$0x2A0] =	vst v4  }
0x180: {  	[tilespmem:s1+$0x2B0] =	vst v2  }
0x181: {  	v2 =	vld [tilespmem:s31+$0x160];
	_ =	sdelay $0x4  }
0x182: {  	v58 =	vshll.u32 v2, $0x10  }
0x183: {  	v2 =	vand.u32 $0xFFFF0000, v2;
	v4 =	vmul.f32 v58, v3  }
0x184: {  	v2 =	vmul.f32 v2, v3  }
0x185: {  	[tilespmem:s1+$0x2C0] =	vst v4  }
0x186: {  	[tilespmem:s1+$0x2D0] =	vst v2  }
0x187: {  	v2 =	vld [tilespmem:s31+$0x170];
	_ =	sdelay $0x4  }
0x188: {  	v59 =	vshll.u32 v2, $0x10  }
0x189: {  	v2 =	vand.u32 $0xFFFF0000, v2;
	v4 =	vmul.f32 v59, v3  }
0x18a: {  	v2 =	vmul.f32 v2, v3  }
0x18b: {  	[tilespmem:s1+$0x2E0] =	vst v4  }
0x18c: {  	[tilespmem:s1+$0x2F0] =	vst v2  }
0x18d: {  	v2 =	vld [tilespmem:s31+$0x180];
	_ =	sdelay $0x3  }
0x18e: {  	v3 =	vbroadcast v1, $0xE  }
0x18f: {  	v60 =	vshll.u32 v2, $0x10  }
0x190: {  	v2 =	vand.u32 $0xFFFF0000, v2;
	v4 =	vmul.f32 v60, v3  }
0x191: {  	v2 =	vmul.f32 v2, v3  }
0x192: {  	[tilespmem:s1+$0x300] =	vst v4  }
0x193: {  	[tilespmem:s1+$0x310] =	vst v2  }
0x194: {  	v2 =	vld [tilespmem:s31+$0x190];
	_ =	sdelay $0x4  }
0x195: {  	v61 =	vshll.u32 v2, $0x10  }
0x196: {  	v2 =	vand.u32 $0xFFFF0000, v2;
	v4 =	vmul.f32 v61, v3  }
0x197: {  	v2 =	vmul.f32 v2, v3  }
0x198: {  	[tilespmem:s1+$0x320] =	vst v4  }
0x199: {  	[tilespmem:s1+$0x330] =	vst v2  }
0x19a: {  	v2 =	vld [tilespmem:s31+$0x1A0];
	_ =	sdelay $0x4  }
0x19b: {  	v62 =	vshll.u32 v2, $0x10  }
0x19c: {  	v2 =	vand.u32 $0xFFFF0000, v2;
	v4 =	vmul.f32 v62, v3  }
0x19d: {  	v2 =	vmul.f32 v2, v3  }
0x19e: {  	[tilespmem:s1+$0x340] =	vst v4  }
0x19f: {  	[tilespmem:s1+$0x350] =	vst v2  }
0x1a0: {  	v2 =	vld [tilespmem:s31+$0x1B0];
	_ =	sdelay $0x4  }
0x1a1: {  	v63 =	vshll.u32 v2, $0x10  }
0x1a2: {  	v2 =	vand.u32 $0xFFFF0000, v2;
	v4 =	vmul.f32 v63, v3  }
0x1a3: {  	v2 =	vmul.f32 v2, v3  }
0x1a4: {  	[tilespmem:s1+$0x360] =	vst v4  }
0x1a5: {  	[tilespmem:s1+$0x370] =	vst v2  }
0x1a6: {  	v2 =	vld [tilespmem:s31+$0x1C0];
	_ =	sdelay $0x3  }
0x1a7: {  	v1 =	vbroadcast v1, $0xF  }
0x1a8: {  	v3 =	vshll.u32 v2, $0x10  }
0x1a9: {  	v2 =	vand.u32 $0xFFFF0000, v2;
	v3 =	vmul.f32 v3, v1  }
0x1aa: {  	v2 =	vmul.f32 v2, v1  }
0x1ab: {  	[tilespmem:s1+$0x380] =	vst v3  }
0x1ac: {  	[tilespmem:s1+$0x390] =	vst v2  }
0x1ad: {  	v2 =	vld [tilespmem:s31+$0x1D0];
	_ =	sdelay $0x4  }
0x1ae: {  	v3 =	vshll.u32 v2, $0x10  }
0x1af: {  	v2 =	vand.u32 $0xFFFF0000, v2;
	v3 =	vmul.f32 v3, v1  }
0x1b0: {  	v2 =	vmul.f32 v2, v1  }
0x1b1: {  	[tilespmem:s1+$0x3A0] =	vst v3  }
0x1b2: {  	[tilespmem:s1+$0x3B0] =	vst v2  }
0x1b3: {  	v2 =	vld [tilespmem:s31+$0x1E0];
	_ =	sdelay $0x4  }
0x1b4: {  	v3 =	vshll.u32 v2, $0x10  }
0x1b5: {  	v2 =	vand.u32 $0xFFFF0000, v2;
	v3 =	vmul.f32 v3, v1  }
0x1b6: {  	v2 =	vmul.f32 v2, v1  }
0x1b7: {  	[tilespmem:s1+$0x3C0] =	vst v3  }
0x1b8: {  	[tilespmem:s1+$0x3D0] =	vst v2  }
0x1b9: {  	v2 =	vld [tilespmem:s31+$0x1F0];
	_ =	sdelay $0x3  }
0x1ba: {  	p1 =	sne.s32 s30, $0x100  }
.Ltmp0:
0x1bb: {  	v3 =	vshll.u32 v2, $0x10;
	(pc) =	sbr.rel @p1 .LBB2_3-.Ltmp0, $4  }
0x1bc: {  	v2 =	vand.u32 $0xFFFF0000, v2;
	v3 =	vmul.f32 v3, v1  }
0x1bd: {  	v1 =	vmul.f32 v2, v1  }
0x1be: {  	[tilespmem:s1+$0x3E0] =	vst v3  }
0x1bf: {  	s30 =	sadd.s32 $0x40, s30;
	s31 =	sadd.s32 $0x400, s31;
	[tilespmem:s1+$0x3F0] =	vst v1;
	s1 =	sadd.s32 $0x800, s1  }
0x1c0: {  	_ =	swait.ge [sflag:s23], $0x50;
	p1 =	seq.s32 s29, $0x7C  }
0x1c1: {  	[sflag:s23] =	ssyncset.done $0x0;
	s29 =	sadd.s32 @!p1 $0x1, s29  }
0x1c2: {  	[sflag:s23] =	ssyncadd.s32 $0xFFFFFFB0;
	p2 =	sne.s32 @!p1 s29, $0x7D  }
0x1c3: {  	[spmem:s2] =	stream.indirect.scatter.add.f32 [tilespmem:s24], [sflag:$0x2], $0x80, s19, s20, $0xb8;
	[tilespmem:$0x1C2F0] =	vst v63  }
0x1c4: {  	s0 =	smul.u32 @!p1 $0x50, s29;
	p2 =	por p1, !p2  }
.Ltmp1:
0x1c5: {  	_ = 	snop;
	(pc) =	sbr.rel @!p2 .LBB2_2-.Ltmp1, $4  }
0x1c6: {  	s1 =	simm.s32 @!p1 $0x0;
	_ =	swait.ge [sflag:s25], $0x2800;
	s0 =	sadd.s32 @!p1 s3, s0  }
0x1c7: {  	s30 =	simm.s32 @!p1 $0x4E20;
	[sflag:s25] =	ssyncset.done $0x0;
	s0 =	sshrl.u32 @!p1 s0, $0x3  }
0x1c8: {  	s28 =	sadd.s32 @!p1 $0x50, s28;
	[sflag:s25] =	ssyncadd.s32 $0xFFFFD800;
	s0 =	sadd.s32 @!p1 s5, s0  }
0x1c9: {  	[tilespmem:s30], [sflag:$0x3] =	stream.linear.gather @!p1 [hbm4b:s0+s1], $0x50, $0x38;
	[tilespmem:$0x1C2F0] =	vst v63  }
0x1ca: {  	[bflag:$0x0] =	sbarrier.arrive $0xFFFF;
	s0 =	simm.s32 @p0 $0x1FC4  }
0x1cb: {  	[hbm:s13], [sflag:s0] =	dma.local @p0 [spmem:s15], $0x2800  }
0x1cc: {  	s0 =	simm.s32 @p0 $0x4  }
0x1cd: {  	s26 =	sadd.s32 $0x1, s26;
	_ =	swait.ge @p0 [sflag:s0], $0x2800  }
0x1ce: {  	p1 =	sne.s32 s26, s14;
	[sflag:s0] =	ssyncset.done @p0 $0x0  }
.Ltmp2:
0x1cf: {  	[sflag:s0] =	ssyncadd.s32 @p0 $0xFFFFD800;
	s0 =	simm.s32 @!p0 $0x4;
	(pc) =	sbr.rel @p1 .LBB2_1-.Ltmp2, $4  }
0x1d0: {  	[hbm:s12], [sflag:s16] =	dma.local @!p0 [spmem:s17], $0x2700  }
0x1d1: {  	_ =	swait.ge @!p0 [sflag:s0], $0x2700  }
0x1d2: {  	[sflag:s0] =	ssyncset.done @!p0 $0x0  }
0x1d3: {  	[sflag:s0] =	ssyncadd.s32 @!p0 $0xFFFFD900  }
0x1d4: {  	_ =	sfence.sel $0x180000  }
0x1d5: {  	[bflag:$0x0] =	sbarrier.arrive $0xFFFF  }
0x1d6: {  	_ =	strace $0x90000047  }
0x1d7: {  	s0 =	stileid.u32;
	[bflag:$0x2] =	sbarrier.arrive $0xFFFF  }
0x1d8: {  	p0 =	sne.s32 s0, $0x0;
	s0 =	rddreg [dreg:$0x4]  }
0x1d9: {  	s0 =	sadd.s32 @!p0 $0x100000, s0  }
0x1da: {  	[sflag:s0] =	ssyncadd.tile.s32 @!p0 $0x1;
	_ =	shalt  }
.Lfunc_end2:
_tile_overlayer_lowered:
.L_overlay_start_2:
0x1db: {  	(tag) =	ssettag $0x2  }
0x1dc: {  	s0 =	rddreg [dreg:$0x0];
	s2 =	stileid.u32  }
0x1dd: {  	s1 =	rddreg [dreg:$0x1];
	p0 =	sne.s32 s2, $0x0  }
0x1de: {  	s3 =	rddreg [dreg:$0x2];
	[bflag:$0x3] =	sbarrier.arrive $0xFFFF;
	s2 =	simm.s32 @!p0 $0x1C04  }
0x1df: {  	[timem:s3], [sflag:s2] =	dma.local @!p0 [hbm:s0], s1  }
0x1e0: {  	s0 =	simm.s32 @!p0 $0x4  }
0x1e1: {  	_ =	swait.ge @!p0 [sflag:s0], s1  }
0x1e2: {  	s1 =	ssub.s32 @!p0 $0x0, s1;
	[sflag:s0] =	ssyncset.done @!p0 $0x0  }
0x1e3: {  	[sflag:s0] =	ssyncadd.s32 @!p0 s1  }
0x1e4: {  	[bflag:$0x3] =	sbarrier.arrive $0xFFFF  }
0x1e5: {  	_ =	shalt  }

</sc_bundles>
